<compile_context>
chip_gen: v7x
topology: tpu7x:2x2x1
jax: 0.10.2.dev20260603
libtpu: 0.0.44.dev20260713+nightly
codegen_flags: <defaults>
</compile_context>

<pallas_src>
import functools

import jax
import jax.numpy as jnp
import numpy as np
from jax.experimental import pallas as pl
from jax.experimental.pallas import tpu as pltpu
from jax.experimental.pallas import tpu_sc as plsc

N = 4096
K = 32
R2_1 = np.float32(0.2 * 0.2)
R2_2 = np.float32(0.4 * 0.4)
R2_3 = np.float32(0.6 * 0.6)



def _knn_body(pos_ref, posx_ref, posy_ref, idx_ref, d2k_ref):
    i = pl.program_id(0)
    B = pos_ref.shape[0]
    px_b = pos_ref[:, 0:1]
    py_b = pos_ref[:, 1:2]
    dx = px_b - posx_ref[...]
    dy = py_b - posy_ref[...]
    d2 = dx * dx + dy * dy
    rows = i * B + jax.lax.broadcasted_iota(jnp.int32, (B, 1), 0)
    colsb = jax.lax.broadcasted_iota(jnp.int32, (B, N), 1)
    d2 = jnp.where(rows == colsb, d2 + 1e12, d2)
    kio = jax.lax.broadcasted_iota(jnp.int32, (1, K), 1)

    def step(k, carry):
        d2c, mv, idxa, d2a = carry
        eq = d2c == mv
        idxv = jnp.min(jnp.where(eq, colsb, N), axis=1, keepdims=True)
        sel = colsb == idxv
        lane = kio == k
        idxa = jnp.where(lane, idxv, idxa)
        d2a = jnp.where(lane, mv, d2a)
        d2c = jnp.where(sel, 3e38, d2c)
        mv = jnp.min(d2c, axis=1, keepdims=True)
        return d2c, mv, idxa, d2a

    init = (d2,
            jnp.min(d2, axis=1, keepdims=True),
            jnp.zeros((B, K), jnp.int32),
            jnp.zeros((B, K), jnp.float32))
    _, _, idxa, d2a = jax.lax.fori_loop(0, K, step, init)
    idx_ref[...] = idxa
    d2k_ref[...] = d2a


def _knn(pos):
    B = 256
    posx = pos[:, 0].reshape(1, N)
    posy = pos[:, 1].reshape(1, N)
    out_bs = pl.BlockSpec((B, K), lambda i: (i, 0))
    return pl.pallas_call(
        _knn_body,
        grid=(N // B,),
        in_specs=[pl.BlockSpec((B, 2), lambda i: (i, 0)),
                  pl.BlockSpec((1, N), lambda i: (0, 0)),
                  pl.BlockSpec((1, N), lambda i: (0, 0))],
        out_specs=[out_bs, out_bs],
        out_shape=[jax.ShapeDtypeStruct((N, K), jnp.int32),
                   jax.ShapeDtypeStruct((N, K), jnp.float32)],
    )(pos, posx, posy)



def _sc_gather(table, idx_flat):
    F = table.shape[1]
    E = idx_flat.shape[0]
    NW = 32
    BPW = E // NW
    C = 128
    NCH = BPW // C
    mesh = plsc.VectorSubcoreMesh(core_axis_name="c", subcore_axis_name="s",
                                  num_cores=2, num_subcores=16)

    @functools.partial(
        pl.kernel,
        out_type=jax.ShapeDtypeStruct((E, F), jnp.float32),
        mesh=mesh,
        compiler_params=pltpu.CompilerParams(use_tc_tiling_on_sc=False),
        scratch_types=[pltpu.VMEM((C,), jnp.int32),
                       pltpu.VMEM((C, F), jnp.float32),
                       pltpu.SemaphoreType.DMA],
    )
    def gk(table_hbm, idx_hbm, out_hbm, idx_v, rows_v, sem):
        wid = jax.lax.axis_index("s") * 2 + jax.lax.axis_index("c")
        base = wid * BPW

        def chunk(j, carry):
            off = base + j * C
            pltpu.sync_copy(idx_hbm.at[pl.ds(off, C)], idx_v)
            pltpu.async_copy(table_hbm.at[idx_v], rows_v, sem).wait()
            pltpu.sync_copy(rows_v, out_hbm.at[pl.ds(off, C)])
            return carry

        jax.lax.fori_loop(0, NCH, chunk, 0)

    return gk(table, idx_flat)


def _sc_gather_pos(pos, idx_flat):
    E = idx_flat.shape[0]
    NW = 32
    BPW = E // NW
    C = 128
    NCH = BPW // C
    mesh = plsc.VectorSubcoreMesh(core_axis_name="c", subcore_axis_name="s",
                                  num_cores=2, num_subcores=16)

    @functools.partial(
        pl.kernel,
        out_type=[jax.ShapeDtypeStruct((E,), jnp.float32),
                  jax.ShapeDtypeStruct((E,), jnp.float32)],
        mesh=mesh,
        compiler_params=pltpu.CompilerParams(use_tc_tiling_on_sc=False),
        scratch_types=[pltpu.VMEM((C,), jnp.int32),
                       pltpu.VMEM((C,), jnp.float32),
                       pltpu.VMEM((C,), jnp.float32),
                       pltpu.SemaphoreType.DMA,
                       pltpu.SemaphoreType.DMA],
    )
    def gk(px_hbm, py_hbm, idx_hbm, ox_hbm, oy_hbm, idx_v, rx_v, ry_v,
           semx, semy):
        wid = jax.lax.axis_index("s") * 2 + jax.lax.axis_index("c")
        base = wid * BPW

        def chunk(j, carry):
            off = base + j * C
            pltpu.sync_copy(idx_hbm.at[pl.ds(off, C)], idx_v)
            cx = pltpu.async_copy(px_hbm.at[idx_v], rx_v, semx)
            cy = pltpu.async_copy(py_hbm.at[idx_v], ry_v, semy)
            cx.wait()
            cy.wait()
            pltpu.sync_copy(rx_v, ox_hbm.at[pl.ds(off, C)])
            pltpu.sync_copy(ry_v, oy_hbm.at[pl.ds(off, C)])
            return carry

        jax.lax.fori_loop(0, NCH, chunk, 0)

    gx, gy = gk(pos[:, 0], pos[:, 1], idx_flat)
    return gx.reshape(N, K), gy.reshape(N, K)



def _conv1_body(pos_ref, gpx_ref, gpy_ref, d2k_ref, w1_ref, b1_ref, w2_ref,
                b2_ref, out_ref):
    B = gpx_ref.shape[0]
    H = w1_ref.shape[1]
    O = w2_ref.shape[1]
    w1 = w1_ref[...]
    relx = gpx_ref[...] - pos_ref[:, 0:1]
    rely = gpy_ref[...] - pos_ref[:, 1:2]
    pre = (relx[:, :, None] * w1[0:1, :][None]
           + rely[:, :, None] * w1[1:2, :][None]
           + b1_ref[...][None])
    h = jnp.maximum(pre, 0.0).reshape(B * K, H)
    hw = jnp.dot(h, w2_ref[...], preferred_element_type=jnp.float32)
    hw = (hw + b2_ref[...]).reshape(B, K, O)
    d2k3 = d2k_ref[...][:, :, None]
    mx = jnp.max(jnp.where(d2k3 <= R2_1, hw, -1e30), axis=1)
    anyv = jnp.min(d2k_ref[...], axis=1, keepdims=True) <= R2_1
    out_ref[...] = jnp.where(anyv, jnp.maximum(mx, 0.0), 0.0)


def _conv1(pos, gpx, gpy, d2k, w1, b1, w2, b2):
    B = 256
    H, O = w1.shape[1], w2.shape[1]
    ebs = pl.BlockSpec((B, K), lambda i: (i, 0))
    full = lambda s: pl.BlockSpec(s, lambda i: (0,) * len(s))
    return pl.pallas_call(
        _conv1_body,
        grid=(N // B,),
        in_specs=[pl.BlockSpec((B, 2), lambda i: (i, 0)), ebs, ebs, ebs,
                  full((2, H)), full((1, H)), full((H, O)), full((1, O))],
        out_specs=pl.BlockSpec((B, O), lambda i: (i, 0)),
        out_shape=jax.ShapeDtypeStruct((N, O), jnp.float32),
    )(pos, gpx, gpy, d2k, w1, b1.reshape(1, H), w2, b2.reshape(1, O))


def _convn_body(g_ref, pos_ref, gpx_ref, gpy_ref, d2k_ref, w1_ref, b1_ref,
                w2_ref, b2_ref, out_ref, *, r2, pool):
    B = gpx_ref.shape[0]
    F = g_ref.shape[1]
    H = w1_ref.shape[1]
    O = w2_ref.shape[1]
    w1x = w1_ref[0:F, :]
    w1p = w1_ref[F:F + 2, :]
    relx = gpx_ref[...] - pos_ref[:, 0:1]
    rely = gpy_ref[...] - pos_ref[:, 1:2]
    gw = jnp.dot(g_ref[...], w1x, preferred_element_type=jnp.float32)
    pre = (gw.reshape(B, K, H)
           + relx[:, :, None] * w1p[0:1, :][None]
           + rely[:, :, None] * w1p[1:2, :][None]
           + b1_ref[...][None])
    h = jnp.maximum(pre, 0.0).reshape(B * K, H)
    hw = jnp.dot(h, w2_ref[...], preferred_element_type=jnp.float32)
    hw = (hw + b2_ref[...]).reshape(B, K, O)
    d2k3 = d2k_ref[...][:, :, None]
    mx = jnp.max(jnp.where(d2k3 <= r2, hw, -1e30), axis=1)
    anyv = jnp.min(d2k_ref[...], axis=1, keepdims=True) <= r2
    x = jnp.where(anyv, jnp.maximum(mx, 0.0), 0.0)
    if pool:
        @pl.when(pl.program_id(0) == 0)
        def _():
            out_ref[...] = jnp.zeros_like(out_ref)
        out_ref[...] += jnp.sum(x, axis=0, keepdims=True)
    else:
        out_ref[...] = x


def _convn(g, pos, gpx, gpy, d2k, w1, b1, w2, b2, r2, pool, B):
    F = g.shape[1]
    H, O = w1.shape[1], w2.shape[1]
    ebs = pl.BlockSpec((B, K), lambda i: (i, 0))
    full = lambda s: pl.BlockSpec(s, lambda i: (0,) * len(s))
    if pool:
        out_spec = pl.BlockSpec((1, O), lambda i: (0, 0))
        out_shape = jax.ShapeDtypeStruct((1, O), jnp.float32)
    else:
        out_spec = pl.BlockSpec((B, O), lambda i: (i, 0))
        out_shape = jax.ShapeDtypeStruct((N, O), jnp.float32)
    return pl.pallas_call(
        functools.partial(_convn_body, r2=r2, pool=pool),
        grid=(N // B,),
        in_specs=[pl.BlockSpec((B * K, F), lambda i: (i, 0)),
                  pl.BlockSpec((B, 2), lambda i: (i, 0)), ebs, ebs, ebs,
                  full((F + 2, H)), full((1, H)), full((H, O)), full((1, O))],
        out_specs=out_spec,
        out_shape=out_shape,
    )(g, pos, gpx, gpy, d2k, w1, b1.reshape(1, H), w2, b2.reshape(1, O))



def _head_body(so_ref, sm_ref, c_ref, l3w_ref, l3b_ref, l6w_ref, l6b_ref,
               l4w_ref, l4b_ref, l5w_ref, l5b_ref, o1_ref, o2_ref):
    inv_n = np.float32(1.0 / N)
    po = jnp.maximum(jnp.dot(so_ref[...] * inv_n, l3w_ref[...],
                             preferred_element_type=jnp.float32)
                     + l3b_ref[...], 0.0)
    pm = jnp.maximum(jnp.dot(sm_ref[...] * inv_n, l3w_ref[...],
                             preferred_element_type=jnp.float32)
                     + l3b_ref[...], 0.0)
    l6w = l6w_ref[...]
    x = jnp.maximum(jnp.dot(po, l6w[0:128, :], preferred_element_type=jnp.float32)
                    + jnp.dot(pm, l6w[128:256, :], preferred_element_type=jnp.float32)
                    + l6b_ref[...], 0.0)
    x = jnp.maximum(jnp.dot(x, l4w_ref[...], preferred_element_type=jnp.float32)
                    + l4b_ref[...], 0.0)
    gen = jnp.dot(x, l5w_ref[...], preferred_element_type=jnp.float32) + l5b_ref[...]
    o1_ref[...] = gen + c_ref[...]
    o2_ref[...] = gen


def _head(so, sm, c, l3w, l3b, l6w, l6b, l4w, l4b, l5w, l5b):
    full = lambda a: pl.BlockSpec(a.shape, lambda: (0,) * a.ndim)
    args = (so, sm, c, l3w, l3b.reshape(1, -1), l6w, l6b.reshape(1, -1),
            l4w, l4b.reshape(1, -1), l5w, l5b.reshape(1, -1))
    return pl.pallas_call(
        _head_body,
        in_specs=[full(a) for a in args],
        out_specs=[pl.BlockSpec((1, 2), lambda: (0, 0))] * 2,
        out_shape=[jax.ShapeDtypeStruct((1, 2), jnp.float32)] * 2,
    )(*args)



def kernel(o, m, c, edge_index_o, edge_index_m, edge_index_c,
           c1w1, c1b1, c1w2, c1b2, c2w1, c2b1, c2w2, c2b2,
           c3w1, c3b1, c3w2, c3b2, l3w, l3b, l6w, l6b, l4w, l4b, l5w, l5b):
    pos = {"o": o, "m": m}
    knn = {p: _knn(pos[p]) for p in ("o", "m")}
    idxf = {p: knn[p][0].reshape(N * K) for p in ("o", "m")}
    gpos = {p: _sc_gather_pos(pos[p], idxf[p]) for p in ("o", "m")}
    x1 = {p: _conv1(pos[p], *gpos[p], knn[p][1], c1w1, c1b1, c1w2, c1b2)
          for p in ("o", "m")}
    g2 = {p: _sc_gather(x1[p], idxf[p]) for p in ("o", "m")}
    x2 = {p: _convn(g2[p], pos[p], *gpos[p], knn[p][1], c2w1, c2b1, c2w2,
                    c2b2, R2_2, pool=False, B=128) for p in ("o", "m")}
    g3 = {p: _sc_gather(x2[p], idxf[p]) for p in ("o", "m")}
    s3 = {p: _convn(g3[p], pos[p], *gpos[p], knn[p][1], c3w1, c3b1, c3w2,
                    c3b2, R2_3, pool=True, B=64) for p in ("o", "m")}
    out1, out2 = _head(s3["o"], s3["m"], c, l3w, l3b, l6w, l6b, l4w, l4b,
                       l5w, l5b)
    return (out1, out2)

# --- scband reference (transcript-rebuilt; emitter-appended) ---
"""Pipeline reference for scband-graph-generator-point-net-68101001445995 (READ-ONLY COPY).

The authoritative reference and input builder live on the scoring server;
editing this copy changes nothing except your own understanding.
"""

import jax, jax.numpy as jnp
import numpy as np

N = 4096
E = 65536
K = 32  # torch_geometric radius_graph default max_num_neighbors


def _lin(key, fi, fo):
    w = jax.random.normal(key, (fi, fo), dtype=jnp.float32) * np.sqrt(2.0 / fi)
    b = jnp.zeros((fo,), dtype=jnp.float32)
    return w, b


def setup_inputs() -> dict:
    ks = jax.random.split(jax.random.key(0), 16)
    o = jax.random.uniform(ks[0], (N, 2), dtype=jnp.float32)
    m = jax.random.uniform(ks[1], (N, 2), dtype=jnp.float32)
    c = jax.random.normal(ks[2], (1, 2), dtype=jnp.float32)
    edge_index_o = jax.random.randint(ks[3], (2, E), 0, N)
    edge_index_m = jax.random.randint(ks[4], (2, E), 0, N)
    edge_index_c = jax.random.randint(ks[5], (2, E), 0, N)
    c1w1, c1b1 = _lin(ks[6], 2, 64)
    c1w2, c1b2 = _lin(ks[7], 64, 64)
    c2w1, c2b1 = _lin(ks[8], 66, 128)
    c2w2, c2b2 = _lin(ks[9], 128, 128)
    c3w1, c3b1 = _lin(ks[10], 130, 256)
    c3w2, c3b2 = _lin(ks[11], 256, 256)
    l3w, l3b = _lin(ks[12], 256, 128)
    l6w, l6b = _lin(ks[13], 256, 128)
    l4w, l4b = _lin(ks[14], 128, 64)
    l5w, l5b = _lin(ks[15], 64, 2)
    return {"o": o, "m": m, "c": c,
            "edge_index_o": edge_index_o, "edge_index_m": edge_index_m, "edge_index_c": edge_index_c,
            "c1w1": c1w1, "c1b1": c1b1, "c1w2": c1w2, "c1b2": c1b2,
            "c2w1": c2w1, "c2b1": c2b1, "c2w2": c2w2, "c2b2": c2b2,
            "c3w1": c3w1, "c3b1": c3b1, "c3w2": c3w2, "c3b2": c3b2,
            "l3w": l3w, "l3b": l3b, "l6w": l6w, "l6b": l6b,
            "l4w": l4w, "l4b": l4b, "l5w": l5w, "l5b": l5b}


def _radius_knn(pos, r):
    # radius_graph with max_num_neighbors=K: keep the K nearest neighbors within radius r
    d2 = jnp.sum((pos[:, None, :] - pos[None, :, :]) ** 2, axis=-1)
    d2 = jax.lax.stop_gradient(d2)  # graph structure is non-differentiable
    d2 = d2 + jnp.eye(pos.shape[0], dtype=d2.dtype) * 1e12  # no self loops
    neg, idx = jax.lax.top_k(-d2, K)
    valid = (-neg) <= r * r
    return idx, valid


def _point_conv(x, pos, idx, valid, w1, b1, w2, b2):
    # PointConv: out_i = max_j local_nn([x_j, pos_j - pos_i]) over neighbors j
    rel = pos[idx] - pos[:, None, :]
    msg = rel if x is None else jnp.concatenate([x[idx], rel], axis=-1)
    h = jnp.maximum(msg @ w1 + b1, 0.0) @ w2 + b2
    h = jnp.where(valid[:, :, None], h, -1e30)
    out = jnp.max(h, axis=1)
    return jnp.where(jnp.any(valid, axis=1)[:, None], out, 0.0)


def reference(o, m, c, edge_index_o, edge_index_m, edge_index_c,
              c1w1, c1b1, c1w2, c1b2, c2w1, c2b1, c2w2, c2b2,
              c3w1, c3b1, c3w2, c3b2, l3w, l3b, l6w, l6b, l4w, l4b, l5w, l5b):
    # edge_index_* are accepted but unused: the torch forward rebuilds radius graphs.
    def prior(pos):
        idx, v = _radius_knn(pos, 0.2)
        x = jax.nn.relu(_point_conv(None, pos, idx, v, c1w1, c1b1, c1w2, c1b2))
        idx, v = _radius_knn(pos, 0.4)
        x = jax.nn.relu(_point_conv(x, pos, idx, v, c2w1, c2b1, c2w2, c2b2))
        idx, v = _radius_knn(pos, 0.6)
        x = jax.nn.relu(_point_conv(x, pos, idx, v, c3w1, c3b1, c3w2, c3b2))
        x = jnp.mean(x, axis=0, keepdims=True)  # global_mean_pool, single graph
        return jax.nn.relu(x @ l3w + l3b)

    pf = jnp.concatenate([prior(o), prior(m)], axis=1)
    x = jax.nn.relu(pf @ l6w + l6b)
    x = jax.nn.relu(x @ l4w + l4b)
    gen = x @ l5w + l5b
    return (gen + c, gen)

if __name__ == "__main__":
    import jax
    _d = setup_inputs()
    print(jax.jit(kernel)(*tuple(_d.values())))

</pallas_src>

<mosaic_0001>
#map = affine_map<(d0, d1) -> (0)>
module attributes {stable_mosaic.version = 14 : i64} {
  func.func @gk(%arg0: i32, %arg1: i32, %arg2: memref<4096xf32, #tpu.memory_space<hbm>>, %arg3: memref<4096xf32, #tpu.memory_space<hbm>>, %arg4: memref<131072xi32, #tpu.memory_space<hbm>>, %arg5: memref<131072xf32, #tpu.memory_space<hbm>>, %arg6: memref<131072xf32, #tpu.memory_space<hbm>>, %arg7: memref<128xi32, #tpu.memory_space<vmem>>, %arg8: memref<128xf32, #tpu.memory_space<vmem>>, %arg9: memref<128xf32, #tpu.memory_space<vmem>>, %arg10: memref<!tpu.dma_semaphore, #tpu.memory_space<semaphore_mem>>, %arg11: memref<!tpu.dma_semaphore, #tpu.memory_space<semaphore_mem>>) attributes {dimension_semantics = [#tpu.dimension_semantics<core_parallel>, #tpu.dimension_semantics<subcore_parallel>], iteration_bounds = array<i64: 2, 16>, scalar_prefetch = 0 : i64, scratch_operands = 5 : i64, tpu.core_type = #tpu.core_type<sc_vector_subcore>, window_params = [{transform_indices = #map}, {transform_indices = #map}, {transform_indices = #map}, {transform_indices = #map}, {transform_indices = #map}]} {
    %mul3A = arith.constant 2 : i32
    %mul3A_0 = arith.muli %arg1, %mul3A : i32
    %add3A = arith.addi %mul3A_0, %arg0 : i32
    %mul3A_1 = arith.constant 4096 : i32
    %mul3A_2 = arith.muli %add3A, %mul3A_1 : i32
    %scan3A = arith.constant 0 : i32
    %scan3A_3 = arith.constant 0 : i32
    %scan3A_4 = arith.constant 32 : i32
    %scan3A_5 = arith.addi %scan3A_3, %scan3A_4 : i32
    %scan3A_6 = arith.constant 1 : i32
    scf.for %scan3A_8 = %scan3A_3 to %scan3A_5 step %scan3A_6  : i32 {
      %mul3A_9 = arith.constant 128 : i32
      %mul3A_10 = arith.muli %scan3A_8, %mul3A_9 : i32
      %add3A_11 = arith.addi %mul3A_2, %mul3A_10 : i32
      "tpu.region"() ({
        %run_scoped3A = tpu.sem_alloc : memref<!tpu.dma_semaphore, #tpu.memory_space<semaphore_mem>>
        %dma_start3A_18 = tpu.memref_slice %arg4[%add3A_11] : memref<131072xi32, #tpu.memory_space<hbm>> -> memref<128xi32, #tpu.memory_space<hbm>>
        %dma_start3A_19 = tpu.memref_slice %arg4[%add3A_11] : memref<131072xi32, #tpu.memory_space<hbm>> -> memref<128xi32, #tpu.memory_space<hbm>>
        tpu.enqueue_dma source(%dma_start3A_19 : memref<128xi32, #tpu.memory_space<hbm>>) target(%arg7 : memref<128xi32, #tpu.memory_space<vmem>>) target_semaphore(%run_scoped3A : memref<!tpu.dma_semaphore, #tpu.memory_space<semaphore_mem>>)
        %dma_wait3A_20 = tpu.memref_slice %arg4[%add3A_11] : memref<131072xi32, #tpu.memory_space<hbm>> -> memref<128xi32, #tpu.memory_space<hbm>>
        %dma_wait3A_21 = tpu.memref_slice %arg4[%add3A_11] : memref<131072xi32, #tpu.memory_space<hbm>> -> memref<128xi32, #tpu.memory_space<hbm>>
        tpu.wait_dma2 semaphore(%run_scoped3A : memref<!tpu.dma_semaphore, #tpu.memory_space<semaphore_mem>>) src(%dma_wait3A_21 : memref<128xi32, #tpu.memory_space<hbm>>) dst(%arg7 : memref<128xi32, #tpu.memory_space<vmem>>)
        tpu.yield
      }) : () -> ()
      %dma_start3A = arith.constant 0 : i32
      %dma_start3A_12 = tpu.memref_slice %arg2[%dma_start3A] : memref<4096xf32, #tpu.memory_space<hbm>> -> memref<4096xf32, #tpu.memory_space<hbm>>
      tpu.enqueue_indirect_dma source(%dma_start3A_12 : memref<4096xf32, #tpu.memory_space<hbm>>) target(%arg8 : memref<128xf32, #tpu.memory_space<vmem>>) offsets(%arg7 : memref<128xi32, #tpu.memory_space<vmem>>) semaphore(%arg10 : memref<!tpu.dma_semaphore, #tpu.memory_space<semaphore_mem>>)
      %dma_start3A_13 = arith.constant 0 : i32
      %dma_start3A_14 = tpu.memref_slice %arg3[%dma_start3A_13] : memref<4096xf32, #tpu.memory_space<hbm>> -> memref<4096xf32, #tpu.memory_space<hbm>>
      tpu.enqueue_indirect_dma source(%dma_start3A_14 : memref<4096xf32, #tpu.memory_space<hbm>>) target(%arg9 : memref<128xf32, #tpu.memory_space<vmem>>) offsets(%arg7 : memref<128xi32, #tpu.memory_space<vmem>>) semaphore(%arg11 : memref<!tpu.dma_semaphore, #tpu.memory_space<semaphore_mem>>)
      %dma_wait3A = arith.constant 0 : i32
      %dma_wait3A_15 = tpu.memref_slice %arg2[%dma_wait3A] : memref<4096xf32, #tpu.memory_space<hbm>> -> memref<4096xf32, #tpu.memory_space<hbm>>
      tpu.wait_indirect_dma semaphore(%arg10 : memref<!tpu.dma_semaphore, #tpu.memory_space<semaphore_mem>>) src(%dma_wait3A_15 : memref<4096xf32, #tpu.memory_space<hbm>>) dst(%arg8 : memref<128xf32, #tpu.memory_space<vmem>>)
      %dma_wait3A_16 = arith.constant 0 : i32
      %dma_wait3A_17 = tpu.memref_slice %arg3[%dma_wait3A_16] : memref<4096xf32, #tpu.memory_space<hbm>> -> memref<4096xf32, #tpu.memory_space<hbm>>
      tpu.wait_indirect_dma semaphore(%arg11 : memref<!tpu.dma_semaphore, #tpu.memory_space<semaphore_mem>>) src(%dma_wait3A_17 : memref<4096xf32, #tpu.memory_space<hbm>>) dst(%arg9 : memref<128xf32, #tpu.memory_space<vmem>>)
      "tpu.region"() ({
        %run_scoped3A = tpu.sem_alloc : memref<!tpu.dma_semaphore, #tpu.memory_space<semaphore_mem>>
        %dma_start3A_18 = tpu.memref_slice %arg5[%add3A_11] : memref<131072xf32, #tpu.memory_space<hbm>> -> memref<128xf32, #tpu.memory_space<hbm>>
        %dma_start3A_19 = tpu.memref_slice %arg5[%add3A_11] : memref<131072xf32, #tpu.memory_space<hbm>> -> memref<128xf32, #tpu.memory_space<hbm>>
        tpu.enqueue_dma source(%arg8 : memref<128xf32, #tpu.memory_space<vmem>>) target(%dma_start3A_19 : memref<128xf32, #tpu.memory_space<hbm>>) target_semaphore(%run_scoped3A : memref<!tpu.dma_semaphore, #tpu.memory_space<semaphore_mem>>)
        %dma_wait3A_20 = tpu.memref_slice %arg5[%add3A_11] : memref<131072xf32, #tpu.memory_space<hbm>> -> memref<128xf32, #tpu.memory_space<hbm>>
        %dma_wait3A_21 = tpu.memref_slice %arg5[%add3A_11] : memref<131072xf32, #tpu.memory_space<hbm>> -> memref<128xf32, #tpu.memory_space<hbm>>
        tpu.wait_dma2 semaphore(%run_scoped3A : memref<!tpu.dma_semaphore, #tpu.memory_space<semaphore_mem>>) src(%arg8 : memref<128xf32, #tpu.memory_space<vmem>>) dst(%dma_wait3A_21 : memref<128xf32, #tpu.memory_space<hbm>>)
        tpu.yield
      }) : () -> ()
      "tpu.region"() ({
        %run_scoped3A = tpu.sem_alloc : memref<!tpu.dma_semaphore, #tpu.memory_space<semaphore_mem>>
        %dma_start3A_18 = tpu.memref_slice %arg6[%add3A_11] : memref<131072xf32, #tpu.memory_space<hbm>> -> memref<128xf32, #tpu.memory_space<hbm>>
        %dma_start3A_19 = tpu.memref_slice %arg6[%add3A_11] : memref<131072xf32, #tpu.memory_space<hbm>> -> memref<128xf32, #tpu.memory_space<hbm>>
        tpu.enqueue_dma source(%arg9 : memref<128xf32, #tpu.memory_space<vmem>>) target(%dma_start3A_19 : memref<128xf32, #tpu.memory_space<hbm>>) target_semaphore(%run_scoped3A : memref<!tpu.dma_semaphore, #tpu.memory_space<semaphore_mem>>)
        %dma_wait3A_20 = tpu.memref_slice %arg6[%add3A_11] : memref<131072xf32, #tpu.memory_space<hbm>> -> memref<128xf32, #tpu.memory_space<hbm>>
        %dma_wait3A_21 = tpu.memref_slice %arg6[%add3A_11] : memref<131072xf32, #tpu.memory_space<hbm>> -> memref<128xf32, #tpu.memory_space<hbm>>
        tpu.wait_dma2 semaphore(%run_scoped3A : memref<!tpu.dma_semaphore, #tpu.memory_space<semaphore_mem>>) src(%arg9 : memref<128xf32, #tpu.memory_space<vmem>>) dst(%dma_wait3A_21 : memref<128xf32, #tpu.memory_space<hbm>>)
        tpu.yield
      }) : () -> ()
    }
    %scan3A_7 = arith.constant 32 : i32
    return
  }
}

#map = affine_map<(d0, d1) -> (0)>
module attributes {stable_mosaic.version = 14 : i64} {
  func.func @gk(%arg0: i32, %arg1: i32, %arg2: memref<4096xf32, #tpu.memory_space<hbm>>, %arg3: memref<4096xf32, #tpu.memory_space<hbm>>, %arg4: memref<131072xi32, #tpu.memory_space<hbm>>, %arg5: memref<131072xf32, #tpu.memory_space<hbm>>, %arg6: memref<131072xf32, #tpu.memory_space<hbm>>, %arg7: memref<128xi32, #tpu.memory_space<vmem>>, %arg8: memref<128xf32, #tpu.memory_space<vmem>>, %arg9: memref<128xf32, #tpu.memory_space<vmem>>, %arg10: memref<!tpu.dma_semaphore, #tpu.memory_space<semaphore_mem>>, %arg11: memref<!tpu.dma_semaphore, #tpu.memory_space<semaphore_mem>>) attributes {dimension_semantics = [#tpu.dimension_semantics<core_parallel>, #tpu.dimension_semantics<subcore_parallel>], iteration_bounds = array<i64: 2, 16>, scalar_prefetch = 0 : i64, scratch_operands = 5 : i64, tpu.core_type = #tpu.core_type<sc_vector_subcore>, window_params = [{transform_indices = #map}, {transform_indices = #map}, {transform_indices = #map}, {transform_indices = #map}, {transform_indices = #map}]} {
    %mul3A = arith.constant 2 : i32
    %mul3A_0 = arith.muli %arg1, %mul3A : i32
    %add3A = arith.addi %mul3A_0, %arg0 : i32
    %mul3A_1 = arith.constant 4096 : i32
    %mul3A_2 = arith.muli %add3A, %mul3A_1 : i32
    %scan3A = arith.constant 0 : i32
    %scan3A_3 = arith.constant 0 : i32
    %scan3A_4 = arith.constant 32 : i32
    %scan3A_5 = arith.addi %scan3A_3, %scan3A_4 : i32
    %scan3A_6 = arith.constant 1 : i32
    scf.for %scan3A_8 = %scan3A_3 to %scan3A_5 step %scan3A_6  : i32 {
      %mul3A_9 = arith.constant 128 : i32
      %mul3A_10 = arith.muli %scan3A_8, %mul3A_9 : i32
      %add3A_11 = arith.addi %mul3A_2, %mul3A_10 : i32
      "tpu.region"() ({
        %run_scoped3A = tpu.sem_alloc : memref<!tpu.dma_semaphore, #tpu.memory_space<semaphore_mem>>
        %dma_start3A_18 = tpu.memref_slice %arg4[%add3A_11] : memref<131072xi32, #tpu.memory_space<hbm>> -> memref<128xi32, #tpu.memory_space<hbm>>
        %dma_start3A_19 = tpu.memref_slice %arg4[%add3A_11] : memref<131072xi32, #tpu.memory_space<hbm>> -> memref<128xi32, #tpu.memory_space<hbm>>
        tpu.enqueue_dma source(%dma_start3A_19 : memref<128xi32, #tpu.memory_space<hbm>>) target(%arg7 : memref<128xi32, #tpu.memory_space<vmem>>) target_semaphore(%run_scoped3A : memref<!tpu.dma_semaphore, #tpu.memory_space<semaphore_mem>>)
        %dma_wait3A_20 = tpu.memref_slice %arg4[%add3A_11] : memref<131072xi32, #tpu.memory_space<hbm>> -> memref<128xi32, #tpu.memory_space<hbm>>
        %dma_wait3A_21 = tpu.memref_slice %arg4[%add3A_11] : memref<131072xi32, #tpu.memory_space<hbm>> -> memref<128xi32, #tpu.memory_space<hbm>>
        tpu.wait_dma2 semaphore(%run_scoped3A : memref<!tpu.dma_semaphore, #tpu.memory_space<semaphore_mem>>) src(%dma_wait3A_21 : memref<128xi32, #tpu.memory_space<hbm>>) dst(%arg7 : memref<128xi32, #tpu.memory_space<vmem>>)
        tpu.yield
      }) : () -> ()
      %dma_start3A = arith.constant 0 : i32
      %dma_start3A_12 = tpu.memref_slice %arg2[%dma_start3A] : memref<4096xf32, #tpu.memory_space<hbm>> -> memref<4096xf32, #tpu.memory_space<hbm>>
      tpu.enqueue_indirect_dma source(%dma_start3A_12 : memref<4096xf32, #tpu.memory_space<hbm>>) target(%arg8 : memref<128xf32, #tpu.memory_space<vmem>>) offsets(%arg7 : memref<128xi32, #tpu.memory_space<vmem>>) semaphore(%arg10 : memref<!tpu.dma_semaphore, #tpu.memory_space<semaphore_mem>>)
      %dma_start3A_13 = arith.constant 0 : i32
      %dma_start3A_14 = tpu.memref_slice %arg3[%dma_start3A_13] : memref<4096xf32, #tpu.memory_space<hbm>> -> memref<4096xf32, #tpu.memory_space<hbm>>
      tpu.enqueue_indirect_dma source(%dma_start3A_14 : memref<4096xf32, #tpu.memory_space<hbm>>) target(%arg9 : memref<128xf32, #tpu.memory_space<vmem>>) offsets(%arg7 : memref<128xi32, #tpu.memory_space<vmem>>) semaphore(%arg11 : memref<!tpu.dma_semaphore, #tpu.memory_space<semaphore_mem>>)
      %dma_wait3A = arith.constant 0 : i32
      %dma_wait3A_15 = tpu.memref_slice %arg2[%dma_wait3A] : memref<4096xf32, #tpu.memory_space<hbm>> -> memref<4096xf32, #tpu.memory_space<hbm>>
      tpu.wait_indirect_dma semaphore(%arg10 : memref<!tpu.dma_semaphore, #tpu.memory_space<semaphore_mem>>) src(%dma_wait3A_15 : memref<4096xf32, #tpu.memory_space<hbm>>) dst(%arg8 : memref<128xf32, #tpu.memory_space<vmem>>)
      %dma_wait3A_16 = arith.constant 0 : i32
      %dma_wait3A_17 = tpu.memref_slice %arg3[%dma_wait3A_16] : memref<4096xf32, #tpu.memory_space<hbm>> -> memref<4096xf32, #tpu.memory_space<hbm>>
      tpu.wait_indirect_dma semaphore(%arg11 : memref<!tpu.dma_semaphore, #tpu.memory_space<semaphore_mem>>) src(%dma_wait3A_17 : memref<4096xf32, #tpu.memory_space<hbm>>) dst(%arg9 : memref<128xf32, #tpu.memory_space<vmem>>)
      "tpu.region"() ({
        %run_scoped3A = tpu.sem_alloc : memref<!tpu.dma_semaphore, #tpu.memory_space<semaphore_mem>>
        %dma_start3A_18 = tpu.memref_slice %arg5[%add3A_11] : memref<131072xf32, #tpu.memory_space<hbm>> -> memref<128xf32, #tpu.memory_space<hbm>>
        %dma_start3A_19 = tpu.memref_slice %arg5[%add3A_11] : memref<131072xf32, #tpu.memory_space<hbm>> -> memref<128xf32, #tpu.memory_space<hbm>>
        tpu.enqueue_dma source(%arg8 : memref<128xf32, #tpu.memory_space<vmem>>) target(%dma_start3A_19 : memref<128xf32, #tpu.memory_space<hbm>>) target_semaphore(%run_scoped3A : memref<!tpu.dma_semaphore, #tpu.memory_space<semaphore_mem>>)
        %dma_wait3A_20 = tpu.memref_slice %arg5[%add3A_11] : memref<131072xf32, #tpu.memory_space<hbm>> -> memref<128xf32, #tpu.memory_space<hbm>>
        %dma_wait3A_21 = tpu.memref_slice %arg5[%add3A_11] : memref<131072xf32, #tpu.memory_space<hbm>> -> memref<128xf32, #tpu.memory_space<hbm>>
        tpu.wait_dma2 semaphore(%run_scoped3A : memref<!tpu.dma_semaphore, #tpu.memory_space<semaphore_mem>>) src(%arg8 : memref<128xf32, #tpu.memory_space<vmem>>) dst(%dma_wait3A_21 : memref<128xf32, #tpu.memory_space<hbm>>)
        tpu.yield
      }) : () -> ()
      "tpu.region"() ({
        %run_scoped3A = tpu.sem_alloc : memref<!tpu.dma_semaphore, #tpu.memory_space<semaphore_mem>>
        %dma_start3A_18 = tpu.memref_slice %arg6[%add3A_11] : memref<131072xf32, #tpu.memory_space<hbm>> -> memref<128xf32, #tpu.memory_space<hbm>>
        %dma_start3A_19 = tpu.memref_slice %arg6[%add3A_11] : memref<131072xf32, #tpu.memory_space<hbm>> -> memref<128xf32, #tpu.memory_space<hbm>>
        tpu.enqueue_dma source(%arg9 : memref<128xf32, #tpu.memory_space<vmem>>) target(%dma_start3A_19 : memref<128xf32, #tpu.memory_space<hbm>>) target_semaphore(%run_scoped3A : memref<!tpu.dma_semaphore, #tpu.memory_space<semaphore_mem>>)
        %dma_wait3A_20 = tpu.memref_slice %arg6[%add3A_11] : memref<131072xf32, #tpu.memory_space<hbm>> -> memref<128xf32, #tpu.memory_space<hbm>>
        %dma_wait3A_21 = tpu.memref_slice %arg6[%add3A_11] : memref<131072xf32, #tpu.memory_space<hbm>> -> memref<128xf32, #tpu.memory_space<hbm>>
        tpu.wait_dma2 semaphore(%run_scoped3A : memref<!tpu.dma_semaphore, #tpu.memory_space<semaphore_mem>>) src(%arg9 : memref<128xf32, #tpu.memory_space<vmem>>) dst(%dma_wait3A_21 : memref<128xf32, #tpu.memory_space<hbm>>)
        tpu.yield
      }) : () -> ()
    }
    %scan3A_7 = arith.constant 32 : i32
    return
  }
}

#map = affine_map<(d0, d1) -> (0, 0)>
#map1 = affine_map<(d0, d1) -> (0)>
module attributes {stable_mosaic.version = 14 : i64} {
  func.func @gk(%arg0: i32, %arg1: i32, %arg2: memref<4096x64xf32, #tpu.memory_space<hbm>>, %arg3: memref<131072xi32, #tpu.memory_space<hbm>>, %arg4: memref<131072x64xf32, #tpu.memory_space<hbm>>, %arg5: memref<128xi32, #tpu.memory_space<vmem>>, %arg6: memref<128x64xf32, #tpu.memory_space<vmem>>, %arg7: memref<!tpu.dma_semaphore, #tpu.memory_space<semaphore_mem>>) attributes {dimension_semantics = [#tpu.dimension_semantics<core_parallel>, #tpu.dimension_semantics<subcore_parallel>], iteration_bounds = array<i64: 2, 16>, scalar_prefetch = 0 : i64, scratch_operands = 3 : i64, tpu.core_type = #tpu.core_type<sc_vector_subcore>, window_params = [{transform_indices = #map}, {transform_indices = #map1}, {transform_indices = #map}]} {
    %mul3A = arith.constant 2 : i32
    %mul3A_0 = arith.muli %arg1, %mul3A : i32
    %add3A = arith.addi %mul3A_0, %arg0 : i32
    %mul3A_1 = arith.constant 4096 : i32
    %mul3A_2 = arith.muli %add3A, %mul3A_1 : i32
    %scan3A = arith.constant 0 : i32
    %scan3A_3 = arith.constant 0 : i32
    %scan3A_4 = arith.constant 32 : i32
    %scan3A_5 = arith.addi %scan3A_3, %scan3A_4 : i32
    %scan3A_6 = arith.constant 1 : i32
    scf.for %scan3A_8 = %scan3A_3 to %scan3A_5 step %scan3A_6  : i32 {
      %mul3A_9 = arith.constant 128 : i32
      %mul3A_10 = arith.muli %scan3A_8, %mul3A_9 : i32
      %add3A_11 = arith.addi %mul3A_2, %mul3A_10 : i32
      "tpu.region"() ({
        %run_scoped3A = tpu.sem_alloc : memref<!tpu.dma_semaphore, #tpu.memory_space<semaphore_mem>>
        %dma_start3A_16 = tpu.memref_slice %arg3[%add3A_11] : memref<131072xi32, #tpu.memory_space<hbm>> -> memref<128xi32, #tpu.memory_space<hbm>>
        %dma_start3A_17 = tpu.memref_slice %arg3[%add3A_11] : memref<131072xi32, #tpu.memory_space<hbm>> -> memref<128xi32, #tpu.memory_space<hbm>>
        tpu.enqueue_dma source(%dma_start3A_17 : memref<128xi32, #tpu.memory_space<hbm>>) target(%arg5 : memref<128xi32, #tpu.memory_space<vmem>>) target_semaphore(%run_scoped3A : memref<!tpu.dma_semaphore, #tpu.memory_space<semaphore_mem>>)
        %dma_wait3A_18 = tpu.memref_slice %arg3[%add3A_11] : memref<131072xi32, #tpu.memory_space<hbm>> -> memref<128xi32, #tpu.memory_space<hbm>>
        %dma_wait3A_19 = tpu.memref_slice %arg3[%add3A_11] : memref<131072xi32, #tpu.memory_space<hbm>> -> memref<128xi32, #tpu.memory_space<hbm>>
        tpu.wait_dma2 semaphore(%run_scoped3A : memref<!tpu.dma_semaphore, #tpu.memory_space<semaphore_mem>>) src(%dma_wait3A_19 : memref<128xi32, #tpu.memory_space<hbm>>) dst(%arg5 : memref<128xi32, #tpu.memory_space<vmem>>)
        tpu.yield
      }) : () -> ()
      %dma_start3A = arith.constant 0 : i32
      %dma_start3A_12 = arith.constant 0 : i32
      %dma_start3A_13 = tpu.memref_slice %arg2[%dma_start3A, %dma_start3A_12] : memref<4096x64xf32, #tpu.memory_space<hbm>> -> memref<4096x64xf32, #tpu.memory_space<hbm>>
      tpu.enqueue_indirect_dma source(%dma_start3A_13 : memref<4096x64xf32, #tpu.memory_space<hbm>>) target(%arg6 : memref<128x64xf32, #tpu.memory_space<vmem>>) offsets(%arg5 : memref<128xi32, #tpu.memory_space<vmem>>) semaphore(%arg7 : memref<!tpu.dma_semaphore, #tpu.memory_space<semaphore_mem>>)
      %dma_wait3A = arith.constant 0 : i32
      %dma_wait3A_14 = arith.constant 0 : i32
      %dma_wait3A_15 = tpu.memref_slice %arg2[%dma_wait3A, %dma_wait3A_14] : memref<4096x64xf32, #tpu.memory_space<hbm>> -> memref<4096x64xf32, #tpu.memory_space<hbm>>
      tpu.wait_indirect_dma semaphore(%arg7 : memref<!tpu.dma_semaphore, #tpu.memory_space<semaphore_mem>>) src(%dma_wait3A_15 : memref<4096x64xf32, #tpu.memory_space<hbm>>) dst(%arg6 : memref<128x64xf32, #tpu.memory_space<vmem>>)
      "tpu.region"() ({
        %run_scoped3A = tpu.sem_alloc : memref<!tpu.dma_semaphore, #tpu.memory_space<semaphore_mem>>
        %dma_start3A_16 = arith.constant 0 : i32
        %dma_start3A_17 = tpu.memref_slice %arg4[%add3A_11, %dma_start3A_16] : memref<131072x64xf32, #tpu.memory_space<hbm>> -> memref<128x64xf32, #tpu.memory_space<hbm>>
        %dma_start3A_18 = arith.constant 0 : i32
        %dma_start3A_19 = tpu.memref_slice %arg4[%add3A_11, %dma_start3A_18] : memref<131072x64xf32, #tpu.memory_space<hbm>> -> memref<128x64xf32, #tpu.memory_space<hbm>>
        tpu.enqueue_dma source(%arg6 : memref<128x64xf32, #tpu.memory_space<vmem>>) target(%dma_start3A_19 : memref<128x64xf32, #tpu.memory_space<hbm>>) target_semaphore(%run_scoped3A : memref<!tpu.dma_semaphore, #tpu.memory_space<semaphore_mem>>)
        %dma_wait3A_20 = arith.constant 0 : i32
        %dma_wait3A_21 = tpu.memref_slice %arg4[%add3A_11, %dma_wait3A_20] : memref<131072x64xf32, #tpu.memory_space<hbm>> -> memref<128x64xf32, #tpu.memory_space<hbm>>
        %dma_wait3A_22 = arith.constant 0 : i32
        %dma_wait3A_23 = tpu.memref_slice %arg4[%add3A_11, %dma_wait3A_22] : memref<131072x64xf32, #tpu.memory_space<hbm>> -> memref<128x64xf32, #tpu.memory_space<hbm>>
        tpu.wait_dma2 semaphore(%run_scoped3A : memref<!tpu.dma_semaphore, #tpu.memory_space<semaphore_mem>>) src(%arg6 : memref<128x64xf32, #tpu.memory_space<vmem>>) dst(%dma_wait3A_23 : memref<128x64xf32, #tpu.memory_space<hbm>>)
        tpu.yield
      }) : () -> ()
    }
    %scan3A_7 = arith.constant 32 : i32
    return
  }
}

#map = affine_map<(d0, d1) -> (0, 0)>
#map1 = affine_map<(d0, d1) -> (0)>
module attributes {stable_mosaic.version = 14 : i64} {
  func.func @gk(%arg0: i32, %arg1: i32, %arg2: memref<4096x64xf32, #tpu.memory_space<hbm>>, %arg3: memref<131072xi32, #tpu.memory_space<hbm>>, %arg4: memref<131072x64xf32, #tpu.memory_space<hbm>>, %arg5: memref<128xi32, #tpu.memory_space<vmem>>, %arg6: memref<128x64xf32, #tpu.memory_space<vmem>>, %arg7: memref<!tpu.dma_semaphore, #tpu.memory_space<semaphore_mem>>) attributes {dimension_semantics = [#tpu.dimension_semantics<core_parallel>, #tpu.dimension_semantics<subcore_parallel>], iteration_bounds = array<i64: 2, 16>, scalar_prefetch = 0 : i64, scratch_operands = 3 : i64, tpu.core_type = #tpu.core_type<sc_vector_subcore>, window_params = [{transform_indices = #map}, {transform_indices = #map1}, {transform_indices = #map}]} {
    %mul3A = arith.constant 2 : i32
    %mul3A_0 = arith.muli %arg1, %mul3A : i32
    %add3A = arith.addi %mul3A_0, %arg0 : i32
    %mul3A_1 = arith.constant 4096 : i32
    %mul3A_2 = arith.muli %add3A, %mul3A_1 : i32
    %scan3A = arith.constant 0 : i32
    %scan3A_3 = arith.constant 0 : i32
    %scan3A_4 = arith.constant 32 : i32
    %scan3A_5 = arith.addi %scan3A_3, %scan3A_4 : i32
    %scan3A_6 = arith.constant 1 : i32
    scf.for %scan3A_8 = %scan3A_3 to %scan3A_5 step %scan3A_6  : i32 {
      %mul3A_9 = arith.constant 128 : i32
      %mul3A_10 = arith.muli %scan3A_8, %mul3A_9 : i32
      %add3A_11 = arith.addi %mul3A_2, %mul3A_10 : i32
      "tpu.region"() ({
        %run_scoped3A = tpu.sem_alloc : memref<!tpu.dma_semaphore, #tpu.memory_space<semaphore_mem>>
        %dma_start3A_16 = tpu.memref_slice %arg3[%add3A_11] : memref<131072xi32, #tpu.memory_space<hbm>> -> memref<128xi32, #tpu.memory_space<hbm>>
        %dma_start3A_17 = tpu.memref_slice %arg3[%add3A_11] : memref<131072xi32, #tpu.memory_space<hbm>> -> memref<128xi32, #tpu.memory_space<hbm>>
        tpu.enqueue_dma source(%dma_start3A_17 : memref<128xi32, #tpu.memory_space<hbm>>) target(%arg5 : memref<128xi32, #tpu.memory_space<vmem>>) target_semaphore(%run_scoped3A : memref<!tpu.dma_semaphore, #tpu.memory_space<semaphore_mem>>)
        %dma_wait3A_18 = tpu.memref_slice %arg3[%add3A_11] : memref<131072xi32, #tpu.memory_space<hbm>> -> memref<128xi32, #tpu.memory_space<hbm>>
        %dma_wait3A_19 = tpu.memref_slice %arg3[%add3A_11] : memref<131072xi32, #tpu.memory_space<hbm>> -> memref<128xi32, #tpu.memory_space<hbm>>
        tpu.wait_dma2 semaphore(%run_scoped3A : memref<!tpu.dma_semaphore, #tpu.memory_space<semaphore_mem>>) src(%dma_wait3A_19 : memref<128xi32, #tpu.memory_space<hbm>>) dst(%arg5 : memref<128xi32, #tpu.memory_space<vmem>>)
        tpu.yield
      }) : () -> ()
      %dma_start3A = arith.constant 0 : i32
      %dma_start3A_12 = arith.constant 0 : i32
      %dma_start3A_13 = tpu.memref_slice %arg2[%dma_start3A, %dma_start3A_12] : memref<4096x64xf32, #tpu.memory_space<hbm>> -> memref<4096x64xf32, #tpu.memory_space<hbm>>
      tpu.enqueue_indirect_dma source(%dma_start3A_13 : memref<4096x64xf32, #tpu.memory_space<hbm>>) target(%arg6 : memref<128x64xf32, #tpu.memory_space<vmem>>) offsets(%arg5 : memref<128xi32, #tpu.memory_space<vmem>>) semaphore(%arg7 : memref<!tpu.dma_semaphore, #tpu.memory_space<semaphore_mem>>)
      %dma_wait3A = arith.constant 0 : i32
      %dma_wait3A_14 = arith.constant 0 : i32
      %dma_wait3A_15 = tpu.memref_slice %arg2[%dma_wait3A, %dma_wait3A_14] : memref<4096x64xf32, #tpu.memory_space<hbm>> -> memref<4096x64xf32, #tpu.memory_space<hbm>>
      tpu.wait_indirect_dma semaphore(%arg7 : memref<!tpu.dma_semaphore, #tpu.memory_space<semaphore_mem>>) src(%dma_wait3A_15 : memref<4096x64xf32, #tpu.memory_space<hbm>>) dst(%arg6 : memref<128x64xf32, #tpu.memory_space<vmem>>)
      "tpu.region"() ({
        %run_scoped3A = tpu.sem_alloc : memref<!tpu.dma_semaphore, #tpu.memory_space<semaphore_mem>>
        %dma_start3A_16 = arith.constant 0 : i32
        %dma_start3A_17 = tpu.memref_slice %arg4[%add3A_11, %dma_start3A_16] : memref<131072x64xf32, #tpu.memory_space<hbm>> -> memref<128x64xf32, #tpu.memory_space<hbm>>
        %dma_start3A_18 = arith.constant 0 : i32
        %dma_start3A_19 = tpu.memref_slice %arg4[%add3A_11, %dma_start3A_18] : memref<131072x64xf32, #tpu.memory_space<hbm>> -> memref<128x64xf32, #tpu.memory_space<hbm>>
        tpu.enqueue_dma source(%arg6 : memref<128x64xf32, #tpu.memory_space<vmem>>) target(%dma_start3A_19 : memref<128x64xf32, #tpu.memory_space<hbm>>) target_semaphore(%run_scoped3A : memref<!tpu.dma_semaphore, #tpu.memory_space<semaphore_mem>>)
        %dma_wait3A_20 = arith.constant 0 : i32
        %dma_wait3A_21 = tpu.memref_slice %arg4[%add3A_11, %dma_wait3A_20] : memref<131072x64xf32, #tpu.memory_space<hbm>> -> memref<128x64xf32, #tpu.memory_space<hbm>>
        %dma_wait3A_22 = arith.constant 0 : i32
        %dma_wait3A_23 = tpu.memref_slice %arg4[%add3A_11, %dma_wait3A_22] : memref<131072x64xf32, #tpu.memory_space<hbm>> -> memref<128x64xf32, #tpu.memory_space<hbm>>
        tpu.wait_dma2 semaphore(%run_scoped3A : memref<!tpu.dma_semaphore, #tpu.memory_space<semaphore_mem>>) src(%arg6 : memref<128x64xf32, #tpu.memory_space<vmem>>) dst(%dma_wait3A_23 : memref<128x64xf32, #tpu.memory_space<hbm>>)
        tpu.yield
      }) : () -> ()
    }
    %scan3A_7 = arith.constant 32 : i32
    return
  }
}

#map = affine_map<(d0, d1) -> (0, 0)>
#map1 = affine_map<(d0, d1) -> (0)>
module attributes {stable_mosaic.version = 14 : i64} {
  func.func @gk(%arg0: i32, %arg1: i32, %arg2: memref<4096x128xf32, #tpu.memory_space<hbm>>, %arg3: memref<131072xi32, #tpu.memory_space<hbm>>, %arg4: memref<131072x128xf32, #tpu.memory_space<hbm>>, %arg5: memref<128xi32, #tpu.memory_space<vmem>>, %arg6: memref<128x128xf32, #tpu.memory_space<vmem>>, %arg7: memref<!tpu.dma_semaphore, #tpu.memory_space<semaphore_mem>>) attributes {dimension_semantics = [#tpu.dimension_semantics<core_parallel>, #tpu.dimension_semantics<subcore_parallel>], iteration_bounds = array<i64: 2, 16>, scalar_prefetch = 0 : i64, scratch_operands = 3 : i64, tpu.core_type = #tpu.core_type<sc_vector_subcore>, window_params = [{transform_indices = #map}, {transform_indices = #map1}, {transform_indices = #map}]} {
    %mul3A = arith.constant 2 : i32
    %mul3A_0 = arith.muli %arg1, %mul3A : i32
    %add3A = arith.addi %mul3A_0, %arg0 : i32
    %mul3A_1 = arith.constant 4096 : i32
    %mul3A_2 = arith.muli %add3A, %mul3A_1 : i32
    %scan3A = arith.constant 0 : i32
    %scan3A_3 = arith.constant 0 : i32
    %scan3A_4 = arith.constant 32 : i32
    %scan3A_5 = arith.addi %scan3A_3, %scan3A_4 : i32
    %scan3A_6 = arith.constant 1 : i32
    scf.for %scan3A_8 = %scan3A_3 to %scan3A_5 step %scan3A_6  : i32 {
      %mul3A_9 = arith.constant 128 : i32
      %mul3A_10 = arith.muli %scan3A_8, %mul3A_9 : i32
      %add3A_11 = arith.addi %mul3A_2, %mul3A_10 : i32
      "tpu.region"() ({
        %run_scoped3A = tpu.sem_alloc : memref<!tpu.dma_semaphore, #tpu.memory_space<semaphore_mem>>
        %dma_start3A_16 = tpu.memref_slice %arg3[%add3A_11] : memref<131072xi32, #tpu.memory_space<hbm>> -> memref<128xi32, #tpu.memory_space<hbm>>
        %dma_start3A_17 = tpu.memref_slice %arg3[%add3A_11] : memref<131072xi32, #tpu.memory_space<hbm>> -> memref<128xi32, #tpu.memory_space<hbm>>
        tpu.enqueue_dma source(%dma_start3A_17 : memref<128xi32, #tpu.memory_space<hbm>>) target(%arg5 : memref<128xi32, #tpu.memory_space<vmem>>) target_semaphore(%run_scoped3A : memref<!tpu.dma_semaphore, #tpu.memory_space<semaphore_mem>>)
        %dma_wait3A_18 = tpu.memref_slice %arg3[%add3A_11] : memref<131072xi32, #tpu.memory_space<hbm>> -> memref<128xi32, #tpu.memory_space<hbm>>
        %dma_wait3A_19 = tpu.memref_slice %arg3[%add3A_11] : memref<131072xi32, #tpu.memory_space<hbm>> -> memref<128xi32, #tpu.memory_space<hbm>>
        tpu.wait_dma2 semaphore(%run_scoped3A : memref<!tpu.dma_semaphore, #tpu.memory_space<semaphore_mem>>) src(%dma_wait3A_19 : memref<128xi32, #tpu.memory_space<hbm>>) dst(%arg5 : memref<128xi32, #tpu.memory_space<vmem>>)
        tpu.yield
      }) : () -> ()
      %dma_start3A = arith.constant 0 : i32
      %dma_start3A_12 = arith.constant 0 : i32
      %dma_start3A_13 = tpu.memref_slice %arg2[%dma_start3A, %dma_start3A_12] : memref<4096x128xf32, #tpu.memory_space<hbm>> -> memref<4096x128xf32, #tpu.memory_space<hbm>>
      tpu.enqueue_indirect_dma source(%dma_start3A_13 : memref<4096x128xf32, #tpu.memory_space<hbm>>) target(%arg6 : memref<128x128xf32, #tpu.memory_space<vmem>>) offsets(%arg5 : memref<128xi32, #tpu.memory_space<vmem>>) semaphore(%arg7 : memref<!tpu.dma_semaphore, #tpu.memory_space<semaphore_mem>>)
      %dma_wait3A = arith.constant 0 : i32
      %dma_wait3A_14 = arith.constant 0 : i32
      %dma_wait3A_15 = tpu.memref_slice %arg2[%dma_wait3A, %dma_wait3A_14] : memref<4096x128xf32, #tpu.memory_space<hbm>> -> memref<4096x128xf32, #tpu.memory_space<hbm>>
      tpu.wait_indirect_dma semaphore(%arg7 : memref<!tpu.dma_semaphore, #tpu.memory_space<semaphore_mem>>) src(%dma_wait3A_15 : memref<4096x128xf32, #tpu.memory_space<hbm>>) dst(%arg6 : memref<128x128xf32, #tpu.memory_space<vmem>>)
      "tpu.region"() ({
        %run_scoped3A = tpu.sem_alloc : memref<!tpu.dma_semaphore, #tpu.memory_space<semaphore_mem>>
        %dma_start3A_16 = arith.constant 0 : i32
        %dma_start3A_17 = tpu.memref_slice %arg4[%add3A_11, %dma_start3A_16] : memref<131072x128xf32, #tpu.memory_space<hbm>> -> memref<128x128xf32, #tpu.memory_space<hbm>>
        %dma_start3A_18 = arith.constant 0 : i32
        %dma_start3A_19 = tpu.memref_slice %arg4[%add3A_11, %dma_start3A_18] : memref<131072x128xf32, #tpu.memory_space<hbm>> -> memref<128x128xf32, #tpu.memory_space<hbm>>
        tpu.enqueue_dma source(%arg6 : memref<128x128xf32, #tpu.memory_space<vmem>>) target(%dma_start3A_19 : memref<128x128xf32, #tpu.memory_space<hbm>>) target_semaphore(%run_scoped3A : memref<!tpu.dma_semaphore, #tpu.memory_space<semaphore_mem>>)
        %dma_wait3A_20 = arith.constant 0 : i32
        %dma_wait3A_21 = tpu.memref_slice %arg4[%add3A_11, %dma_wait3A_20] : memref<131072x128xf32, #tpu.memory_space<hbm>> -> memref<128x128xf32, #tpu.memory_space<hbm>>
        %dma_wait3A_22 = arith.constant 0 : i32
        %dma_wait3A_23 = tpu.memref_slice %arg4[%add3A_11, %dma_wait3A_22] : memref<131072x128xf32, #tpu.memory_space<hbm>> -> memref<128x128xf32, #tpu.memory_space<hbm>>
        tpu.wait_dma2 semaphore(%run_scoped3A : memref<!tpu.dma_semaphore, #tpu.memory_space<semaphore_mem>>) src(%arg6 : memref<128x128xf32, #tpu.memory_space<vmem>>) dst(%dma_wait3A_23 : memref<128x128xf32, #tpu.memory_space<hbm>>)
        tpu.yield
      }) : () -> ()
    }
    %scan3A_7 = arith.constant 32 : i32
    return
  }
}

#map = affine_map<(d0, d1) -> (0, 0)>
#map1 = affine_map<(d0, d1) -> (0)>
module attributes {stable_mosaic.version = 14 : i64} {
  func.func @gk(%arg0: i32, %arg1: i32, %arg2: memref<4096x128xf32, #tpu.memory_space<hbm>>, %arg3: memref<131072xi32, #tpu.memory_space<hbm>>, %arg4: memref<131072x128xf32, #tpu.memory_space<hbm>>, %arg5: memref<128xi32, #tpu.memory_space<vmem>>, %arg6: memref<128x128xf32, #tpu.memory_space<vmem>>, %arg7: memref<!tpu.dma_semaphore, #tpu.memory_space<semaphore_mem>>) attributes {dimension_semantics = [#tpu.dimension_semantics<core_parallel>, #tpu.dimension_semantics<subcore_parallel>], iteration_bounds = array<i64: 2, 16>, scalar_prefetch = 0 : i64, scratch_operands = 3 : i64, tpu.core_type = #tpu.core_type<sc_vector_subcore>, window_params = [{transform_indices = #map}, {transform_indices = #map1}, {transform_indices = #map}]} {
    %mul3A = arith.constant 2 : i32
    %mul3A_0 = arith.muli %arg1, %mul3A : i32
    %add3A = arith.addi %mul3A_0, %arg0 : i32
    %mul3A_1 = arith.constant 4096 : i32
    %mul3A_2 = arith.muli %add3A, %mul3A_1 : i32
    %scan3A = arith.constant 0 : i32
    %scan3A_3 = arith.constant 0 : i32
    %scan3A_4 = arith.constant 32 : i32
    %scan3A_5 = arith.addi %scan3A_3, %scan3A_4 : i32
    %scan3A_6 = arith.constant 1 : i32
    scf.for %scan3A_8 = %scan3A_3 to %scan3A_5 step %scan3A_6  : i32 {
      %mul3A_9 = arith.constant 128 : i32
      %mul3A_10 = arith.muli %scan3A_8, %mul3A_9 : i32
      %add3A_11 = arith.addi %mul3A_2, %mul3A_10 : i32
      "tpu.region"() ({
        %run_scoped3A = tpu.sem_alloc : memref<!tpu.dma_semaphore, #tpu.memory_space<semaphore_mem>>
        %dma_start3A_16 = tpu.memref_slice %arg3[%add3A_11] : memref<131072xi32, #tpu.memory_space<hbm>> -> memref<128xi32, #tpu.memory_space<hbm>>
        %dma_start3A_17 = tpu.memref_slice %arg3[%add3A_11] : memref<131072xi32, #tpu.memory_space<hbm>> -> memref<128xi32, #tpu.memory_space<hbm>>
        tpu.enqueue_dma source(%dma_start3A_17 : memref<128xi32, #tpu.memory_space<hbm>>) target(%arg5 : memref<128xi32, #tpu.memory_space<vmem>>) target_semaphore(%run_scoped3A : memref<!tpu.dma_semaphore, #tpu.memory_space<semaphore_mem>>)
        %dma_wait3A_18 = tpu.memref_slice %arg3[%add3A_11] : memref<131072xi32, #tpu.memory_space<hbm>> -> memref<128xi32, #tpu.memory_space<hbm>>
        %dma_wait3A_19 = tpu.memref_slice %arg3[%add3A_11] : memref<131072xi32, #tpu.memory_space<hbm>> -> memref<128xi32, #tpu.memory_space<hbm>>
        tpu.wait_dma2 semaphore(%run_scoped3A : memref<!tpu.dma_semaphore, #tpu.memory_space<semaphore_mem>>) src(%dma_wait3A_19 : memref<128xi32, #tpu.memory_space<hbm>>) dst(%arg5 : memref<128xi32, #tpu.memory_space<vmem>>)
        tpu.yield
      }) : () -> ()
      %dma_start3A = arith.constant 0 : i32
      %dma_start3A_12 = arith.constant 0 : i32
      %dma_start3A_13 = tpu.memref_slice %arg2[%dma_start3A, %dma_start3A_12] : memref<4096x128xf32, #tpu.memory_space<hbm>> -> memref<4096x128xf32, #tpu.memory_space<hbm>>
      tpu.enqueue_indirect_dma source(%dma_start3A_13 : memref<4096x128xf32, #tpu.memory_space<hbm>>) target(%arg6 : memref<128x128xf32, #tpu.memory_space<vmem>>) offsets(%arg5 : memref<128xi32, #tpu.memory_space<vmem>>) semaphore(%arg7 : memref<!tpu.dma_semaphore, #tpu.memory_space<semaphore_mem>>)
      %dma_wait3A = arith.constant 0 : i32
      %dma_wait3A_14 = arith.constant 0 : i32
      %dma_wait3A_15 = tpu.memref_slice %arg2[%dma_wait3A, %dma_wait3A_14] : memref<4096x128xf32, #tpu.memory_space<hbm>> -> memref<4096x128xf32, #tpu.memory_space<hbm>>
      tpu.wait_indirect_dma semaphore(%arg7 : memref<!tpu.dma_semaphore, #tpu.memory_space<semaphore_mem>>) src(%dma_wait3A_15 : memref<4096x128xf32, #tpu.memory_space<hbm>>) dst(%arg6 : memref<128x128xf32, #tpu.memory_space<vmem>>)
      "tpu.region"() ({
        %run_scoped3A = tpu.sem_alloc : memref<!tpu.dma_semaphore, #tpu.memory_space<semaphore_mem>>
        %dma_start3A_16 = arith.constant 0 : i32
        %dma_start3A_17 = tpu.memref_slice %arg4[%add3A_11, %dma_start3A_16] : memref<131072x128xf32, #tpu.memory_space<hbm>> -> memref<128x128xf32, #tpu.memory_space<hbm>>
        %dma_start3A_18 = arith.constant 0 : i32
        %dma_start3A_19 = tpu.memref_slice %arg4[%add3A_11, %dma_start3A_18] : memref<131072x128xf32, #tpu.memory_space<hbm>> -> memref<128x128xf32, #tpu.memory_space<hbm>>
        tpu.enqueue_dma source(%arg6 : memref<128x128xf32, #tpu.memory_space<vmem>>) target(%dma_start3A_19 : memref<128x128xf32, #tpu.memory_space<hbm>>) target_semaphore(%run_scoped3A : memref<!tpu.dma_semaphore, #tpu.memory_space<semaphore_mem>>)
        %dma_wait3A_20 = arith.constant 0 : i32
        %dma_wait3A_21 = tpu.memref_slice %arg4[%add3A_11, %dma_wait3A_20] : memref<131072x128xf32, #tpu.memory_space<hbm>> -> memref<128x128xf32, #tpu.memory_space<hbm>>
        %dma_wait3A_22 = arith.constant 0 : i32
        %dma_wait3A_23 = tpu.memref_slice %arg4[%add3A_11, %dma_wait3A_22] : memref<131072x128xf32, #tpu.memory_space<hbm>> -> memref<128x128xf32, #tpu.memory_space<hbm>>
        tpu.wait_dma2 semaphore(%run_scoped3A : memref<!tpu.dma_semaphore, #tpu.memory_space<semaphore_mem>>) src(%arg6 : memref<128x128xf32, #tpu.memory_space<vmem>>) dst(%dma_wait3A_23 : memref<128x128xf32, #tpu.memory_space<hbm>>)
        tpu.yield
      }) : () -> ()
    }
    %scan3A_7 = arith.constant 32 : i32
    return
  }
}

module attributes {stable_mosaic.version = 14 : i64} {
  func.func @_knn_body(%arg0: i32, %arg1: memref<256x2xf32, #tpu.memory_space<vmem>>, %arg2: memref<1x4096xf32, #tpu.memory_space<vmem>>, %arg3: memref<1x4096xf32, #tpu.memory_space<vmem>>, %arg4: memref<256x32xi32, #tpu.memory_space<vmem>>, %arg5: memref<256x32xf32, #tpu.memory_space<vmem>>) attributes {dimension_semantics = [#tpu.dimension_semantics<arbitrary>], iteration_bounds = array<i64: 16>, scalar_prefetch = 0 : i64, scratch_operands = 0 : i64, tpu.core_type = #tpu.core_type<tc>, window_params = [{transform_indices = @transform_0, window_bounds = array<i64: 256, 2>}, {pipeline_mode = #tpu.pipeline_mode<synchronous>, transform_indices = @transform_1, window_bounds = array<i64: 1, 4096>}, {pipeline_mode = #tpu.pipeline_mode<synchronous>, transform_indices = @transform_2, window_bounds = array<i64: 1, 4096>}, {transform_indices = @transform_3, window_bounds = array<i64: 256, 32>}, {transform_indices = @transform_4, window_bounds = array<i64: 256, 32>}]} {
    %get3A = arith.constant 0 : index
    %get3A_0 = arith.constant 0 : index
    %get3A_1 = vector.load %arg1[%get3A, %get3A_0] : memref<256x2xf32, #tpu.memory_space<vmem>>, vector<256x1xf32>
    %get3A_2 = arith.constant 0 : index
    %get3A_3 = arith.constant 1 : index
    %get3A_4 = vector.load %arg1[%get3A_2, %get3A_3] : memref<256x2xf32, #tpu.memory_space<vmem>>, vector<256x1xf32>
    %get3A_5 = arith.constant 0 : index
    %get3A_6 = arith.constant 0 : index
    %get3A_7 = vector.load %arg2[%get3A_5, %get3A_6] : memref<1x4096xf32, #tpu.memory_space<vmem>>, vector<1x4096xf32>
    %sub3A = vector.broadcast %get3A_1 : vector<256x1xf32> to vector<256x4096xf32>
    %sub3A_8 = vector.broadcast %get3A_7 : vector<1x4096xf32> to vector<256x4096xf32>
    %sub3A_9 = arith.subf %sub3A, %sub3A_8 : vector<256x4096xf32>
    %get3A_10 = arith.constant 0 : index
    %get3A_11 = arith.constant 0 : index
    %get3A_12 = vector.load %arg3[%get3A_10, %get3A_11] : memref<1x4096xf32, #tpu.memory_space<vmem>>, vector<1x4096xf32>
    %sub3A_13 = vector.broadcast %get3A_4 : vector<256x1xf32> to vector<256x4096xf32>
    %sub3A_14 = vector.broadcast %get3A_12 : vector<1x4096xf32> to vector<256x4096xf32>
    %sub3A_15 = arith.subf %sub3A_13, %sub3A_14 : vector<256x4096xf32>
    %mul3A = arith.mulf %sub3A_9, %sub3A_9 : vector<256x4096xf32>
    %mul3A_16 = arith.mulf %sub3A_15, %sub3A_15 : vector<256x4096xf32>
    %add3A = arith.addf %mul3A, %mul3A_16 : vector<256x4096xf32>
    %mul3A_17 = arith.constant 256 : i32
    %mul3A_18 = arith.muli %arg0, %mul3A_17 : i32
    %iota3A = tpu.iota {dimensions = array<i32: 0>} : vector<256x1xi32>
    %add3A_19 = vector.broadcast %mul3A_18 : i32 to vector<256x1xi32>
    %add3A_20 = arith.addi %add3A_19, %iota3A : vector<256x1xi32>
    %iota3A_21 = tpu.iota {dimensions = array<i32: 1>} : vector<256x4096xi32>
    %eq3A = vector.broadcast %add3A_20 : vector<256x1xi32> to vector<256x4096xi32>
    %eq3A_22 = arith.cmpi eq, %eq3A, %iota3A_21 : vector<256x4096xi32>
    %add3A_23 = arith.constant 9.99999995E+11 : f32
    %add3A_24 = vector.broadcast %add3A_23 : f32 to vector<256x4096xf32>
    %add3A_25 = arith.addf %add3A, %add3A_24 : vector<256x4096xf32>
    %select_n3A = arith.select %eq3A_22, %add3A_25, %add3A : vector<256x4096xi1>, vector<256x4096xf32>
    %iota3A_26 = tpu.iota {dimensions = array<i32: 1>} : vector<1x32xi32>
    %reduce_min3A = arith.constant dense<0x7F800000> : vector<256xf32>
    %reduce_min3A_27 = vector.multi_reduction <minimumf>, %select_n3A, %reduce_min3A [1] : vector<256x4096xf32> to vector<256xf32>
    %broadcast_in_dim3A = vector.shape_cast %reduce_min3A_27 : vector<256xf32> to vector<256x1xf32>
    %broadcast_in_dim3A_28 = arith.constant 0 : i32
    %broadcast_in_dim3A_29 = vector.broadcast %broadcast_in_dim3A_28 : i32 to vector<256x32xi32>
    %broadcast_in_dim3A_30 = arith.constant 0.000000e+00 : f32
    %broadcast_in_dim3A_31 = vector.broadcast %broadcast_in_dim3A_30 : f32 to vector<256x32xf32>
    %scan3A = arith.constant 0 : i32
    %scan3A_32 = arith.constant 32 : i32
    %scan3A_33 = arith.addi %scan3A, %scan3A_32 : i32
    %scan3A_34 = arith.constant 1 : i32
    %scan3A_35:4 = scf.for %scan3A_42 = %scan3A to %scan3A_33 step %scan3A_34 iter_args(%scan3A_43 = %select_n3A, %scan3A_44 = %broadcast_in_dim3A, %scan3A_45 = %broadcast_in_dim3A_29, %scan3A_46 = %broadcast_in_dim3A_31) -> (vector<256x4096xf32>, vector<256x1xf32>, vector<256x32xi32>, vector<256x32xf32>)  : i32 {
      %eq3A_47 = vector.broadcast %scan3A_44 : vector<256x1xf32> to vector<256x4096xf32>
      %eq3A_48 = arith.cmpf oeq, %scan3A_43, %eq3A_47 : vector<256x4096xf32>
      %jit3A = arith.constant 4096 : i32
      %broadcast_in_dim3A_49 = vector.broadcast %jit3A : i32 to vector<256x4096xi32>
      %select_n3A_50 = arith.select %eq3A_48, %iota3A_21, %broadcast_in_dim3A_49 : vector<256x4096xi1>, vector<256x4096xi32>
      %reduce_min3A_51 = arith.constant dense<2147483647> : vector<256xi32>
      %reduce_min3A_52 = vector.multi_reduction <minsi>, %select_n3A_50, %reduce_min3A_51 [1] : vector<256x4096xi32> to vector<256xi32>
      %broadcast_in_dim3A_53 = vector.shape_cast %reduce_min3A_52 : vector<256xi32> to vector<256x1xi32>
      %eq3A_54 = vector.broadcast %broadcast_in_dim3A_53 : vector<256x1xi32> to vector<256x4096xi32>
      %eq3A_55 = arith.cmpi eq, %iota3A_21, %eq3A_54 : vector<256x4096xi32>
      %eq3A_56 = vector.broadcast %scan3A_42 : i32 to vector<1x32xi32>
      %eq3A_57 = arith.cmpi eq, %iota3A_26, %eq3A_56 : vector<1x32xi32>
      %broadcast_in_dim3A_58 = vector.shape_cast %eq3A_57 : vector<1x32xi1> to vector<1x32xi1>
      %broadcast_in_dim3A_59 = vector.broadcast %broadcast_in_dim3A_58 : vector<1x32xi1> to vector<256x32xi1>
      %broadcast_in_dim3A_60 = vector.shape_cast %broadcast_in_dim3A_53 : vector<256x1xi32> to vector<256x1xi32>
      %broadcast_in_dim3A_61 = vector.broadcast %broadcast_in_dim3A_60 : vector<256x1xi32> to vector<256x32xi32>
      %select_n3A_62 = arith.select %broadcast_in_dim3A_59, %broadcast_in_dim3A_61, %scan3A_45 : vector<256x32xi1>, vector<256x32xi32>
      %broadcast_in_dim3A_63 = vector.shape_cast %eq3A_57 : vector<1x32xi1> to vector<1x32xi1>
      %broadcast_in_dim3A_64 = vector.broadcast %broadcast_in_dim3A_63 : vector<1x32xi1> to vector<256x32xi1>
      %broadcast_in_dim3A_65 = vector.shape_cast %scan3A_44 : vector<256x1xf32> to vector<256x1xf32>
      %broadcast_in_dim3A_66 = vector.broadcast %broadcast_in_dim3A_65 : vector<256x1xf32> to vector<256x32xf32>
      %select_n3A_67 = arith.select %broadcast_in_dim3A_64, %broadcast_in_dim3A_66, %scan3A_46 : vector<256x32xi1>, vector<256x32xf32>
      %jit3A_68 = arith.constant 3.000000e+38 : f32
      %broadcast_in_dim3A_69 = vector.broadcast %jit3A_68 : f32 to vector<256x4096xf32>
      %select_n3A_70 = arith.select %eq3A_55, %broadcast_in_dim3A_69, %scan3A_43 : vector<256x4096xi1>, vector<256x4096xf32>
      %reduce_min3A_71 = arith.constant dense<0x7F800000> : vector<256xf32>
      %reduce_min3A_72 = vector.multi_reduction <minimumf>, %select_n3A_70, %reduce_min3A_71 [1] : vector<256x4096xf32> to vector<256xf32>
      %broadcast_in_dim3A_73 = vector.shape_cast %reduce_min3A_72 : vector<256xf32> to vector<256x1xf32>
      scf.yield %select_n3A_70, %broadcast_in_dim3A_73, %select_n3A_62, %select_n3A_67 : vector<256x4096xf32>, vector<256x1xf32>, vector<256x32xi32>, vector<256x32xf32>
    }
    %scan3A_36 = arith.constant 32 : i32
    %swap3A = arith.constant 0 : index
    %swap3A_37 = arith.constant 0 : index
    %swap3A_38 = vector.load %arg4[%swap3A, %swap3A_37] : memref<256x32xi32, #tpu.memory_space<vmem>>, vector<256x32xi32>
    tpu.vector_store %arg4[%swap3A, %swap3A_37], %scan3A_35#2 {strides = array<i32>} : memref<256x32xi32, #tpu.memory_space<vmem>>, vector<256x32xi32>,
    %swap3A_39 = arith.constant 0 : index
    %swap3A_40 = arith.constant 0 : index
    %swap3A_41 = vector.load %arg5[%swap3A_39, %swap3A_40] : memref<256x32xf32, #tpu.memory_space<vmem>>, vector<256x32xf32>
    tpu.vector_store %arg5[%swap3A_39, %swap3A_40], %scan3A_35#3 {strides = array<i32>} : memref<256x32xf32, #tpu.memory_space<vmem>>, vector<256x32xf32>,
    return
  }
  func.func @transform_0(%arg0: i32) -> (i32, i32) {
    %c0_i32 = arith.constant 0 : i32
    %c0_i32_0 = arith.constant 0 : i32
    return %arg0, %c0_i32 : i32, i32
  }
  func.func @transform_1(%arg0: i32) -> (i32, i32) {
    %c0_i32 = arith.constant 0 : i32
    %c0_i32_0 = arith.constant 0 : i32
    %c0_i32_1 = arith.constant 0 : i32
    return %c0_i32, %c0_i32_0 : i32, i32
  }
  func.func @transform_2(%arg0: i32) -> (i32, i32) {
    %c0_i32 = arith.constant 0 : i32
    %c0_i32_0 = arith.constant 0 : i32
    %c0_i32_1 = arith.constant 0 : i32
    return %c0_i32, %c0_i32_0 : i32, i32
  }
  func.func @transform_3(%arg0: i32) -> (i32, i32) {
    %c0_i32 = arith.constant 0 : i32
    %c0_i32_0 = arith.constant 0 : i32
    return %arg0, %c0_i32 : i32, i32
  }
  func.func @transform_4(%arg0: i32) -> (i32, i32) {
    %c0_i32 = arith.constant 0 : i32
    %c0_i32_0 = arith.constant 0 : i32
    return %arg0, %c0_i32 : i32, i32
  }
}

module attributes {stable_mosaic.version = 14 : i64} {
  func.func @_conv1_body(%arg0: i32, %arg1: memref<256x2xf32, #tpu.memory_space<vmem>>, %arg2: memref<256x32xf32, #tpu.memory_space<vmem>>, %arg3: memref<256x32xf32, #tpu.memory_space<vmem>>, %arg4: memref<256x32xf32, #tpu.memory_space<vmem>>, %arg5: memref<2x64xf32, #tpu.memory_space<vmem>>, %arg6: memref<1x64xf32, #tpu.memory_space<vmem>>, %arg7: memref<64x64xf32, #tpu.memory_space<vmem>>, %arg8: memref<1x64xf32, #tpu.memory_space<vmem>>, %arg9: memref<256x64xf32, #tpu.memory_space<vmem>>) attributes {dimension_semantics = [#tpu.dimension_semantics<arbitrary>], iteration_bounds = array<i64: 16>, scalar_prefetch = 0 : i64, scratch_operands = 0 : i64, tpu.core_type = #tpu.core_type<tc>, window_params = [{transform_indices = @transform_0, window_bounds = array<i64: 256, 2>}, {transform_indices = @transform_1, window_bounds = array<i64: 256, 32>}, {transform_indices = @transform_2, window_bounds = array<i64: 256, 32>}, {transform_indices = @transform_3, window_bounds = array<i64: 256, 32>}, {pipeline_mode = #tpu.pipeline_mode<synchronous>, transform_indices = @transform_4, window_bounds = array<i64: 2, 64>}, {pipeline_mode = #tpu.pipeline_mode<synchronous>, transform_indices = @transform_5, window_bounds = array<i64: 1, 64>}, {pipeline_mode = #tpu.pipeline_mode<synchronous>, transform_indices = @transform_6, window_bounds = array<i64: 64, 64>}, {pipeline_mode = #tpu.pipeline_mode<synchronous>, transform_indices = @transform_7, window_bounds = array<i64: 1, 64>}, {transform_indices = @transform_8, window_bounds = array<i64: 256, 64>}]} {
    %get3A = arith.constant 0 : index
    %get3A_0 = arith.constant 0 : index
    %get3A_1 = vector.load %arg5[%get3A, %get3A_0] : memref<2x64xf32, #tpu.memory_space<vmem>>, vector<2x64xf32>
    %get3A_2 = arith.constant 0 : index
    %get3A_3 = arith.constant 0 : index
    %get3A_4 = vector.load %arg2[%get3A_2, %get3A_3] : memref<256x32xf32, #tpu.memory_space<vmem>>, vector<256x32xf32>
    %get3A_5 = arith.constant 0 : index
    %get3A_6 = arith.constant 0 : index
    %get3A_7 = vector.load %arg1[%get3A_5, %get3A_6] : memref<256x2xf32, #tpu.memory_space<vmem>>, vector<256x1xf32>
    %sub3A = vector.broadcast %get3A_7 : vector<256x1xf32> to vector<256x32xf32>
    %sub3A_8 = arith.subf %get3A_4, %sub3A : vector<256x32xf32>
    %get3A_9 = arith.constant 0 : index
    %get3A_10 = arith.constant 0 : index
    %get3A_11 = vector.load %arg3[%get3A_9, %get3A_10] : memref<256x32xf32, #tpu.memory_space<vmem>>, vector<256x32xf32>
    %get3A_12 = arith.constant 0 : index
    %get3A_13 = arith.constant 1 : index
    %get3A_14 = vector.load %arg1[%get3A_12, %get3A_13] : memref<256x2xf32, #tpu.memory_space<vmem>>, vector<256x1xf32>
    %sub3A_15 = vector.broadcast %get3A_14 : vector<256x1xf32> to vector<256x32xf32>
    %sub3A_16 = arith.subf %get3A_11, %sub3A_15 : vector<256x32xf32>
    %broadcast_in_dim3A = vector.shape_cast %sub3A_8 : vector<256x32xf32> to vector<256x32x1xf32>
    %slice3A = vector.extract_strided_slice %get3A_1 {offsets = [0, 0], sizes = [1, 64], strides = [1, 1]} : vector<2x64xf32> to vector<1x64xf32>
    %broadcast_in_dim3A_17 = vector.shape_cast %slice3A : vector<1x64xf32> to vector<1x1x64xf32>
    %mul3A = vector.broadcast %broadcast_in_dim3A : vector<256x32x1xf32> to vector<256x32x64xf32>
    %mul3A_18 = vector.broadcast %broadcast_in_dim3A_17 : vector<1x1x64xf32> to vector<256x32x64xf32>
    %mul3A_19 = arith.mulf %mul3A, %mul3A_18 : vector<256x32x64xf32>
    %broadcast_in_dim3A_20 = vector.shape_cast %sub3A_16 : vector<256x32xf32> to vector<256x32x1xf32>
    %slice3A_21 = vector.extract_strided_slice %get3A_1 {offsets = [1, 0], sizes = [1, 64], strides = [1, 1]} : vector<2x64xf32> to vector<1x64xf32>
    %broadcast_in_dim3A_22 = vector.shape_cast %slice3A_21 : vector<1x64xf32> to vector<1x1x64xf32>
    %mul3A_23 = vector.broadcast %broadcast_in_dim3A_20 : vector<256x32x1xf32> to vector<256x32x64xf32>
    %mul3A_24 = vector.broadcast %broadcast_in_dim3A_22 : vector<1x1x64xf32> to vector<256x32x64xf32>
    %mul3A_25 = arith.mulf %mul3A_23, %mul3A_24 : vector<256x32x64xf32>
    %add3A = arith.addf %mul3A_19, %mul3A_25 : vector<256x32x64xf32>
    %get3A_26 = arith.constant 0 : index
    %get3A_27 = arith.constant 0 : index
    %get3A_28 = vector.load %arg6[%get3A_26, %get3A_27] : memref<1x64xf32, #tpu.memory_space<vmem>>, vector<1x64xf32>
    %broadcast_in_dim3A_29 = vector.shape_cast %get3A_28 : vector<1x64xf32> to vector<1x1x64xf32>
    %add3A_30 = vector.broadcast %broadcast_in_dim3A_29 : vector<1x1x64xf32> to vector<256x32x64xf32>
    %add3A_31 = arith.addf %add3A, %add3A_30 : vector<256x32x64xf32>
    %max3A = arith.constant 0.000000e+00 : f32
    %max3A_32 = vector.broadcast %max3A : f32 to vector<256x32x64xf32>
    %max3A_33 = arith.maximumf %add3A_31, %max3A_32 : vector<256x32x64xf32>
    %reshape3A = vector.shape_cast %max3A_33 : vector<256x32x64xf32> to vector<8192x64xf32>
    %get3A_34 = arith.constant 0 : index
    %get3A_35 = arith.constant 0 : index
    %get3A_36 = vector.load %arg7[%get3A_34, %get3A_35] : memref<64x64xf32, #tpu.memory_space<vmem>>, vector<64x64xf32>
    %dot_general3A = arith.constant dense<0.000000e+00> : vector<8192x64xf32>
    %dot_general3A_37 = tpu.matmul %reshape3A, %get3A_36, %dot_general3A {dimension_numbers = #tpu.dot_dimension_numbers<[1], [0], [0], [1], [0, 0, 1, 1], [], []>, transpose_lhs_hint = false} : vector<8192x64xf32>, vector<64x64xf32>, vector<8192x64xf32> -> vector<8192x64xf32>
    %get3A_38 = arith.constant 0 : index
    %get3A_39 = arith.constant 0 : index
    %get3A_40 = vector.load %arg8[%get3A_38, %get3A_39] : memref<1x64xf32, #tpu.memory_space<vmem>>, vector<1x64xf32>
    %add3A_41 = vector.broadcast %get3A_40 : vector<1x64xf32> to vector<8192x64xf32>
    %add3A_42 = arith.addf %dot_general3A_37, %add3A_41 : vector<8192x64xf32>
    %reshape3A_43 = vector.shape_cast %add3A_42 : vector<8192x64xf32> to vector<256x32x64xf32>
    %get3A_44 = arith.constant 0 : index
    %get3A_45 = arith.constant 0 : index
    %get3A_46 = vector.load %arg4[%get3A_44, %get3A_45] : memref<256x32xf32, #tpu.memory_space<vmem>>, vector<256x32xf32>
    %broadcast_in_dim3A_47 = vector.shape_cast %get3A_46 : vector<256x32xf32> to vector<256x32x1xf32>
    %le3A = arith.constant 4.000000e-02 : f32
    %le3A_48 = vector.broadcast %le3A : f32 to vector<256x32x1xf32>
    %le3A_49 = arith.cmpf ole, %broadcast_in_dim3A_47, %le3A_48 : vector<256x32x1xf32>
    %jit3A = arith.constant -1.000000e+30 : f32
    %broadcast_in_dim3A_50 = vector.shape_cast %le3A_49 : vector<256x32x1xi1> to vector<256x32x1xi1>
    %broadcast_in_dim3A_51 = vector.broadcast %broadcast_in_dim3A_50 : vector<256x32x1xi1> to vector<256x32x64xi1>
    %broadcast_in_dim3A_52 = vector.broadcast %jit3A : f32 to vector<256x32x64xf32>
    %select_n3A = arith.select %broadcast_in_dim3A_51, %reshape3A_43, %broadcast_in_dim3A_52 : vector<256x32x64xi1>, vector<256x32x64xf32>
    %reduce_max3A = arith.constant dense<0xFF800000> : vector<256x64xf32>
    %reduce_max3A_53 = vector.multi_reduction <maximumf>, %select_n3A, %reduce_max3A [1] : vector<256x32x64xf32> to vector<256x64xf32>
    %get3A_54 = arith.constant 0 : index
    %get3A_55 = arith.constant 0 : index
    %get3A_56 = vector.load %arg4[%get3A_54, %get3A_55] : memref<256x32xf32, #tpu.memory_space<vmem>>, vector<256x32xf32>
    %reduce_min3A = arith.constant dense<0x7F800000> : vector<256xf32>
    %reduce_min3A_57 = vector.multi_reduction <minimumf>, %get3A_56, %reduce_min3A [1] : vector<256x32xf32> to vector<256xf32>
    %broadcast_in_dim3A_58 = vector.shape_cast %reduce_min3A_57 : vector<256xf32> to vector<256x1xf32>
    %le3A_59 = arith.constant 4.000000e-02 : f32
    %le3A_60 = vector.broadcast %le3A_59 : f32 to vector<256x1xf32>
    %le3A_61 = arith.cmpf ole, %broadcast_in_dim3A_58, %le3A_60 : vector<256x1xf32>
    %max3A_62 = arith.constant 0.000000e+00 : f32
    %max3A_63 = vector.broadcast %max3A_62 : f32 to vector<256x64xf32>
    %max3A_64 = arith.maximumf %reduce_max3A_53, %max3A_63 : vector<256x64xf32>
    %jit3A_65 = arith.constant 0.000000e+00 : f32
    %broadcast_in_dim3A_66 = vector.shape_cast %le3A_61 : vector<256x1xi1> to vector<256x1xi1>
    %broadcast_in_dim3A_67 = vector.broadcast %broadcast_in_dim3A_66 : vector<256x1xi1> to vector<256x64xi1>
    %broadcast_in_dim3A_68 = vector.broadcast %jit3A_65 : f32 to vector<256x64xf32>
    %select_n3A_69 = arith.select %broadcast_in_dim3A_67, %max3A_64, %broadcast_in_dim3A_68 : vector<256x64xi1>, vector<256x64xf32>
    %swap3A = arith.constant 0 : index
    %swap3A_70 = arith.constant 0 : index
    %swap3A_71 = vector.load %arg9[%swap3A, %swap3A_70] : memref<256x64xf32, #tpu.memory_space<vmem>>, vector<256x64xf32>
    tpu.vector_store %arg9[%swap3A, %swap3A_70], %select_n3A_69 {strides = array<i32>} : memref<256x64xf32, #tpu.memory_space<vmem>>, vector<256x64xf32>,
    return
  }
  func.func @transform_0(%arg0: i32) -> (i32, i32) {
    %c0_i32 = arith.constant 0 : i32
    %c0_i32_0 = arith.constant 0 : i32
    return %arg0, %c0_i32 : i32, i32
  }
  func.func @transform_1(%arg0: i32) -> (i32, i32) {
    %c0_i32 = arith.constant 0 : i32
    %c0_i32_0 = arith.constant 0 : i32
    return %arg0, %c0_i32 : i32, i32
  }
  func.func @transform_2(%arg0: i32) -> (i32, i32) {
    %c0_i32 = arith.constant 0 : i32
    %c0_i32_0 = arith.constant 0 : i32
    return %arg0, %c0_i32 : i32, i32
  }
  func.func @transform_3(%arg0: i32) -> (i32, i32) {
    %c0_i32 = arith.constant 0 : i32
    %c0_i32_0 = arith.constant 0 : i32
    return %arg0, %c0_i32 : i32, i32
  }
  func.func @transform_4(%arg0: i32) -> (i32, i32) {
    %c0_i32 = arith.constant 0 : i32
    %c0_i32_0 = arith.constant 0 : i32
    %c0_i32_1 = arith.constant 0 : i32
    return %c0_i32, %c0_i32_0 : i32, i32
  }
  func.func @transform_5(%arg0: i32) -> (i32, i32) {
    %c0_i32 = arith.constant 0 : i32
    %c0_i32_0 = arith.constant 0 : i32
    %c0_i32_1 = arith.constant 0 : i32
    return %c0_i32, %c0_i32_0 : i32, i32
  }
  func.func @transform_6(%arg0: i32) -> (i32, i32) {
    %c0_i32 = arith.constant 0 : i32
    %c0_i32_0 = arith.constant 0 : i32
    %c0_i32_1 = arith.constant 0 : i32
    return %c0_i32, %c0_i32_0 : i32, i32
  }
  func.func @transform_7(%arg0: i32) -> (i32, i32) {
    %c0_i32 = arith.constant 0 : i32
    %c0_i32_0 = arith.constant 0 : i32
    %c0_i32_1 = arith.constant 0 : i32
    return %c0_i32, %c0_i32_0 : i32, i32
  }
  func.func @transform_8(%arg0: i32) -> (i32, i32) {
    %c0_i32 = arith.constant 0 : i32
    %c0_i32_0 = arith.constant 0 : i32
    return %arg0, %c0_i32 : i32, i32
  }
}

module attributes {stable_mosaic.version = 14 : i64} {
  func.func @_convn_body(%arg0: i32, %arg1: memref<4096x64xf32, #tpu.memory_space<vmem>>, %arg2: memref<128x2xf32, #tpu.memory_space<vmem>>, %arg3: memref<128x32xf32, #tpu.memory_space<vmem>>, %arg4: memref<128x32xf32, #tpu.memory_space<vmem>>, %arg5: memref<128x32xf32, #tpu.memory_space<vmem>>, %arg6: memref<66x128xf32, #tpu.memory_space<vmem>>, %arg7: memref<1x128xf32, #tpu.memory_space<vmem>>, %arg8: memref<128x128xf32, #tpu.memory_space<vmem>>, %arg9: memref<1x128xf32, #tpu.memory_space<vmem>>, %arg10: memref<128x128xf32, #tpu.memory_space<vmem>>) attributes {dimension_semantics = [#tpu.dimension_semantics<arbitrary>], iteration_bounds = array<i64: 32>, scalar_prefetch = 0 : i64, scratch_operands = 0 : i64, tpu.core_type = #tpu.core_type<tc>, window_params = [{transform_indices = @transform_0, window_bounds = array<i64: 4096, 64>}, {transform_indices = @transform_1, window_bounds = array<i64: 128, 2>}, {transform_indices = @transform_2, window_bounds = array<i64: 128, 32>}, {transform_indices = @transform_3, window_bounds = array<i64: 128, 32>}, {transform_indices = @transform_4, window_bounds = array<i64: 128, 32>}, {pipeline_mode = #tpu.pipeline_mode<synchronous>, transform_indices = @transform_5, window_bounds = array<i64: 66, 128>}, {pipeline_mode = #tpu.pipeline_mode<synchronous>, transform_indices = @transform_6, window_bounds = array<i64: 1, 128>}, {pipeline_mode = #tpu.pipeline_mode<synchronous>, transform_indices = @transform_7, window_bounds = array<i64: 128, 128>}, {pipeline_mode = #tpu.pipeline_mode<synchronous>, transform_indices = @transform_8, window_bounds = array<i64: 1, 128>}, {transform_indices = @transform_9, window_bounds = array<i64: 128, 128>}]} {
    %get3A = arith.constant 0 : index
    %get3A_0 = arith.constant 0 : index
    %get3A_1 = vector.load %arg6[%get3A, %get3A_0] : memref<66x128xf32, #tpu.memory_space<vmem>>, vector<64x128xf32>
    %get3A_2 = arith.constant 64 : index
    %get3A_3 = arith.constant 0 : index
    %get3A_4 = vector.load %arg6[%get3A_2, %get3A_3] : memref<66x128xf32, #tpu.memory_space<vmem>>, vector<2x128xf32>
    %get3A_5 = arith.constant 0 : index
    %get3A_6 = arith.constant 0 : index
    %get3A_7 = vector.load %arg3[%get3A_5, %get3A_6] : memref<128x32xf32, #tpu.memory_space<vmem>>, vector<128x32xf32>
    %get3A_8 = arith.constant 0 : index
    %get3A_9 = arith.constant 0 : index
    %get3A_10 = vector.load %arg2[%get3A_8, %get3A_9] : memref<128x2xf32, #tpu.memory_space<vmem>>, vector<128x1xf32>
    %sub3A = vector.broadcast %get3A_10 : vector<128x1xf32> to vector<128x32xf32>
    %sub3A_11 = arith.subf %get3A_7, %sub3A : vector<128x32xf32>
    %get3A_12 = arith.constant 0 : index
    %get3A_13 = arith.constant 0 : index
    %get3A_14 = vector.load %arg4[%get3A_12, %get3A_13] : memref<128x32xf32, #tpu.memory_space<vmem>>, vector<128x32xf32>
    %get3A_15 = arith.constant 0 : index
    %get3A_16 = arith.constant 1 : index
    %get3A_17 = vector.load %arg2[%get3A_15, %get3A_16] : memref<128x2xf32, #tpu.memory_space<vmem>>, vector<128x1xf32>
    %sub3A_18 = vector.broadcast %get3A_17 : vector<128x1xf32> to vector<128x32xf32>
    %sub3A_19 = arith.subf %get3A_14, %sub3A_18 : vector<128x32xf32>
    %get3A_20 = arith.constant 0 : index
    %get3A_21 = arith.constant 0 : index
    %get3A_22 = vector.load %arg1[%get3A_20, %get3A_21] : memref<4096x64xf32, #tpu.memory_space<vmem>>, vector<4096x64xf32>
    %dot_general3A = arith.constant dense<0.000000e+00> : vector<4096x128xf32>
    %dot_general3A_23 = tpu.matmul %get3A_22, %get3A_1, %dot_general3A {dimension_numbers = #tpu.dot_dimension_numbers<[1], [0], [0], [1], [0, 0, 1, 1], [], []>, transpose_lhs_hint = false} : vector<4096x64xf32>, vector<64x128xf32>, vector<4096x128xf32> -> vector<4096x128xf32>
    %reshape3A = vector.shape_cast %dot_general3A_23 : vector<4096x128xf32> to vector<128x32x128xf32>
    %broadcast_in_dim3A = vector.shape_cast %sub3A_11 : vector<128x32xf32> to vector<128x32x1xf32>
    %slice3A = vector.extract_strided_slice %get3A_4 {offsets = [0, 0], sizes = [1, 128], strides = [1, 1]} : vector<2x128xf32> to vector<1x128xf32>
    %broadcast_in_dim3A_24 = vector.shape_cast %slice3A : vector<1x128xf32> to vector<1x1x128xf32>
    %mul3A = vector.broadcast %broadcast_in_dim3A : vector<128x32x1xf32> to vector<128x32x128xf32>
    %mul3A_25 = vector.broadcast %broadcast_in_dim3A_24 : vector<1x1x128xf32> to vector<128x32x128xf32>
    %mul3A_26 = arith.mulf %mul3A, %mul3A_25 : vector<128x32x128xf32>
    %add3A = arith.addf %reshape3A, %mul3A_26 : vector<128x32x128xf32>
    %broadcast_in_dim3A_27 = vector.shape_cast %sub3A_19 : vector<128x32xf32> to vector<128x32x1xf32>
    %slice3A_28 = vector.extract_strided_slice %get3A_4 {offsets = [1, 0], sizes = [1, 128], strides = [1, 1]} : vector<2x128xf32> to vector<1x128xf32>
    %broadcast_in_dim3A_29 = vector.shape_cast %slice3A_28 : vector<1x128xf32> to vector<1x1x128xf32>
    %mul3A_30 = vector.broadcast %broadcast_in_dim3A_27 : vector<128x32x1xf32> to vector<128x32x128xf32>
    %mul3A_31 = vector.broadcast %broadcast_in_dim3A_29 : vector<1x1x128xf32> to vector<128x32x128xf32>
    %mul3A_32 = arith.mulf %mul3A_30, %mul3A_31 : vector<128x32x128xf32>
    %add3A_33 = arith.addf %add3A, %mul3A_32 : vector<128x32x128xf32>
    %get3A_34 = arith.constant 0 : index
    %get3A_35 = arith.constant 0 : index
    %get3A_36 = vector.load %arg7[%get3A_34, %get3A_35] : memref<1x128xf32, #tpu.memory_space<vmem>>, vector<1x128xf32>
    %broadcast_in_dim3A_37 = vector.shape_cast %get3A_36 : vector<1x128xf32> to vector<1x1x128xf32>
    %add3A_38 = vector.broadcast %broadcast_in_dim3A_37 : vector<1x1x128xf32> to vector<128x32x128xf32>
    %add3A_39 = arith.addf %add3A_33, %add3A_38 : vector<128x32x128xf32>
    %max3A = arith.constant 0.000000e+00 : f32
    %max3A_40 = vector.broadcast %max3A : f32 to vector<128x32x128xf32>
    %max3A_41 = arith.maximumf %add3A_39, %max3A_40 : vector<128x32x128xf32>
    %reshape3A_42 = vector.shape_cast %max3A_41 : vector<128x32x128xf32> to vector<4096x128xf32>
    %get3A_43 = arith.constant 0 : index
    %get3A_44 = arith.constant 0 : index
    %get3A_45 = vector.load %arg8[%get3A_43, %get3A_44] : memref<128x128xf32, #tpu.memory_space<vmem>>, vector<128x128xf32>
    %dot_general3A_46 = arith.constant dense<0.000000e+00> : vector<4096x128xf32>
    %dot_general3A_47 = tpu.matmul %reshape3A_42, %get3A_45, %dot_general3A_46 {dimension_numbers = #tpu.dot_dimension_numbers<[1], [0], [0], [1], [0, 0, 1, 1], [], []>, transpose_lhs_hint = false} : vector<4096x128xf32>, vector<128x128xf32>, vector<4096x128xf32> -> vector<4096x128xf32>
    %get3A_48 = arith.constant 0 : index
    %get3A_49 = arith.constant 0 : index
    %get3A_50 = vector.load %arg9[%get3A_48, %get3A_49] : memref<1x128xf32, #tpu.memory_space<vmem>>, vector<1x128xf32>
    %add3A_51 = vector.broadcast %get3A_50 : vector<1x128xf32> to vector<4096x128xf32>
    %add3A_52 = arith.addf %dot_general3A_47, %add3A_51 : vector<4096x128xf32>
    %reshape3A_53 = vector.shape_cast %add3A_52 : vector<4096x128xf32> to vector<128x32x128xf32>
    %get3A_54 = arith.constant 0 : index
    %get3A_55 = arith.constant 0 : index
    %get3A_56 = vector.load %arg5[%get3A_54, %get3A_55] : memref<128x32xf32, #tpu.memory_space<vmem>>, vector<128x32xf32>
    %broadcast_in_dim3A_57 = vector.shape_cast %get3A_56 : vector<128x32xf32> to vector<128x32x1xf32>
    %le3A = arith.constant 1.600000e-01 : f32
    %le3A_58 = vector.broadcast %le3A : f32 to vector<128x32x1xf32>
    %le3A_59 = arith.cmpf ole, %broadcast_in_dim3A_57, %le3A_58 : vector<128x32x1xf32>
    %jit3A = arith.constant -1.000000e+30 : f32
    %broadcast_in_dim3A_60 = vector.shape_cast %le3A_59 : vector<128x32x1xi1> to vector<128x32x1xi1>
    %broadcast_in_dim3A_61 = vector.broadcast %broadcast_in_dim3A_60 : vector<128x32x1xi1> to vector<128x32x128xi1>
    %broadcast_in_dim3A_62 = vector.broadcast %jit3A : f32 to vector<128x32x128xf32>
    %select_n3A = arith.select %broadcast_in_dim3A_61, %reshape3A_53, %broadcast_in_dim3A_62 : vector<128x32x128xi1>, vector<128x32x128xf32>
    %reduce_max3A = arith.constant dense<0xFF800000> : vector<128x128xf32>
    %reduce_max3A_63 = vector.multi_reduction <maximumf>, %select_n3A, %reduce_max3A [1] : vector<128x32x128xf32> to vector<128x128xf32>
    %get3A_64 = arith.constant 0 : index
    %get3A_65 = arith.constant 0 : index
    %get3A_66 = vector.load %arg5[%get3A_64, %get3A_65] : memref<128x32xf32, #tpu.memory_space<vmem>>, vector<128x32xf32>
    %reduce_min3A = arith.constant dense<0x7F800000> : vector<128xf32>
    %reduce_min3A_67 = vector.multi_reduction <minimumf>, %get3A_66, %reduce_min3A [1] : vector<128x32xf32> to vector<128xf32>
    %broadcast_in_dim3A_68 = vector.shape_cast %reduce_min3A_67 : vector<128xf32> to vector<128x1xf32>
    %le3A_69 = arith.constant 1.600000e-01 : f32
    %le3A_70 = vector.broadcast %le3A_69 : f32 to vector<128x1xf32>
    %le3A_71 = arith.cmpf ole, %broadcast_in_dim3A_68, %le3A_70 : vector<128x1xf32>
    %max3A_72 = arith.constant 0.000000e+00 : f32
    %max3A_73 = vector.broadcast %max3A_72 : f32 to vector<128x128xf32>
    %max3A_74 = arith.maximumf %reduce_max3A_63, %max3A_73 : vector<128x128xf32>
    %jit3A_75 = arith.constant 0.000000e+00 : f32
    %broadcast_in_dim3A_76 = vector.shape_cast %le3A_71 : vector<128x1xi1> to vector<128x1xi1>
    %broadcast_in_dim3A_77 = vector.broadcast %broadcast_in_dim3A_76 : vector<128x1xi1> to vector<128x128xi1>
    %broadcast_in_dim3A_78 = vector.broadcast %jit3A_75 : f32 to vector<128x128xf32>
    %select_n3A_79 = arith.select %broadcast_in_dim3A_77, %max3A_74, %broadcast_in_dim3A_78 : vector<128x128xi1>, vector<128x128xf32>
    %swap3A = arith.constant 0 : index
    %swap3A_80 = arith.constant 0 : index
    %swap3A_81 = vector.load %arg10[%swap3A, %swap3A_80] : memref<128x128xf32, #tpu.memory_space<vmem>>, vector<128x128xf32>
    tpu.vector_store %arg10[%swap3A, %swap3A_80], %select_n3A_79 {strides = array<i32>} : memref<128x128xf32, #tpu.memory_space<vmem>>, vector<128x128xf32>,
    return
  }
  func.func @transform_0(%arg0: i32) -> (i32, i32) {
    %c0_i32 = arith.constant 0 : i32
    %c0_i32_0 = arith.constant 0 : i32
    return %arg0, %c0_i32 : i32, i32
  }
  func.func @transform_1(%arg0: i32) -> (i32, i32) {
    %c0_i32 = arith.constant 0 : i32
    %c0_i32_0 = arith.constant 0 : i32
    return %arg0, %c0_i32 : i32, i32
  }
  func.func @transform_2(%arg0: i32) -> (i32, i32) {
    %c0_i32 = arith.constant 0 : i32
    %c0_i32_0 = arith.constant 0 : i32
    return %arg0, %c0_i32 : i32, i32
  }
  func.func @transform_3(%arg0: i32) -> (i32, i32) {
    %c0_i32 = arith.constant 0 : i32
    %c0_i32_0 = arith.constant 0 : i32
    return %arg0, %c0_i32 : i32, i32
  }
  func.func @transform_4(%arg0: i32) -> (i32, i32) {
    %c0_i32 = arith.constant 0 : i32
    %c0_i32_0 = arith.constant 0 : i32
    return %arg0, %c0_i32 : i32, i32
  }
  func.func @transform_5(%arg0: i32) -> (i32, i32) {
    %c0_i32 = arith.constant 0 : i32
    %c0_i32_0 = arith.constant 0 : i32
    %c0_i32_1 = arith.constant 0 : i32
    return %c0_i32, %c0_i32_0 : i32, i32
  }
  func.func @transform_6(%arg0: i32) -> (i32, i32) {
    %c0_i32 = arith.constant 0 : i32
    %c0_i32_0 = arith.constant 0 : i32
    %c0_i32_1 = arith.constant 0 : i32
    return %c0_i32, %c0_i32_0 : i32, i32
  }
  func.func @transform_7(%arg0: i32) -> (i32, i32) {
    %c0_i32 = arith.constant 0 : i32
    %c0_i32_0 = arith.constant 0 : i32
    %c0_i32_1 = arith.constant 0 : i32
    return %c0_i32, %c0_i32_0 : i32, i32
  }
  func.func @transform_8(%arg0: i32) -> (i32, i32) {
    %c0_i32 = arith.constant 0 : i32
    %c0_i32_0 = arith.constant 0 : i32
    %c0_i32_1 = arith.constant 0 : i32
    return %c0_i32, %c0_i32_0 : i32, i32
  }
  func.func @transform_9(%arg0: i32) -> (i32, i32) {
    %c0_i32 = arith.constant 0 : i32
    %c0_i32_0 = arith.constant 0 : i32
    return %arg0, %c0_i32 : i32, i32
  }
}

module attributes {stable_mosaic.version = 14 : i64} {
  func.func @_convn_body(%arg0: i32, %arg1: memref<2048x128xf32, #tpu.memory_space<vmem>>, %arg2: memref<64x2xf32, #tpu.memory_space<vmem>>, %arg3: memref<64x32xf32, #tpu.memory_space<vmem>>, %arg4: memref<64x32xf32, #tpu.memory_space<vmem>>, %arg5: memref<64x32xf32, #tpu.memory_space<vmem>>, %arg6: memref<130x256xf32, #tpu.memory_space<vmem>>, %arg7: memref<1x256xf32, #tpu.memory_space<vmem>>, %arg8: memref<256x256xf32, #tpu.memory_space<vmem>>, %arg9: memref<1x256xf32, #tpu.memory_space<vmem>>, %arg10: memref<1x256xf32, #tpu.memory_space<vmem>>) attributes {dimension_semantics = [#tpu.dimension_semantics<arbitrary>], iteration_bounds = array<i64: 64>, scalar_prefetch = 0 : i64, scratch_operands = 0 : i64, tpu.core_type = #tpu.core_type<tc>, window_params = [{transform_indices = @transform_0, window_bounds = array<i64: 2048, 128>}, {transform_indices = @transform_1, window_bounds = array<i64: 64, 2>}, {transform_indices = @transform_2, window_bounds = array<i64: 64, 32>}, {transform_indices = @transform_3, window_bounds = array<i64: 64, 32>}, {transform_indices = @transform_4, window_bounds = array<i64: 64, 32>}, {pipeline_mode = #tpu.pipeline_mode<synchronous>, transform_indices = @transform_5, window_bounds = array<i64: 130, 256>}, {pipeline_mode = #tpu.pipeline_mode<synchronous>, transform_indices = @transform_6, window_bounds = array<i64: 1, 256>}, {pipeline_mode = #tpu.pipeline_mode<synchronous>, transform_indices = @transform_7, window_bounds = array<i64: 256, 256>}, {pipeline_mode = #tpu.pipeline_mode<synchronous>, transform_indices = @transform_8, window_bounds = array<i64: 1, 256>}, {pipeline_mode = #tpu.pipeline_mode<synchronous>, transform_indices = @transform_9, window_bounds = array<i64: 1, 256>}]} {
    %get3A = arith.constant 0 : index
    %get3A_0 = arith.constant 0 : index
    %get3A_1 = vector.load %arg6[%get3A, %get3A_0] : memref<130x256xf32, #tpu.memory_space<vmem>>, vector<128x256xf32>
    %get3A_2 = arith.constant 128 : index
    %get3A_3 = arith.constant 0 : index
    %get3A_4 = vector.load %arg6[%get3A_2, %get3A_3] : memref<130x256xf32, #tpu.memory_space<vmem>>, vector<2x256xf32>
    %get3A_5 = arith.constant 0 : index
    %get3A_6 = arith.constant 0 : index
    %get3A_7 = vector.load %arg3[%get3A_5, %get3A_6] : memref<64x32xf32, #tpu.memory_space<vmem>>, vector<64x32xf32>
    %get3A_8 = arith.constant 0 : index
    %get3A_9 = arith.constant 0 : index
    %get3A_10 = vector.load %arg2[%get3A_8, %get3A_9] : memref<64x2xf32, #tpu.memory_space<vmem>>, vector<64x1xf32>
    %sub3A = vector.broadcast %get3A_10 : vector<64x1xf32> to vector<64x32xf32>
    %sub3A_11 = arith.subf %get3A_7, %sub3A : vector<64x32xf32>
    %get3A_12 = arith.constant 0 : index
    %get3A_13 = arith.constant 0 : index
    %get3A_14 = vector.load %arg4[%get3A_12, %get3A_13] : memref<64x32xf32, #tpu.memory_space<vmem>>, vector<64x32xf32>
    %get3A_15 = arith.constant 0 : index
    %get3A_16 = arith.constant 1 : index
    %get3A_17 = vector.load %arg2[%get3A_15, %get3A_16] : memref<64x2xf32, #tpu.memory_space<vmem>>, vector<64x1xf32>
    %sub3A_18 = vector.broadcast %get3A_17 : vector<64x1xf32> to vector<64x32xf32>
    %sub3A_19 = arith.subf %get3A_14, %sub3A_18 : vector<64x32xf32>
    %get3A_20 = arith.constant 0 : index
    %get3A_21 = arith.constant 0 : index
    %get3A_22 = vector.load %arg1[%get3A_20, %get3A_21] : memref<2048x128xf32, #tpu.memory_space<vmem>>, vector<2048x128xf32>
    %dot_general3A = arith.constant dense<0.000000e+00> : vector<2048x256xf32>
    %dot_general3A_23 = tpu.matmul %get3A_22, %get3A_1, %dot_general3A {dimension_numbers = #tpu.dot_dimension_numbers<[1], [0], [0], [1], [0, 0, 1, 1], [], []>, transpose_lhs_hint = false} : vector<2048x128xf32>, vector<128x256xf32>, vector<2048x256xf32> -> vector<2048x256xf32>
    %reshape3A = vector.shape_cast %dot_general3A_23 : vector<2048x256xf32> to vector<64x32x256xf32>
    %broadcast_in_dim3A = vector.shape_cast %sub3A_11 : vector<64x32xf32> to vector<64x32x1xf32>
    %slice3A = vector.extract_strided_slice %get3A_4 {offsets = [0, 0], sizes = [1, 256], strides = [1, 1]} : vector<2x256xf32> to vector<1x256xf32>
    %broadcast_in_dim3A_24 = vector.shape_cast %slice3A : vector<1x256xf32> to vector<1x1x256xf32>
    %mul3A = vector.broadcast %broadcast_in_dim3A : vector<64x32x1xf32> to vector<64x32x256xf32>
    %mul3A_25 = vector.broadcast %broadcast_in_dim3A_24 : vector<1x1x256xf32> to vector<64x32x256xf32>
    %mul3A_26 = arith.mulf %mul3A, %mul3A_25 : vector<64x32x256xf32>
    %add3A = arith.addf %reshape3A, %mul3A_26 : vector<64x32x256xf32>
    %broadcast_in_dim3A_27 = vector.shape_cast %sub3A_19 : vector<64x32xf32> to vector<64x32x1xf32>
    %slice3A_28 = vector.extract_strided_slice %get3A_4 {offsets = [1, 0], sizes = [1, 256], strides = [1, 1]} : vector<2x256xf32> to vector<1x256xf32>
    %broadcast_in_dim3A_29 = vector.shape_cast %slice3A_28 : vector<1x256xf32> to vector<1x1x256xf32>
    %mul3A_30 = vector.broadcast %broadcast_in_dim3A_27 : vector<64x32x1xf32> to vector<64x32x256xf32>
    %mul3A_31 = vector.broadcast %broadcast_in_dim3A_29 : vector<1x1x256xf32> to vector<64x32x256xf32>
    %mul3A_32 = arith.mulf %mul3A_30, %mul3A_31 : vector<64x32x256xf32>
    %add3A_33 = arith.addf %add3A, %mul3A_32 : vector<64x32x256xf32>
    %get3A_34 = arith.constant 0 : index
    %get3A_35 = arith.constant 0 : index
    %get3A_36 = vector.load %arg7[%get3A_34, %get3A_35] : memref<1x256xf32, #tpu.memory_space<vmem>>, vector<1x256xf32>
    %broadcast_in_dim3A_37 = vector.shape_cast %get3A_36 : vector<1x256xf32> to vector<1x1x256xf32>
    %add3A_38 = vector.broadcast %broadcast_in_dim3A_37 : vector<1x1x256xf32> to vector<64x32x256xf32>
    %add3A_39 = arith.addf %add3A_33, %add3A_38 : vector<64x32x256xf32>
    %max3A = arith.constant 0.000000e+00 : f32
    %max3A_40 = vector.broadcast %max3A : f32 to vector<64x32x256xf32>
    %max3A_41 = arith.maximumf %add3A_39, %max3A_40 : vector<64x32x256xf32>
    %reshape3A_42 = vector.shape_cast %max3A_41 : vector<64x32x256xf32> to vector<2048x256xf32>
    %get3A_43 = arith.constant 0 : index
    %get3A_44 = arith.constant 0 : index
    %get3A_45 = vector.load %arg8[%get3A_43, %get3A_44] : memref<256x256xf32, #tpu.memory_space<vmem>>, vector<256x256xf32>
    %dot_general3A_46 = arith.constant dense<0.000000e+00> : vector<2048x256xf32>
    %dot_general3A_47 = tpu.matmul %reshape3A_42, %get3A_45, %dot_general3A_46 {dimension_numbers = #tpu.dot_dimension_numbers<[1], [0], [0], [1], [0, 0, 1, 1], [], []>, transpose_lhs_hint = false} : vector<2048x256xf32>, vector<256x256xf32>, vector<2048x256xf32> -> vector<2048x256xf32>
    %get3A_48 = arith.constant 0 : index
    %get3A_49 = arith.constant 0 : index
    %get3A_50 = vector.load %arg9[%get3A_48, %get3A_49] : memref<1x256xf32, #tpu.memory_space<vmem>>, vector<1x256xf32>
    %add3A_51 = vector.broadcast %get3A_50 : vector<1x256xf32> to vector<2048x256xf32>
    %add3A_52 = arith.addf %dot_general3A_47, %add3A_51 : vector<2048x256xf32>
    %reshape3A_53 = vector.shape_cast %add3A_52 : vector<2048x256xf32> to vector<64x32x256xf32>
    %get3A_54 = arith.constant 0 : index
    %get3A_55 = arith.constant 0 : index
    %get3A_56 = vector.load %arg5[%get3A_54, %get3A_55] : memref<64x32xf32, #tpu.memory_space<vmem>>, vector<64x32xf32>
    %broadcast_in_dim3A_57 = vector.shape_cast %get3A_56 : vector<64x32xf32> to vector<64x32x1xf32>
    %le3A = arith.constant 3.600000e-01 : f32
    %le3A_58 = vector.broadcast %le3A : f32 to vector<64x32x1xf32>
    %le3A_59 = arith.cmpf ole, %broadcast_in_dim3A_57, %le3A_58 : vector<64x32x1xf32>
    %jit3A = arith.constant -1.000000e+30 : f32
    %broadcast_in_dim3A_60 = vector.shape_cast %le3A_59 : vector<64x32x1xi1> to vector<64x32x1xi1>
    %broadcast_in_dim3A_61 = vector.broadcast %broadcast_in_dim3A_60 : vector<64x32x1xi1> to vector<64x32x256xi1>
    %broadcast_in_dim3A_62 = vector.broadcast %jit3A : f32 to vector<64x32x256xf32>
    %select_n3A = arith.select %broadcast_in_dim3A_61, %reshape3A_53, %broadcast_in_dim3A_62 : vector<64x32x256xi1>, vector<64x32x256xf32>
    %reduce_max3A = arith.constant dense<0xFF800000> : vector<64x256xf32>
    %reduce_max3A_63 = vector.multi_reduction <maximumf>, %select_n3A, %reduce_max3A [1] : vector<64x32x256xf32> to vector<64x256xf32>
    %get3A_64 = arith.constant 0 : index
    %get3A_65 = arith.constant 0 : index
    %get3A_66 = vector.load %arg5[%get3A_64, %get3A_65] : memref<64x32xf32, #tpu.memory_space<vmem>>, vector<64x32xf32>
    %reduce_min3A = arith.constant dense<0x7F800000> : vector<64xf32>
    %reduce_min3A_67 = vector.multi_reduction <minimumf>, %get3A_66, %reduce_min3A [1] : vector<64x32xf32> to vector<64xf32>
    %broadcast_in_dim3A_68 = vector.shape_cast %reduce_min3A_67 : vector<64xf32> to vector<64x1xf32>
    %le3A_69 = arith.constant 3.600000e-01 : f32
    %le3A_70 = vector.broadcast %le3A_69 : f32 to vector<64x1xf32>
    %le3A_71 = arith.cmpf ole, %broadcast_in_dim3A_68, %le3A_70 : vector<64x1xf32>
    %max3A_72 = arith.constant 0.000000e+00 : f32
    %max3A_73 = vector.broadcast %max3A_72 : f32 to vector<64x256xf32>
    %max3A_74 = arith.maximumf %reduce_max3A_63, %max3A_73 : vector<64x256xf32>
    %jit3A_75 = arith.constant 0.000000e+00 : f32
    %broadcast_in_dim3A_76 = vector.shape_cast %le3A_71 : vector<64x1xi1> to vector<64x1xi1>
    %broadcast_in_dim3A_77 = vector.broadcast %broadcast_in_dim3A_76 : vector<64x1xi1> to vector<64x256xi1>
    %broadcast_in_dim3A_78 = vector.broadcast %jit3A_75 : f32 to vector<64x256xf32>
    %select_n3A_79 = arith.select %broadcast_in_dim3A_77, %max3A_74, %broadcast_in_dim3A_78 : vector<64x256xi1>, vector<64x256xf32>
    %eq3A = arith.constant 0 : i32
    %eq3A_80 = arith.cmpi eq, %arg0, %eq3A : i32
    %convert_element_type3A = arith.extui %eq3A_80 : i1 to i32
    %cond3A = arith.constant 0 : i32
    %cond3A_81 = arith.cmpi ne, %convert_element_type3A, %cond3A : i32
    scf.if %cond3A_81 {
      %broadcast_in_dim3A_90 = arith.constant 0.000000e+00 : f32
      %broadcast_in_dim3A_91 = vector.broadcast %broadcast_in_dim3A_90 : f32 to vector<1x256xf32>
      %swap3A_92 = arith.constant 0 : index
      %swap3A_93 = arith.constant 0 : index
      %swap3A_94 = vector.load %arg10[%swap3A_92, %swap3A_93] : memref<1x256xf32, #tpu.memory_space<vmem>>, vector<1x256xf32>
      tpu.vector_store %arg10[%swap3A_92, %swap3A_93], %broadcast_in_dim3A_91 {strides = array<i32>} : memref<1x256xf32, #tpu.memory_space<vmem>>, vector<1x256xf32>,
    } else {
    }
    %get3A_82 = arith.constant 0 : index
    %get3A_83 = arith.constant 0 : index
    %get3A_84 = vector.load %arg10[%get3A_82, %get3A_83] : memref<1x256xf32, #tpu.memory_space<vmem>>, vector<1x256xf32>
    %reduce_sum3A = arith.constant dense<0.000000e+00> : vector<256xf32>
    %reduce_sum3A_85 = vector.multi_reduction <add>, %select_n3A_79, %reduce_sum3A [0] : vector<64x256xf32> to vector<256xf32>
    %broadcast_in_dim3A_86 = vector.shape_cast %reduce_sum3A_85 : vector<256xf32> to vector<1x256xf32>
    %add3A_87 = arith.addf %get3A_84, %broadcast_in_dim3A_86 : vector<1x256xf32>
    %swap3A = arith.constant 0 : index
    %swap3A_88 = arith.constant 0 : index
    %swap3A_89 = vector.load %arg10[%swap3A, %swap3A_88] : memref<1x256xf32, #tpu.memory_space<vmem>>, vector<1x256xf32>
    tpu.vector_store %arg10[%swap3A, %swap3A_88], %add3A_87 {strides = array<i32>} : memref<1x256xf32, #tpu.memory_space<vmem>>, vector<1x256xf32>,
    return
  }
  func.func @transform_0(%arg0: i32) -> (i32, i32) {
    %c0_i32 = arith.constant 0 : i32
    %c0_i32_0 = arith.constant 0 : i32
    return %arg0, %c0_i32 : i32, i32
  }
  func.func @transform_1(%arg0: i32) -> (i32, i32) {
    %c0_i32 = arith.constant 0 : i32
    %c0_i32_0 = arith.constant 0 : i32
    return %arg0, %c0_i32 : i32, i32
  }
  func.func @transform_2(%arg0: i32) -> (i32, i32) {
    %c0_i32 = arith.constant 0 : i32
    %c0_i32_0 = arith.constant 0 : i32
    return %arg0, %c0_i32 : i32, i32
  }
  func.func @transform_3(%arg0: i32) -> (i32, i32) {
    %c0_i32 = arith.constant 0 : i32
    %c0_i32_0 = arith.constant 0 : i32
    return %arg0, %c0_i32 : i32, i32
  }
  func.func @transform_4(%arg0: i32) -> (i32, i32) {
    %c0_i32 = arith.constant 0 : i32
    %c0_i32_0 = arith.constant 0 : i32
    return %arg0, %c0_i32 : i32, i32
  }
  func.func @transform_5(%arg0: i32) -> (i32, i32) {
    %c0_i32 = arith.constant 0 : i32
    %c0_i32_0 = arith.constant 0 : i32
    %c0_i32_1 = arith.constant 0 : i32
    return %c0_i32, %c0_i32_0 : i32, i32
  }
  func.func @transform_6(%arg0: i32) -> (i32, i32) {
    %c0_i32 = arith.constant 0 : i32
    %c0_i32_0 = arith.constant 0 : i32
    %c0_i32_1 = arith.constant 0 : i32
    return %c0_i32, %c0_i32_0 : i32, i32
  }
  func.func @transform_7(%arg0: i32) -> (i32, i32) {
    %c0_i32 = arith.constant 0 : i32
    %c0_i32_0 = arith.constant 0 : i32
    %c0_i32_1 = arith.constant 0 : i32
    return %c0_i32, %c0_i32_0 : i32, i32
  }
  func.func @transform_8(%arg0: i32) -> (i32, i32) {
    %c0_i32 = arith.constant 0 : i32
    %c0_i32_0 = arith.constant 0 : i32
    %c0_i32_1 = arith.constant 0 : i32
    return %c0_i32, %c0_i32_0 : i32, i32
  }
  func.func @transform_9(%arg0: i32) -> (i32, i32) {
    %c0_i32 = arith.constant 0 : i32
    %c0_i32_0 = arith.constant 0 : i32
    %c0_i32_1 = arith.constant 0 : i32
    return %c0_i32, %c0_i32_0 : i32, i32
  }
}

module attributes {stable_mosaic.version = 14 : i64} {
  func.func @_head_body(%arg0: memref<1x256xf32, #tpu.memory_space<vmem>>, %arg1: memref<1x256xf32, #tpu.memory_space<vmem>>, %arg2: memref<1x2xf32, #tpu.memory_space<vmem>>, %arg3: memref<256x128xf32, #tpu.memory_space<vmem>>, %arg4: memref<1x128xf32, #tpu.memory_space<vmem>>, %arg5: memref<256x128xf32, #tpu.memory_space<vmem>>, %arg6: memref<1x128xf32, #tpu.memory_space<vmem>>, %arg7: memref<128x64xf32, #tpu.memory_space<vmem>>, %arg8: memref<1x64xf32, #tpu.memory_space<vmem>>, %arg9: memref<64x2xf32, #tpu.memory_space<vmem>>, %arg10: memref<1x2xf32, #tpu.memory_space<vmem>>, %arg11: memref<1x2xf32, #tpu.memory_space<vmem>>, %arg12: memref<1x2xf32, #tpu.memory_space<vmem>>) attributes {dimension_semantics = [], scalar_prefetch = 0 : i64, scratch_operands = 0 : i64, tpu.core_type = #tpu.core_type<tc>} {
    %get3A = arith.constant 0 : index
    %get3A_0 = arith.constant 0 : index
    %get3A_1 = vector.load %arg0[%get3A, %get3A_0] : memref<1x256xf32, #tpu.memory_space<vmem>>, vector<1x256xf32>
    %mul3A = arith.constant 2.44140625E-4 : f32
    %mul3A_2 = vector.broadcast %mul3A : f32 to vector<1x256xf32>
    %mul3A_3 = arith.mulf %get3A_1, %mul3A_2 : vector<1x256xf32>
    %get3A_4 = arith.constant 0 : index
    %get3A_5 = arith.constant 0 : index
    %get3A_6 = vector.load %arg3[%get3A_4, %get3A_5] : memref<256x128xf32, #tpu.memory_space<vmem>>, vector<256x128xf32>
    %dot_general3A = arith.constant dense<0.000000e+00> : vector<1x128xf32>
    %dot_general3A_7 = tpu.matmul %mul3A_3, %get3A_6, %dot_general3A {dimension_numbers = #tpu.dot_dimension_numbers<[1], [0], [0], [1], [0, 0, 1, 1], [], []>, transpose_lhs_hint = false} : vector<1x256xf32>, vector<256x128xf32>, vector<1x128xf32> -> vector<1x128xf32>
    %get3A_8 = arith.constant 0 : index
    %get3A_9 = arith.constant 0 : index
    %get3A_10 = vector.load %arg4[%get3A_8, %get3A_9] : memref<1x128xf32, #tpu.memory_space<vmem>>, vector<1x128xf32>
    %add3A = arith.addf %dot_general3A_7, %get3A_10 : vector<1x128xf32>
    %max3A = arith.constant 0.000000e+00 : f32
    %max3A_11 = vector.broadcast %max3A : f32 to vector<1x128xf32>
    %max3A_12 = arith.maximumf %add3A, %max3A_11 : vector<1x128xf32>
    %get3A_13 = arith.constant 0 : index
    %get3A_14 = arith.constant 0 : index
    %get3A_15 = vector.load %arg1[%get3A_13, %get3A_14] : memref<1x256xf32, #tpu.memory_space<vmem>>, vector<1x256xf32>
    %mul3A_16 = arith.constant 2.44140625E-4 : f32
    %mul3A_17 = vector.broadcast %mul3A_16 : f32 to vector<1x256xf32>
    %mul3A_18 = arith.mulf %get3A_15, %mul3A_17 : vector<1x256xf32>
    %get3A_19 = arith.constant 0 : index
    %get3A_20 = arith.constant 0 : index
    %get3A_21 = vector.load %arg3[%get3A_19, %get3A_20] : memref<256x128xf32, #tpu.memory_space<vmem>>, vector<256x128xf32>
    %dot_general3A_22 = arith.constant dense<0.000000e+00> : vector<1x128xf32>
    %dot_general3A_23 = tpu.matmul %mul3A_18, %get3A_21, %dot_general3A_22 {dimension_numbers = #tpu.dot_dimension_numbers<[1], [0], [0], [1], [0, 0, 1, 1], [], []>, transpose_lhs_hint = false} : vector<1x256xf32>, vector<256x128xf32>, vector<1x128xf32> -> vector<1x128xf32>
    %get3A_24 = arith.constant 0 : index
    %get3A_25 = arith.constant 0 : index
    %get3A_26 = vector.load %arg4[%get3A_24, %get3A_25] : memref<1x128xf32, #tpu.memory_space<vmem>>, vector<1x128xf32>
    %add3A_27 = arith.addf %dot_general3A_23, %get3A_26 : vector<1x128xf32>
    %max3A_28 = arith.constant 0.000000e+00 : f32
    %max3A_29 = vector.broadcast %max3A_28 : f32 to vector<1x128xf32>
    %max3A_30 = arith.maximumf %add3A_27, %max3A_29 : vector<1x128xf32>
    %get3A_31 = arith.constant 0 : index
    %get3A_32 = arith.constant 0 : index
    %get3A_33 = vector.load %arg5[%get3A_31, %get3A_32] : memref<256x128xf32, #tpu.memory_space<vmem>>, vector<256x128xf32>
    %slice3A = vector.extract_strided_slice %get3A_33 {offsets = [0, 0], sizes = [128, 128], strides = [1, 1]} : vector<256x128xf32> to vector<128x128xf32>
    %dot_general3A_34 = arith.constant dense<0.000000e+00> : vector<1x128xf32>
    %dot_general3A_35 = tpu.matmul %max3A_12, %slice3A, %dot_general3A_34 {dimension_numbers = #tpu.dot_dimension_numbers<[1], [0], [0], [1], [0, 0, 1, 1], [], []>, transpose_lhs_hint = false} : vector<1x128xf32>, vector<128x128xf32>, vector<1x128xf32> -> vector<1x128xf32>
    %slice3A_36 = vector.extract_strided_slice %get3A_33 {offsets = [128, 0], sizes = [128, 128], strides = [1, 1]} : vector<256x128xf32> to vector<128x128xf32>
    %dot_general3A_37 = arith.constant dense<0.000000e+00> : vector<1x128xf32>
    %dot_general3A_38 = tpu.matmul %max3A_30, %slice3A_36, %dot_general3A_37 {dimension_numbers = #tpu.dot_dimension_numbers<[1], [0], [0], [1], [0, 0, 1, 1], [], []>, transpose_lhs_hint = false} : vector<1x128xf32>, vector<128x128xf32>, vector<1x128xf32> -> vector<1x128xf32>
    %add3A_39 = arith.addf %dot_general3A_35, %dot_general3A_38 : vector<1x128xf32>
    %get3A_40 = arith.constant 0 : index
    %get3A_41 = arith.constant 0 : index
    %get3A_42 = vector.load %arg6[%get3A_40, %get3A_41] : memref<1x128xf32, #tpu.memory_space<vmem>>, vector<1x128xf32>
    %add3A_43 = arith.addf %add3A_39, %get3A_42 : vector<1x128xf32>
    %max3A_44 = arith.constant 0.000000e+00 : f32
    %max3A_45 = vector.broadcast %max3A_44 : f32 to vector<1x128xf32>
    %max3A_46 = arith.maximumf %add3A_43, %max3A_45 : vector<1x128xf32>
    %get3A_47 = arith.constant 0 : index
    %get3A_48 = arith.constant 0 : index
    %get3A_49 = vector.load %arg7[%get3A_47, %get3A_48] : memref<128x64xf32, #tpu.memory_space<vmem>>, vector<128x64xf32>
    %dot_general3A_50 = arith.constant dense<0.000000e+00> : vector<1x64xf32>
    %dot_general3A_51 = tpu.matmul %max3A_46, %get3A_49, %dot_general3A_50 {dimension_numbers = #tpu.dot_dimension_numbers<[1], [0], [0], [1], [0, 0, 1, 1], [], []>, transpose_lhs_hint = false} : vector<1x128xf32>, vector<128x64xf32>, vector<1x64xf32> -> vector<1x64xf32>
    %get3A_52 = arith.constant 0 : index
    %get3A_53 = arith.constant 0 : index
    %get3A_54 = vector.load %arg8[%get3A_52, %get3A_53] : memref<1x64xf32, #tpu.memory_space<vmem>>, vector<1x64xf32>
    %add3A_55 = arith.addf %dot_general3A_51, %get3A_54 : vector<1x64xf32>
    %max3A_56 = arith.constant 0.000000e+00 : f32
    %max3A_57 = vector.broadcast %max3A_56 : f32 to vector<1x64xf32>
    %max3A_58 = arith.maximumf %add3A_55, %max3A_57 : vector<1x64xf32>
    %get3A_59 = arith.constant 0 : index
    %get3A_60 = arith.constant 0 : index
    %get3A_61 = vector.load %arg9[%get3A_59, %get3A_60] : memref<64x2xf32, #tpu.memory_space<vmem>>, vector<64x2xf32>
    %dot_general3A_62 = arith.constant dense<0.000000e+00> : vector<1x2xf32>
    %dot_general3A_63 = tpu.matmul %max3A_58, %get3A_61, %dot_general3A_62 {dimension_numbers = #tpu.dot_dimension_numbers<[1], [0], [0], [1], [0, 0, 1, 1], [], []>, transpose_lhs_hint = false} : vector<1x64xf32>, vector<64x2xf32>, vector<1x2xf32> -> vector<1x2xf32>
    %get3A_64 = arith.constant 0 : index
    %get3A_65 = arith.constant 0 : index
    %get3A_66 = vector.load %arg10[%get3A_64, %get3A_65] : memref<1x2xf32, #tpu.memory_space<vmem>>, vector<1x2xf32>
    %add3A_67 = arith.addf %dot_general3A_63, %get3A_66 : vector<1x2xf32>
    %get3A_68 = arith.constant 0 : index
    %get3A_69 = arith.constant 0 : index
    %get3A_70 = vector.load %arg2[%get3A_68, %get3A_69] : memref<1x2xf32, #tpu.memory_space<vmem>>, vector<1x2xf32>
    %add3A_71 = arith.addf %add3A_67, %get3A_70 : vector<1x2xf32>
    %swap3A = arith.constant 0 : index
    %swap3A_72 = arith.constant 0 : index
    %swap3A_73 = vector.load %arg11[%swap3A, %swap3A_72] : memref<1x2xf32, #tpu.memory_space<vmem>>, vector<1x2xf32>
    tpu.vector_store %arg11[%swap3A, %swap3A_72], %add3A_71 {strides = array<i32>} : memref<1x2xf32, #tpu.memory_space<vmem>>, vector<1x2xf32>,
    %swap3A_74 = arith.constant 0 : index
    %swap3A_75 = arith.constant 0 : index
    %swap3A_76 = vector.load %arg12[%swap3A_74, %swap3A_75] : memref<1x2xf32, #tpu.memory_space<vmem>>, vector<1x2xf32>
    tpu.vector_store %arg12[%swap3A_74, %swap3A_75], %add3A_67 {strides = array<i32>} : memref<1x2xf32, #tpu.memory_space<vmem>>, vector<1x2xf32>,
    return
  }
}

</mosaic_0001>

<sc_bundles>
// kernel: kernel.17.cloned.1.call-start
scs
__scs_entry_jumppad:
0x0: {  	(pc) =	sbr.rel $0x88, $3  }
0x1: {  	(tag) =	ssettag $0x0;
	lr =	simm.s32 $0x1  }
0x2: {  	[smem:$0x3F8A] =	sst lr;
	_ =	strace $0xD0000000  }
0x3: {  	_ = 	snop  }
0x4: {  	_ = 	snop  }
0x5: {  	_ = 	snop  }
0x6: {  	_ = 	snop  }
0x7: {  	_ = 	snop  }
__scs_overlays_trampoline_lowered:
0x8: {  	[smem:$0x3F99] =	sst s0  }
0x9: {  	[smem:$0x3F9A] =	sst s1  }
0xa: {  	[smem:$0x3F9B] =	sst s2  }
0xb: {  	[smem:$0x3F9C] =	sst s3  }
0xc: {  	[smem:$0x3F9D] =	sst s4  }
0xd: {  	[smem:$0x3F9E] =	sst s5  }
0xe: {  	[smem:$0x3F9F] =	sst s6  }
0xf: {  	[smem:$0x3FA0] =	sst s7  }
0x10: {  	[smem:$0x3FA1] =	sst s8  }
0x11: {  	[smem:$0x3FA2] =	sst s9;
	s0 =	simm.s32 @!p0 $0x0  }
0x12: {  	s1 =	sld [smem:$0x3F88];
	s0 =	simm.s32 @p0 $0x1  }
0x13: {  	[smem:$0x3FA3] =	sst s0;
	s0 =	simm.s32 @!p1 $0x0  }
0x14: {  	s2 =	sld [smem:$0x3F87];
	s0 =	simm.s32 @p1 $0x1  }
0x15: {  	[smem:$0x3FA4] =	sst s0;
	s0 =	simm.s32 @!p2 $0x0  }
0x16: {  	s3 =	sld [smem:$0x3FDB];
	s0 =	simm.s32 @p2 $0x1  }
0x17: {  	s4 =	simm.s32 $0x1BF5;
	[smem:$0x3FA6] =	sst s0  }
0x18: {  	s0 =	sld [smem:$0x3F89];
	_ =	swait.ge [sflag:s4], $0x0  }
0x19: {  	s7 =	sld [smem:$0x3F8A]  }
0x1a: {  	s8 =	sadd.s32 $0xFFFFE003, lr  }
0x1b: {  	s9 =	sadd.s32 $0xFFFFFEF7, lr;
	s5 =	simm.s32 $0xFFFFFFFF;
	p2 =	slt.u32 s8, $0xFFFFF086  }
0x1c: {  	p1 =	slt.u32 s9, $0xF7A;
	s5 =	simm.s32 @!p2 $0x0  }
0x1d: {  	s5 =	simm.s32 @p1 $0x1;
	p0 =	seq.s32 s7, s2  }
0x1e: {  	s7 =	smul.u32 @!p0 $0xF7A, s2;
	p2 =	seq.s32 @!p0 s5, $0x0  }
0x1f: {  	s9 =	smul.u32 $0xF7A, s1;
	s8 =	simm.s32 @!p0 $0x1BF5;
	p2 =	por !p2, p0  }
0x20: {  	[sflag:s8] =	ssyncset.s32 @!p0 $0xFFFFF086;
	s6 =	sadd.s32 @!p0 s3, s7;
	s7 =	simm.s32 @!p0 $0x108  }
0x21: {  	s3 =	sadd.s32 s3, s9;
	s6 =	sadd.s32 @!p0 $0x88, s6;
	s7 =	simm.s32 @p2 $0x1082  }
0x22: {  	[simem:s7], [sflag:s8] =	dma.local @!p0 [hbm:s6], $0xF7A  }
0x23: {  	s9 =	sor.u32 $0xD0000000, s2;
	s6 =	simm.s32 $0x108;
	_ =	swait.ge @!p0 [sflag:s8], $0x0  }
0x24: {  	s3 =	sadd.s32 $0x88, s3;
	s6 =	simm.s32 @!p1 $0x1082;
	[sflag:s4] =	ssyncset.s32 $0xFFFFF086  }
0x25: {  	[simem:s6], [sflag:s4] =	dma.local [hbm:s3], $0xF7A  }
0x26: {  	[smem:$0x3F8A] =	sst s1;
	(tag) =	ssettag s2;
	_ =	strace s9  }
0x27: {  	s1 =	sld [smem:$0x3F9A]  }
0x28: {  	s2 =	sld [smem:$0x3F9B]  }
0x29: {  	s4 =	sld [smem:$0x3F9D]  }
0x2a: {  	p0 =	seq.s32 s5, $0x0;
	s5 =	sld [smem:$0x3F9E]  }
0x2b: {  	s6 =	sld [smem:$0x3F9F]  }
0x2c: {  	s7 =	sld [smem:$0x3FA0]  }
0x2d: {  	s3 =	simm.s32 $0x108;
	s8 =	sld [smem:$0x3FA1]  }
0x2e: {  	s3 =	simm.s32 @!p0 $0x1082;
	s9 =	sld [smem:$0x3FA2]  }
0x2f: {  	lr =	sadd.s32 s0, s3;
	s0 =	sld [smem:$0x3F99]  }
0x30: {  	s3 =	sld [smem:$0x3F9C]  }
0x31: {  	[smem:$0x3FA5] =	sst s10  }
0x32: {  	s10 =	sld [smem:$0x3FA3];
	_ =	sdelay $0x3  }
0x33: {  	p0 =	seq.s32 s10, $0x1;
	s10 =	sld [smem:$0x3FA5];
	_ =	sdelay $0x3  }
0x34: {  	[smem:$0x3FA5] =	sst s10  }
0x35: {  	s10 =	sld [smem:$0x3FA4];
	_ =	sdelay $0x3  }
0x36: {  	p1 =	seq.s32 s10, $0x1;
	s10 =	sld [smem:$0x3FA5];
	_ =	sdelay $0x3  }
0x37: {  	[smem:$0x3FA5] =	sst s10  }
0x38: {  	s10 =	sld [smem:$0x3FA6]  }
0x39: {  	_ = 	snop;
	(pc) =	sbr.ind lr, $3  }
0x3a: {  	_ = 	snop  }
0x3b: {  	_ = 	snop  }
0x3c: {  	p2 =	seq.s32 s10, $0x1;
	s10 =	sld [smem:$0x3FA5]  }
0x3d: {  	_ =	shalt  }
0x3e: {  	_ =	shalt  }
0x3f: {  	_ =	shalt  }
0x40: {  	_ =	shalt  }
0x41: {  	_ =	shalt  }
0x42: {  	_ =	shalt  }
0x43: {  	_ =	shalt  }
0x44: {  	_ =	shalt  }
0x45: {  	_ =	shalt  }
0x46: {  	_ =	shalt  }
0x47: {  	_ =	shalt  }
0x48: {  	_ =	shalt  }
0x49: {  	_ =	shalt  }
0x4a: {  	_ =	shalt  }
0x4b: {  	_ =	shalt  }
0x4c: {  	_ =	shalt  }
0x4d: {  	_ =	shalt  }
0x4e: {  	_ =	shalt  }
0x4f: {  	_ =	shalt  }
0x50: {  	_ =	shalt  }
0x51: {  	_ =	shalt  }
0x52: {  	_ =	shalt  }
0x53: {  	_ =	shalt  }
0x54: {  	_ =	shalt  }
0x55: {  	_ =	shalt  }
0x56: {  	_ =	shalt  }
0x57: {  	_ =	shalt  }
0x58: {  	_ =	shalt  }
0x59: {  	_ =	shalt  }
0x5a: {  	_ =	shalt  }
0x5b: {  	_ =	shalt  }
0x5c: {  	_ =	shalt  }
0x5d: {  	_ =	shalt  }
0x5e: {  	_ =	shalt  }
0x5f: {  	_ =	shalt  }
0x60: {  	_ =	shalt  }
0x61: {  	_ =	shalt  }
0x62: {  	_ =	shalt  }
0x63: {  	_ =	shalt  }
0x64: {  	_ =	shalt  }
0x65: {  	_ =	shalt  }
0x66: {  	_ =	shalt  }
0x67: {  	_ =	shalt  }
0x68: {  	_ =	shalt  }
0x69: {  	_ =	shalt  }
0x6a: {  	_ =	shalt  }
0x6b: {  	_ =	shalt  }
0x6c: {  	_ =	shalt  }
0x6d: {  	_ =	shalt  }
0x6e: {  	_ =	shalt  }
0x6f: {  	_ =	shalt  }
0x70: {  	_ =	shalt  }
0x71: {  	_ =	shalt  }
0x72: {  	_ =	shalt  }
0x73: {  	_ =	shalt  }
0x74: {  	_ =	shalt  }
0x75: {  	_ =	shalt  }
0x76: {  	_ =	shalt  }
0x77: {  	_ =	shalt  }
0x78: {  	_ =	shalt  }
0x79: {  	_ =	shalt  }
0x7a: {  	_ =	shalt  }
0x7b: {  	_ =	shalt  }
0x7c: {  	_ =	shalt  }
0x7d: {  	_ =	shalt  }
0x7e: {  	_ =	shalt  }
0x7f: {  	_ =	shalt  }
0x80: {  	_ =	shalt  }
0x81: {  	_ =	shalt  }
0x82: {  	_ =	shalt  }
0x83: {  	_ =	shalt  }
0x84: {  	_ =	shalt  }
0x85: {  	_ =	shalt  }
0x86: {  	_ =	shalt  }
0x87: {  	_ =	shalt  }
.Lfunc_end0:
.L_simem_size_0:
called_computation_lowered:
.L_overlay_start_0:
0x88: {  	s2 =	sld [smem:$0x3FD9]  }
0x89: {  	s3 =	sld [smem:$0x3FFE];
	_ =	sdelay $0x1  }
0x8a: {  	s1 =	srdreg.scid  }
0x8b: {  	s0 =	sand.u32 $0x1, s1  }
0x8c: {  	s17 =	sshll.u32 s0, $0xA;
	s2 =	sadd.s32 s3, s2  }
0x8d: {  	s2 =	sadd.s32 s2, s17  }
0x8e: {  	[smem:$0x3FB1] =	sst s2  }
0x8f: {  	_ = 	snop  }
0x90: {  	(tm) =	ssettm $0x1  }
0x91: {  	s18 =	sld [smem:$0x3FFB];
	_ =	sdelay $0x3  }
0x92: {  	_ =	strace s18  }
0x93: {  	s2 =	sld [smem:$0x3FFC];
	_ =	sdelay $0x3  }
0x94: {  	_ =	strace s2  }
0x95: {  	s2 =	sld [smem:$0x3FFD];
	_ =	sdelay $0x3  }
0x96: {  	_ =	strace s2  }
0x97: {  	_ =	strace $0x8FFFFFFF  }
0x98: {  	s19 =	sld [smem:$0x3FDB];
	_ =	sdelay $0x1  }
0x99: {  	s20 =	simm.s32 $_scs_section_size  }
0x9a: {  	s4 =	simm.s32 $_size__tile_overlayer_lowered;
	s5 =	simm.s32 $_tile_overlayer_lowered  }
0x9b: {  	s6 =	simm.s32 $0x1BFF;
	s21 =	sshll.u32 s5, $0x1;
	s3 =	sadd.s32 s20, s19  }
0x9c: {  	s22 =	simm.s32 $0x0;
	s4 =	sshll.u32 s4, $0x1;
	s5 =	sadd.s32 s21, s3  }
0x9d: {  	[timem:s22], [sflag:s6] =	dma.local [hbm:s5], s4  }
0x9e: {  	_ =	swait.ge [sflag:s6], s4  }
0x9f: {  	s4 =	ssub.s32 $0x0, s4;
	[sflag:s6] =	ssyncset.done $0x0  }
0xa0: {  	[sflag:s6] =	ssyncadd.s32 s4;
	_ =	sdelay $0x1  }
0xa1: {  	s23 =	simm.s32 $0x1B8B  }
0xa2: {  	_ =	swait.ge [sflag:s23], $0x1  }
0xa3: {  	[sflag:s23] =	ssyncset.done $0x0  }
0xa4: {  	[sflag:s23] =	ssyncadd.s32 $0xFFFFFFFF  }
0xa5: {  	s4 =	sld [smem:$0x0]  }
0xa6: {  	s5 =	sand.u32 $0xFFFFFFFE, s1  }
0xa7: {  	p0 =	sne.s32 s1, s5  }
0xa8: {  	s5 =	sshll.u32 @p0 s5, $0xE  }
0xa9: {  	s5 =	sadd.s32 @p0 $0x11B8D, s5;
	s6 =	sshll.u32 @p0 s4, $0x11  }
0xaa: {  	s5 =	sor.u32 @p0 s6, s5  }
0xab: {  	[sflag:s5] =	ssyncadd.remote.s32 @p0 $0x1;
	_ =	sdelay $0x1  }
0xac: {  	s5 =	simm.s32 @p0 $0x1B8D  }
0xad: {  	_ =	swait.eq @p0 [sflag:s5], $0x1  }
0xae: {  	[sflag:s5] =	ssyncadd.s32 @p0 $0xFFFFFFFF  }
0xaf: {  	s6 =	sshll.u32 @!p0 s1, $0xE  }
0xb0: {  	s6 =	sor.u32 @!p0 $0x4000, s6;
	s5 =	simm.s32 @!p0 $0x1B8D  }
0xb1: {  	s4 =	sshll.u32 @!p0 s4, $0x11;
	s6 =	sadd.s32 @!p0 $0x11B8D, s6;
	_ =	swait.eq @!p0 [sflag:s5], $0x1  }
0xb2: {  	s4 =	sor.u32 @!p0 s4, s6;
	[sflag:s5] =	ssyncadd.s32 @!p0 $0xFFFFFFFF  }
0xb3: {  	s25 =	simm.s32 $0x1B8E;
	s24 =	sld [smem:$0x3FFE];
	[sflag:s4] =	ssyncadd.remote.s32 @!p0 $0x1  }
0xb4: {  	s26 =	simm.s32 $execute0_lowered;
	[smem:$0x3FD2] =	sst s25  }
0xb5: {  	s5 =	sshll.u32 s26, $0x1;
	_ =	strace $0x80000049;
	[dreg:$0x1] =	wrdreg $0xFFFFFFFF  }
0xb6: {  	s28 =	simm.s32 $_size_execute0_lowered;
	s3 =	sadd.s32 s3, s5;
	[dreg:$0x0] =	wrdreg $0x0  }
0xb7: {  	s5 =	sshll.u32 s28, $0x1;
	[dreg:$0x2] =	wrdreg s3  }
0xb8: {  	[dreg:$0x3] =	wrdreg s5  }
0xb9: {  	[dreg:$0x4] =	wrdreg $0xC0  }
0xba: {  	_ =	task [dreg:s22], $0x5FFFF  }
0xbb: {  	[dreg:$0x1] =	wrdreg $0xFFFFFFFF  }
0xbc: {  	[dreg:$0x0] =	wrdreg $0x60  }
0xbd: {  	[dreg:$0x2] =	wrdreg s24  }
0xbe: {  	[dreg:$0x3] =	wrdreg $0x9  }
0xbf: {  	_ =	task.clear_ibuf [dreg:s22], $0x4FFFF;
	_ =	strace $0x90000049  }
0xc0: {  	s29 =	simm.s32 $0x9;
	_ =	strace $0x8000004B  }
0xc1: {  	_ =	swait.ge [sflag:s29], $0x1  }
0xc2: {  	[sflag:s29] =	ssyncadd.s32 $0xFFFFFFFF  }
0xc3: {  	_ =	strace $0x9000004B  }
0xc4: {  	_ =	sfence  }
0xc5: {  	s30 =	sld [smem:$0x0];
	_ =	sdelay $0x2  }
0xc6: {  	s31 =	sshll.u32 s1, $0xD;
	s1 =	sshrl.u32 s1, $0x2  }
0xc7: {  	s4 =	sand.u32 $0x4000, s31;
	s1 =	sadd.s32 s1, s30  }
0xc8: {  	s0 =	sor.u32 s4, s0;
	s1 =	sshll.u32 s1, $0x11  }
0xc9: {  	s0 =	sor.u32 s1, s0  }
0xca: {  	s0 =	sadd.s32 $0x8F2B, s0  }
0xcb: {  	[sflag:s0] =	ssyncadd.remote.s32 $0x1  }
0xcc: {  	_ =	sfence.sel $0xFFFF  }
0xcd: {  	[dreg:$0x0] =	wrdreg $0xFFFFFFFF;
	(pc) =	sbr.abs _section_cstart, $3  }
0xce: {  	[dreg:$0x1] =	wrdreg $0xFFFFFFFF  }
0xcf: {  	_ =	task.clear_ibuf [dreg:s22], $0x2FFFF;
	_ =	strace $0x9FFFFFFF  }
0xd0: {  	(tm) =	ssettm $0x7FFFFFFF  }
0xd1: {  	_ =	shalt  }
tec
execute0_lowered:
.L_overlay_start_1:
0x0: {  	(tag) =	ssettag $0x1  }
0x1: {  	s4 =	rddreg [dreg:$0x0]  }
0x2: {  	s0 =	rddreg [dreg:$0x1];
	s1 =	simm.s32 $0x0  }
0x3: {  	s2 =	srdreg.scid;
	s9 =	simm.s32 $0x3;
	s10 =	simm.s32 $0x80  }
0x4: {  	s11 =	simm.s32 $0x100;
	s12 =	simm.s32 $0x1;
	s13 =	simm.s32 $0x2  }
0x5: {  	s14 =	simm.s32 $0x0;
	[smem:$0x7FF] =	sst s1;
	s5 =	sand.u32 $0x1, s2  }
0x6: {  	s2 =	stileid.u32;
	s3 =	sadd.s32 $0x44400, s4;
	s6 =	ssub.s32 $0x2, s5  }
0x7: {  	_ =	strace $0x8000004A;
	s7 =	sshll.u32 s2, $0xA;
	s8 =	sshrl.u32 s6, $0x1  }
0x8: {  	s31 =	sshll.u32 s5, $0x9;
	s7 =	sadd.s32 s7, s4;
	s6 =	ssub.s32 s6, s8  }
0x9: {  	s4 =	sadd.s32 $0x44200, s4;
	s8 =	sadd.s32 s31, s7;
	s5 =	smax.u32 s6, $0x1  }
0xa: {  	s6 =	sadd.s32 $0x5C600, s8;
	s7 =	sadd.s32 $0x58600, s8;
	s8 =	sadd.s32 $0x54600, s8  }
.LBB2_1:
0xb: {  	s15 =	sadd.s32 $0x0, s8  }
0xc: {  	[tilespmem:s1], [sflag:$0x3] =	stream.linear.gather [hbm4b:s15+s1], $0x80, $0x38;
	[tilespmem:$0x180] =	vst v63  }
0xd: {  	_ =	swait.ge [sflag:s9], $0x80  }
0xe: {  	[sflag:s9] =	ssyncset.done $0x0  }
0xf: {  	[sflag:s9] =	ssyncadd.s32 $0xFFFFFF80  }
0x10: {  	[tilespmem:s10], [sflag:$0x1] =	stream.indirect.gather [hbm4b:s3+s10], $0x1, s1, s10, $0xb8;
	[tilespmem:$0x180] =	vst v63  }
0x11: {  	_ = 	snop  }
0x12: {  	[tilespmem:s11], [sflag:$0x2] =	stream.indirect.gather [hbm4b:s4+s10], $0x1, s1, s10, $0xb8;
	[tilespmem:$0x180] =	vst v63  }
0x13: {  	_ =	swait.ge [sflag:s12], $0x80  }
0x14: {  	[sflag:s12] =	ssyncset.done $0x0  }
0x15: {  	[sflag:s12] =	ssyncadd.s32 $0xFFFFFF80  }
0x16: {  	_ =	swait.ge [sflag:s13], $0x80  }
0x17: {  	[sflag:s13] =	ssyncset.done $0x0  }
0x18: {  	s30 =	sadd.s32 $0x0, s7;
	[sflag:s13] =	ssyncadd.s32 $0xFFFFFF80  }
0x19: {  	[hbm4b:s30+s1] =	stream.linear.scatter [tilespmem:s10], [sflag:$0x3], $0x80, $0x38;
	[tilespmem:$0x180] =	vst v63  }
0x1a: {  	_ =	swait.ge [sflag:s9], $0x80  }
0x1b: {  	[sflag:s9] =	ssyncset.done $0x0  }
0x1c: {  	s31 =	sadd.s32 $0x0, s6;
	[sflag:s9] =	ssyncadd.s32 $0xFFFFFF80  }
0x1d: {  	[hbm4b:s31+s1] =	stream.linear.scatter [tilespmem:s11], [sflag:$0x3], $0x80, $0x38;
	[tilespmem:$0x180] =	vst v63  }
0x1e: {  	_ =	swait.ge [sflag:s9], $0x80  }
0x1f: {  	s16 =	simm.s32 $0x20;
	s15 =	simm.s32 $0x10;
	[sflag:s9] =	ssyncset.done $0x0  }
.LBB2_2:
0x20: {  	s17 =	sadd.s32 s15, s8  }
0x21: {  	[sflag:s9] =	ssyncadd.s32 $0xFFFFFF80;
	s18 =	smov.u32 s16;
	s19 =	sadd.s32 $0x10, s16  }
0x22: {  	[tilespmem:s1], [sflag:$0x3] =	stream.linear.gather [hbm4b:s17+s1], $0x80, $0x38;
	[tilespmem:$0x180] =	vst v63  }
0x23: {  	p0 =	sne.s32 s16, $0x1F0;
	_ =	swait.ge [sflag:s9], $0x80  }
0x24: {  	[sflag:s9] =	ssyncset.done $0x0  }
0x25: {  	[sflag:s9] =	ssyncadd.s32 $0xFFFFFF80  }
0x26: {  	[tilespmem:s10], [sflag:$0x1] =	stream.indirect.gather [hbm4b:s3+s10], $0x1, s1, s10, $0xb8;
	[tilespmem:$0x180] =	vst v63  }
0x27: {  	_ = 	snop  }
0x28: {  	[tilespmem:s11], [sflag:$0x2] =	stream.indirect.gather [hbm4b:s4+s10], $0x1, s1, s10, $0xb8;
	[tilespmem:$0x180] =	vst v63  }
0x29: {  	_ =	swait.ge [sflag:s12], $0x80  }
0x2a: {  	[sflag:s12] =	ssyncset.done $0x0  }
0x2b: {  	[sflag:s12] =	ssyncadd.s32 $0xFFFFFF80  }
0x2c: {  	_ =	swait.ge [sflag:s13], $0x80  }
0x2d: {  	[sflag:s13] =	ssyncset.done $0x0  }
0x2e: {  	s16 =	sadd.s32 s15, s7;
	[sflag:s13] =	ssyncadd.s32 $0xFFFFFF80  }
0x2f: {  	[hbm4b:s16+s1] =	stream.linear.scatter [tilespmem:s10], [sflag:$0x3], $0x80, $0x38;
	[tilespmem:$0x180] =	vst v63  }
0x30: {  	_ =	swait.ge [sflag:s9], $0x80  }
.Ltmp0:
0x31: {  	[sflag:s9] =	ssyncset.done $0x0;
	(pc) =	sbr.rel @p0 .LBB2_2-.Ltmp0, $4  }
0x32: {  	s16 =	sadd.s32 s15, s6;
	s15 =	smov.u32 s18;
	[sflag:s9] =	ssyncadd.s32 $0xFFFFFF80  }
0x33: {  	[hbm4b:s16+s1] =	stream.linear.scatter [tilespmem:s11], [sflag:$0x3], $0x80, $0x38;
	[tilespmem:$0x180] =	vst v63  }
0x34: {  	_ =	swait.ge [sflag:s9], $0x80  }
0x35: {  	s16 =	smov.u32 s19;
	[sflag:s9] =	ssyncset.done $0x0  }
0x36: {  	s16 =	sadd.s32 s15, s8;
	[sflag:s9] =	ssyncadd.s32 $0xFFFFFF80  }
0x37: {  	[tilespmem:s1], [sflag:$0x3] =	stream.linear.gather [hbm4b:s16+s1], $0x80, $0x38;
	[tilespmem:$0x180] =	vst v63  }
0x38: {  	_ =	swait.ge [sflag:s9], $0x80  }
0x39: {  	[sflag:s9] =	ssyncset.done $0x0  }
0x3a: {  	[sflag:s9] =	ssyncadd.s32 $0xFFFFFF80  }
0x3b: {  	[tilespmem:s10], [sflag:$0x1] =	stream.indirect.gather [hbm4b:s3+s10], $0x1, s1, s10, $0xb8;
	[tilespmem:$0x180] =	vst v63  }
0x3c: {  	_ = 	snop  }
0x3d: {  	[tilespmem:s11], [sflag:$0x2] =	stream.indirect.gather [hbm4b:s4+s10], $0x1, s1, s10, $0xb8;
	[tilespmem:$0x180] =	vst v63  }
0x3e: {  	_ =	swait.ge [sflag:s12], $0x80  }
0x3f: {  	[sflag:s12] =	ssyncset.done $0x0  }
0x40: {  	[sflag:s12] =	ssyncadd.s32 $0xFFFFFF80  }
0x41: {  	_ =	swait.ge [sflag:s13], $0x80  }
0x42: {  	[sflag:s13] =	ssyncset.done $0x0  }
0x43: {  	s30 =	sadd.s32 s15, s7;
	[sflag:s13] =	ssyncadd.s32 $0xFFFFFF80  }
0x44: {  	[hbm4b:s30+s1] =	stream.linear.scatter [tilespmem:s10], [sflag:$0x3], $0x80, $0x38;
	[tilespmem:$0x180] =	vst v63  }
0x45: {  	s14 =	sadd.s32 $0x1, s14;
	_ =	swait.ge [sflag:s9], $0x80  }
0x46: {  	p0 =	sne.s32 s14, s5;
	[sflag:s9] =	ssyncset.done $0x0  }
.Ltmp1:
0x47: {  	s31 =	sadd.s32 s15, s6;
	[sflag:s9] =	ssyncadd.s32 $0xFFFFFF80;
	(pc) =	sbr.rel @p0 .LBB2_1-.Ltmp1, $4  }
0x48: {  	[hbm4b:s31+s1] =	stream.linear.scatter [tilespmem:s11], [sflag:$0x3], $0x80, $0x38;
	[tilespmem:$0x180] =	vst v63  }
0x49: {  	_ =	swait.ge [sflag:s9], $0x80  }
0x4a: {  	[sflag:s9] =	ssyncset.done $0x0  }
0x4b: {  	[sflag:s9] =	ssyncadd.s32 $0xFFFFFF80  }
0x4c: {  	_ =	sfence.sel $0x180000  }
0x4d: {  	[bflag:$0x0] =	sbarrier.arrive $0xFFFF  }
0x4e: {  	p0 =	sne.s32 s2, $0x0;
	_ =	strace $0x9000004A  }
0x4f: {  	s0 =	sadd.s32 @!p0 $0x100000, s0;
	[bflag:$0x2] =	sbarrier.arrive $0xFFFF  }
0x50: {  	[sflag:s0] =	ssyncadd.tile.s32 @!p0 $0x1;
	_ =	shalt  }
.Lfunc_end2:
_tile_overlayer_lowered:
.L_overlay_start_2:
0x51: {  	(tag) =	ssettag $0x2  }
0x52: {  	s0 =	rddreg [dreg:$0x0];
	s2 =	stileid.u32  }
0x53: {  	s1 =	rddreg [dreg:$0x1];
	p0 =	sne.s32 s2, $0x0  }
0x54: {  	s3 =	rddreg [dreg:$0x2];
	[bflag:$0x3] =	sbarrier.arrive $0xFFFF;
	s2 =	simm.s32 @!p0 $0x1C03  }
0x55: {  	[timem:s3], [sflag:s2] =	dma.local @!p0 [hbm:s0], s1  }
0x56: {  	s0 =	simm.s32 @!p0 $0x3  }
0x57: {  	_ =	swait.ge @!p0 [sflag:s0], s1  }
0x58: {  	s1 =	ssub.s32 @!p0 $0x0, s1;
	[sflag:s0] =	ssyncset.done @!p0 $0x0  }
0x59: {  	[sflag:s0] =	ssyncadd.s32 @!p0 s1  }
0x5a: {  	[bflag:$0x3] =	sbarrier.arrive $0xFFFF  }
0x5b: {  	_ =	shalt  }

// kernel: kernel.20.cloned.1.call-start
scs
__scs_entry_jumppad:
0x0: {  	(pc) =	sbr.rel $0x88, $3  }
0x1: {  	(tag) =	ssettag $0x0;
	lr =	simm.s32 $0x1  }
0x2: {  	[smem:$0x3F8A] =	sst lr;
	_ =	strace $0xD0000000  }
0x3: {  	_ = 	snop  }
0x4: {  	_ = 	snop  }
0x5: {  	_ = 	snop  }
0x6: {  	_ = 	snop  }
0x7: {  	_ = 	snop  }
__scs_overlays_trampoline_lowered:
0x8: {  	[smem:$0x3F99] =	sst s0  }
0x9: {  	[smem:$0x3F9A] =	sst s1  }
0xa: {  	[smem:$0x3F9B] =	sst s2  }
0xb: {  	[smem:$0x3F9C] =	sst s3  }
0xc: {  	[smem:$0x3F9D] =	sst s4  }
0xd: {  	[smem:$0x3F9E] =	sst s5  }
0xe: {  	[smem:$0x3F9F] =	sst s6  }
0xf: {  	[smem:$0x3FA0] =	sst s7  }
0x10: {  	[smem:$0x3FA1] =	sst s8  }
0x11: {  	[smem:$0x3FA2] =	sst s9;
	s0 =	simm.s32 @!p0 $0x0  }
0x12: {  	s1 =	sld [smem:$0x3F88];
	s0 =	simm.s32 @p0 $0x1  }
0x13: {  	[smem:$0x3FA3] =	sst s0;
	s0 =	simm.s32 @!p1 $0x0  }
0x14: {  	s2 =	sld [smem:$0x3F87];
	s0 =	simm.s32 @p1 $0x1  }
0x15: {  	[smem:$0x3FA4] =	sst s0;
	s0 =	simm.s32 @!p2 $0x0  }
0x16: {  	s3 =	sld [smem:$0x3FDB];
	s0 =	simm.s32 @p2 $0x1  }
0x17: {  	s4 =	simm.s32 $0x1BF5;
	[smem:$0x3FA6] =	sst s0  }
0x18: {  	s0 =	sld [smem:$0x3F89];
	_ =	swait.ge [sflag:s4], $0x0  }
0x19: {  	s7 =	sld [smem:$0x3F8A]  }
0x1a: {  	s8 =	sadd.s32 $0xFFFFE003, lr  }
0x1b: {  	s9 =	sadd.s32 $0xFFFFFEF7, lr;
	s5 =	simm.s32 $0xFFFFFFFF;
	p2 =	slt.u32 s8, $0xFFFFF086  }
0x1c: {  	p1 =	slt.u32 s9, $0xF7A;
	s5 =	simm.s32 @!p2 $0x0  }
0x1d: {  	s5 =	simm.s32 @p1 $0x1;
	p0 =	seq.s32 s7, s2  }
0x1e: {  	s7 =	smul.u32 @!p0 $0xF7A, s2;
	p2 =	seq.s32 @!p0 s5, $0x0  }
0x1f: {  	s9 =	smul.u32 $0xF7A, s1;
	s8 =	simm.s32 @!p0 $0x1BF5;
	p2 =	por !p2, p0  }
0x20: {  	[sflag:s8] =	ssyncset.s32 @!p0 $0xFFFFF086;
	s6 =	sadd.s32 @!p0 s3, s7;
	s7 =	simm.s32 @!p0 $0x108  }
0x21: {  	s3 =	sadd.s32 s3, s9;
	s6 =	sadd.s32 @!p0 $0x88, s6;
	s7 =	simm.s32 @p2 $0x1082  }
0x22: {  	[simem:s7], [sflag:s8] =	dma.local @!p0 [hbm:s6], $0xF7A  }
0x23: {  	s9 =	sor.u32 $0xD0000000, s2;
	s6 =	simm.s32 $0x108;
	_ =	swait.ge @!p0 [sflag:s8], $0x0  }
0x24: {  	s3 =	sadd.s32 $0x88, s3;
	s6 =	simm.s32 @!p1 $0x1082;
	[sflag:s4] =	ssyncset.s32 $0xFFFFF086  }
0x25: {  	[simem:s6], [sflag:s4] =	dma.local [hbm:s3], $0xF7A  }
0x26: {  	[smem:$0x3F8A] =	sst s1;
	(tag) =	ssettag s2;
	_ =	strace s9  }
0x27: {  	s1 =	sld [smem:$0x3F9A]  }
0x28: {  	s2 =	sld [smem:$0x3F9B]  }
0x29: {  	s4 =	sld [smem:$0x3F9D]  }
0x2a: {  	p0 =	seq.s32 s5, $0x0;
	s5 =	sld [smem:$0x3F9E]  }
0x2b: {  	s6 =	sld [smem:$0x3F9F]  }
0x2c: {  	s7 =	sld [smem:$0x3FA0]  }
0x2d: {  	s3 =	simm.s32 $0x108;
	s8 =	sld [smem:$0x3FA1]  }
0x2e: {  	s3 =	simm.s32 @!p0 $0x1082;
	s9 =	sld [smem:$0x3FA2]  }
0x2f: {  	lr =	sadd.s32 s0, s3;
	s0 =	sld [smem:$0x3F99]  }
0x30: {  	s3 =	sld [smem:$0x3F9C]  }
0x31: {  	[smem:$0x3FA5] =	sst s10  }
0x32: {  	s10 =	sld [smem:$0x3FA3];
	_ =	sdelay $0x3  }
0x33: {  	p0 =	seq.s32 s10, $0x1;
	s10 =	sld [smem:$0x3FA5];
	_ =	sdelay $0x3  }
0x34: {  	[smem:$0x3FA5] =	sst s10  }
0x35: {  	s10 =	sld [smem:$0x3FA4];
	_ =	sdelay $0x3  }
0x36: {  	p1 =	seq.s32 s10, $0x1;
	s10 =	sld [smem:$0x3FA5];
	_ =	sdelay $0x3  }
0x37: {  	[smem:$0x3FA5] =	sst s10  }
0x38: {  	s10 =	sld [smem:$0x3FA6]  }
0x39: {  	_ = 	snop;
	(pc) =	sbr.ind lr, $3  }
0x3a: {  	_ = 	snop  }
0x3b: {  	_ = 	snop  }
0x3c: {  	p2 =	seq.s32 s10, $0x1;
	s10 =	sld [smem:$0x3FA5]  }
0x3d: {  	_ =	shalt  }
0x3e: {  	_ =	shalt  }
0x3f: {  	_ =	shalt  }
0x40: {  	_ =	shalt  }
0x41: {  	_ =	shalt  }
0x42: {  	_ =	shalt  }
0x43: {  	_ =	shalt  }
0x44: {  	_ =	shalt  }
0x45: {  	_ =	shalt  }
0x46: {  	_ =	shalt  }
0x47: {  	_ =	shalt  }
0x48: {  	_ =	shalt  }
0x49: {  	_ =	shalt  }
0x4a: {  	_ =	shalt  }
0x4b: {  	_ =	shalt  }
0x4c: {  	_ =	shalt  }
0x4d: {  	_ =	shalt  }
0x4e: {  	_ =	shalt  }
0x4f: {  	_ =	shalt  }
0x50: {  	_ =	shalt  }
0x51: {  	_ =	shalt  }
0x52: {  	_ =	shalt  }
0x53: {  	_ =	shalt  }
0x54: {  	_ =	shalt  }
0x55: {  	_ =	shalt  }
0x56: {  	_ =	shalt  }
0x57: {  	_ =	shalt  }
0x58: {  	_ =	shalt  }
0x59: {  	_ =	shalt  }
0x5a: {  	_ =	shalt  }
0x5b: {  	_ =	shalt  }
0x5c: {  	_ =	shalt  }
0x5d: {  	_ =	shalt  }
0x5e: {  	_ =	shalt  }
0x5f: {  	_ =	shalt  }
0x60: {  	_ =	shalt  }
0x61: {  	_ =	shalt  }
0x62: {  	_ =	shalt  }
0x63: {  	_ =	shalt  }
0x64: {  	_ =	shalt  }
0x65: {  	_ =	shalt  }
0x66: {  	_ =	shalt  }
0x67: {  	_ =	shalt  }
0x68: {  	_ =	shalt  }
0x69: {  	_ =	shalt  }
0x6a: {  	_ =	shalt  }
0x6b: {  	_ =	shalt  }
0x6c: {  	_ =	shalt  }
0x6d: {  	_ =	shalt  }
0x6e: {  	_ =	shalt  }
0x6f: {  	_ =	shalt  }
0x70: {  	_ =	shalt  }
0x71: {  	_ =	shalt  }
0x72: {  	_ =	shalt  }
0x73: {  	_ =	shalt  }
0x74: {  	_ =	shalt  }
0x75: {  	_ =	shalt  }
0x76: {  	_ =	shalt  }
0x77: {  	_ =	shalt  }
0x78: {  	_ =	shalt  }
0x79: {  	_ =	shalt  }
0x7a: {  	_ =	shalt  }
0x7b: {  	_ =	shalt  }
0x7c: {  	_ =	shalt  }
0x7d: {  	_ =	shalt  }
0x7e: {  	_ =	shalt  }
0x7f: {  	_ =	shalt  }
0x80: {  	_ =	shalt  }
0x81: {  	_ =	shalt  }
0x82: {  	_ =	shalt  }
0x83: {  	_ =	shalt  }
0x84: {  	_ =	shalt  }
0x85: {  	_ =	shalt  }
0x86: {  	_ =	shalt  }
0x87: {  	_ =	shalt  }
.Lfunc_end0:
.L_simem_size_0:
called_computation.1_lowered:
.L_overlay_start_0:
0x88: {  	s2 =	sld [smem:$0x3FD9]  }
0x89: {  	s3 =	sld [smem:$0x3FFE];
	_ =	sdelay $0x1  }
0x8a: {  	s1 =	srdreg.scid  }
0x8b: {  	s0 =	sand.u32 $0x1, s1  }
0x8c: {  	s16 =	sshll.u32 s0, $0xA;
	s2 =	sadd.s32 s3, s2  }
0x8d: {  	s2 =	sadd.s32 s2, s16  }
0x8e: {  	[smem:$0x3FB1] =	sst s2  }
0x8f: {  	_ = 	snop  }
0x90: {  	(tm) =	ssettm $0x1  }
0x91: {  	s17 =	sld [smem:$0x3FFB];
	_ =	sdelay $0x3  }
0x92: {  	_ =	strace s17  }
0x93: {  	s2 =	sld [smem:$0x3FFC];
	_ =	sdelay $0x3  }
0x94: {  	_ =	strace s2  }
0x95: {  	s2 =	sld [smem:$0x3FFD];
	_ =	sdelay $0x3  }
0x96: {  	_ =	strace s2  }
0x97: {  	_ =	strace $0x8FFFFFFF  }
0x98: {  	s18 =	sld [smem:$0x3FDB];
	_ =	sdelay $0x1  }
0x99: {  	s19 =	simm.s32 $_scs_section_size  }
0x9a: {  	s4 =	simm.s32 $_size__tile_overlayer_lowered;
	s5 =	simm.s32 $_tile_overlayer_lowered  }
0x9b: {  	s22 =	simm.s32 $0x1BFF;
	s21 =	sshll.u32 s5, $0x1;
	s2 =	sadd.s32 s19, s18  }
0x9c: {  	s6 =	simm.s32 $0x0;
	s20 =	sshll.u32 s4, $0x1;
	s4 =	sadd.s32 s21, s2  }
0x9d: {  	[timem:s6], [sflag:s22] =	dma.local [hbm:s4], s20  }
0x9e: {  	_ =	swait.ge [sflag:s22], s20  }
0x9f: {  	s3 =	ssub.s32 $0x0, s20;
	[sflag:s22] =	ssyncset.done $0x0  }
0xa0: {  	[sflag:s22] =	ssyncadd.s32 s3;
	_ =	sdelay $0x1  }
0xa1: {  	s23 =	simm.s32 $0x1B8B  }
0xa2: {  	_ =	swait.ge [sflag:s23], $0x1  }
0xa3: {  	[sflag:s23] =	ssyncset.done $0x0  }
0xa4: {  	s25 =	simm.s32 $0x1B8E;
	s24 =	sld [smem:$0x3FFE];
	[sflag:s23] =	ssyncadd.s32 $0xFFFFFFFF  }
0xa5: {  	s26 =	simm.s32 $execute0_lowered;
	[smem:$0x3FD2] =	sst s25  }
0xa6: {  	s4 =	sshll.u32 s26, $0x1;
	_ =	strace $0x80000046;
	[dreg:$0x1] =	wrdreg $0xFFFFFFFF  }
0xa7: {  	s28 =	simm.s32 $_size_execute0_lowered;
	s2 =	sadd.s32 s2, s4;
	[dreg:$0x0] =	wrdreg $0x0  }
0xa8: {  	s4 =	sshll.u32 s28, $0x1;
	[dreg:$0x2] =	wrdreg s2  }
0xa9: {  	[dreg:$0x3] =	wrdreg s4  }
0xaa: {  	[dreg:$0x4] =	wrdreg $0xC0  }
0xab: {  	_ =	task [dreg:s6], $0x5FFFF  }
0xac: {  	[dreg:$0x1] =	wrdreg $0xFFFFFFFF  }
0xad: {  	[dreg:$0x0] =	wrdreg $0x60  }
0xae: {  	[dreg:$0x2] =	wrdreg s24  }
0xaf: {  	[dreg:$0x3] =	wrdreg $0xA  }
0xb0: {  	_ =	task.clear_ibuf [dreg:s6], $0x4FFFF;
	_ =	strace $0x90000046  }
0xb1: {  	s29 =	simm.s32 $0xA;
	_ =	strace $0x80000048  }
0xb2: {  	_ =	swait.ge [sflag:s29], $0x1  }
0xb3: {  	[sflag:s29] =	ssyncadd.s32 $0xFFFFFFFF  }
0xb4: {  	_ =	strace $0x90000048  }
0xb5: {  	_ =	sfence  }
0xb6: {  	s30 =	sld [smem:$0x0];
	_ =	sdelay $0x2  }
0xb7: {  	s31 =	sshll.u32 s1, $0xD;
	s1 =	sshrl.u32 s1, $0x2  }
0xb8: {  	s3 =	sand.u32 $0x4000, s31;
	s1 =	sadd.s32 s1, s30  }
0xb9: {  	s0 =	sor.u32 s3, s0;
	s1 =	sshll.u32 s1, $0x11  }
0xba: {  	s0 =	sor.u32 s1, s0  }
0xbb: {  	s0 =	sadd.s32 $0x8F2B, s0  }
0xbc: {  	[sflag:s0] =	ssyncadd.remote.s32 $0x1  }
0xbd: {  	_ =	sfence.sel $0xFFFF  }
0xbe: {  	[dreg:$0x0] =	wrdreg $0xFFFFFFFF;
	(pc) =	sbr.abs _section_cstart, $3  }
0xbf: {  	[dreg:$0x1] =	wrdreg $0xFFFFFFFF  }
0xc0: {  	_ =	task.clear_ibuf [dreg:s6], $0x2FFFF;
	_ =	strace $0x9FFFFFFF  }
0xc1: {  	(tm) =	ssettm $0x7FFFFFFF  }
tec
execute0_lowered:
.L_overlay_start_1:
0x0: {  	(tag) =	ssettag $0x1  }
0x1: {  	s4 =	rddreg [dreg:$0x0]  }
0x2: {  	s0 =	rddreg [dreg:$0x1];
	s1 =	simm.s32 $0x0  }
0x3: {  	s2 =	srdreg.scid;
	s9 =	simm.s32 $0x3;
	s10 =	simm.s32 $0x80  }
0x4: {  	s11 =	simm.s32 $0x100;
	s12 =	simm.s32 $0x1;
	s13 =	simm.s32 $0x2  }
0x5: {  	s14 =	simm.s32 $0x0;
	[smem:$0x7FF] =	sst s1;
	s5 =	sand.u32 $0x1, s2  }
0x6: {  	s2 =	stileid.u32;
	s3 =	sadd.s32 $0x18000, s4;
	s6 =	ssub.s32 $0x2, s5  }
0x7: {  	_ =	strace $0x80000047;
	s7 =	sshll.u32 s2, $0xA;
	s8 =	sshrl.u32 s6, $0x1  }
0x8: {  	s31 =	sshll.u32 s5, $0x9;
	s7 =	sadd.s32 s7, s4;
	s6 =	ssub.s32 s6, s8  }
0x9: {  	s4 =	sadd.s32 $0x17E00, s4;
	s8 =	sadd.s32 s31, s7;
	s5 =	smax.u32 s6, $0x1  }
0xa: {  	s6 =	sadd.s32 $0x30200, s8;
	s7 =	sadd.s32 $0x2C200, s8;
	s8 =	sadd.s32 $0x28200, s8  }
.LBB2_1:
0xb: {  	s15 =	sadd.s32 $0x0, s8  }
0xc: {  	[tilespmem:s1], [sflag:$0x3] =	stream.linear.gather [hbm4b:s15+s1], $0x80, $0x38;
	[tilespmem:$0x180] =	vst v63  }
0xd: {  	_ =	swait.ge [sflag:s9], $0x80  }
0xe: {  	[sflag:s9] =	ssyncset.done $0x0  }
0xf: {  	[sflag:s9] =	ssyncadd.s32 $0xFFFFFF80  }
0x10: {  	[tilespmem:s10], [sflag:$0x1] =	stream.indirect.gather [hbm4b:s3+s10], $0x1, s1, s10, $0xb8;
	[tilespmem:$0x180] =	vst v63  }
0x11: {  	_ = 	snop  }
0x12: {  	[tilespmem:s11], [sflag:$0x2] =	stream.indirect.gather [hbm4b:s4+s10], $0x1, s1, s10, $0xb8;
	[tilespmem:$0x180] =	vst v63  }
0x13: {  	_ =	swait.ge [sflag:s12], $0x80  }
0x14: {  	[sflag:s12] =	ssyncset.done $0x0  }
0x15: {  	[sflag:s12] =	ssyncadd.s32 $0xFFFFFF80  }
0x16: {  	_ =	swait.ge [sflag:s13], $0x80  }
0x17: {  	[sflag:s13] =	ssyncset.done $0x0  }
0x18: {  	s30 =	sadd.s32 $0x0, s7;
	[sflag:s13] =	ssyncadd.s32 $0xFFFFFF80  }
0x19: {  	[hbm4b:s30+s1] =	stream.linear.scatter [tilespmem:s10], [sflag:$0x3], $0x80, $0x38;
	[tilespmem:$0x180] =	vst v63  }
0x1a: {  	_ =	swait.ge [sflag:s9], $0x80  }
0x1b: {  	[sflag:s9] =	ssyncset.done $0x0  }
0x1c: {  	s31 =	sadd.s32 $0x0, s6;
	[sflag:s9] =	ssyncadd.s32 $0xFFFFFF80  }
0x1d: {  	[hbm4b:s31+s1] =	stream.linear.scatter [tilespmem:s11], [sflag:$0x3], $0x80, $0x38;
	[tilespmem:$0x180] =	vst v63  }
0x1e: {  	_ =	swait.ge [sflag:s9], $0x80  }
0x1f: {  	s16 =	simm.s32 $0x20;
	s15 =	simm.s32 $0x10;
	[sflag:s9] =	ssyncset.done $0x0  }
.LBB2_2:
0x20: {  	s17 =	sadd.s32 s15, s8  }
0x21: {  	[sflag:s9] =	ssyncadd.s32 $0xFFFFFF80;
	s18 =	smov.u32 s16;
	s19 =	sadd.s32 $0x10, s16  }
0x22: {  	[tilespmem:s1], [sflag:$0x3] =	stream.linear.gather [hbm4b:s17+s1], $0x80, $0x38;
	[tilespmem:$0x180] =	vst v63  }
0x23: {  	p0 =	sne.s32 s16, $0x1F0;
	_ =	swait.ge [sflag:s9], $0x80  }
0x24: {  	[sflag:s9] =	ssyncset.done $0x0  }
0x25: {  	[sflag:s9] =	ssyncadd.s32 $0xFFFFFF80  }
0x26: {  	[tilespmem:s10], [sflag:$0x1] =	stream.indirect.gather [hbm4b:s3+s10], $0x1, s1, s10, $0xb8;
	[tilespmem:$0x180] =	vst v63  }
0x27: {  	_ = 	snop  }
0x28: {  	[tilespmem:s11], [sflag:$0x2] =	stream.indirect.gather [hbm4b:s4+s10], $0x1, s1, s10, $0xb8;
	[tilespmem:$0x180] =	vst v63  }
0x29: {  	_ =	swait.ge [sflag:s12], $0x80  }
0x2a: {  	[sflag:s12] =	ssyncset.done $0x0  }
0x2b: {  	[sflag:s12] =	ssyncadd.s32 $0xFFFFFF80  }
0x2c: {  	_ =	swait.ge [sflag:s13], $0x80  }
0x2d: {  	[sflag:s13] =	ssyncset.done $0x0  }
0x2e: {  	s16 =	sadd.s32 s15, s7;
	[sflag:s13] =	ssyncadd.s32 $0xFFFFFF80  }
0x2f: {  	[hbm4b:s16+s1] =	stream.linear.scatter [tilespmem:s10], [sflag:$0x3], $0x80, $0x38;
	[tilespmem:$0x180] =	vst v63  }
0x30: {  	_ =	swait.ge [sflag:s9], $0x80  }
.Ltmp0:
0x31: {  	[sflag:s9] =	ssyncset.done $0x0;
	(pc) =	sbr.rel @p0 .LBB2_2-.Ltmp0, $4  }
0x32: {  	s16 =	sadd.s32 s15, s6;
	s15 =	smov.u32 s18;
	[sflag:s9] =	ssyncadd.s32 $0xFFFFFF80  }
0x33: {  	[hbm4b:s16+s1] =	stream.linear.scatter [tilespmem:s11], [sflag:$0x3], $0x80, $0x38;
	[tilespmem:$0x180] =	vst v63  }
0x34: {  	_ =	swait.ge [sflag:s9], $0x80  }
0x35: {  	s16 =	smov.u32 s19;
	[sflag:s9] =	ssyncset.done $0x0  }
0x36: {  	s16 =	sadd.s32 s15, s8;
	[sflag:s9] =	ssyncadd.s32 $0xFFFFFF80  }
0x37: {  	[tilespmem:s1], [sflag:$0x3] =	stream.linear.gather [hbm4b:s16+s1], $0x80, $0x38;
	[tilespmem:$0x180] =	vst v63  }
0x38: {  	_ =	swait.ge [sflag:s9], $0x80  }
0x39: {  	[sflag:s9] =	ssyncset.done $0x0  }
0x3a: {  	[sflag:s9] =	ssyncadd.s32 $0xFFFFFF80  }
0x3b: {  	[tilespmem:s10], [sflag:$0x1] =	stream.indirect.gather [hbm4b:s3+s10], $0x1, s1, s10, $0xb8;
	[tilespmem:$0x180] =	vst v63  }
0x3c: {  	_ = 	snop  }
0x3d: {  	[tilespmem:s11], [sflag:$0x2] =	stream.indirect.gather [hbm4b:s4+s10], $0x1, s1, s10, $0xb8;
	[tilespmem:$0x180] =	vst v63  }
0x3e: {  	_ =	swait.ge [sflag:s12], $0x80  }
0x3f: {  	[sflag:s12] =	ssyncset.done $0x0  }
0x40: {  	[sflag:s12] =	ssyncadd.s32 $0xFFFFFF80  }
0x41: {  	_ =	swait.ge [sflag:s13], $0x80  }
0x42: {  	[sflag:s13] =	ssyncset.done $0x0  }
0x43: {  	s30 =	sadd.s32 s15, s7;
	[sflag:s13] =	ssyncadd.s32 $0xFFFFFF80  }
0x44: {  	[hbm4b:s30+s1] =	stream.linear.scatter [tilespmem:s10], [sflag:$0x3], $0x80, $0x38;
	[tilespmem:$0x180] =	vst v63  }
0x45: {  	s14 =	sadd.s32 $0x1, s14;
	_ =	swait.ge [sflag:s9], $0x80  }
0x46: {  	p0 =	sne.s32 s14, s5;
	[sflag:s9] =	ssyncset.done $0x0  }
.Ltmp1:
0x47: {  	s31 =	sadd.s32 s15, s6;
	[sflag:s9] =	ssyncadd.s32 $0xFFFFFF80;
	(pc) =	sbr.rel @p0 .LBB2_1-.Ltmp1, $4  }
0x48: {  	[hbm4b:s31+s1] =	stream.linear.scatter [tilespmem:s11], [sflag:$0x3], $0x80, $0x38;
	[tilespmem:$0x180] =	vst v63  }
0x49: {  	_ =	swait.ge [sflag:s9], $0x80  }
0x4a: {  	[sflag:s9] =	ssyncset.done $0x0  }
0x4b: {  	[sflag:s9] =	ssyncadd.s32 $0xFFFFFF80  }
0x4c: {  	_ =	sfence.sel $0x180000  }
0x4d: {  	[bflag:$0x0] =	sbarrier.arrive $0xFFFF  }
0x4e: {  	p0 =	sne.s32 s2, $0x0;
	_ =	strace $0x90000047  }
0x4f: {  	s0 =	sadd.s32 @!p0 $0x100000, s0;
	[bflag:$0x2] =	sbarrier.arrive $0xFFFF  }
0x50: {  	[sflag:s0] =	ssyncadd.tile.s32 @!p0 $0x1;
	_ =	shalt  }
.Lfunc_end2:
_tile_overlayer_lowered:
.L_overlay_start_2:
0x51: {  	(tag) =	ssettag $0x2  }
0x52: {  	s0 =	rddreg [dreg:$0x0];
	s2 =	stileid.u32  }
0x53: {  	s1 =	rddreg [dreg:$0x1];
	p0 =	sne.s32 s2, $0x0  }
0x54: {  	s3 =	rddreg [dreg:$0x2];
	[bflag:$0x3] =	sbarrier.arrive $0xFFFF;
	s2 =	simm.s32 @!p0 $0x1C03  }
0x55: {  	[timem:s3], [sflag:s2] =	dma.local @!p0 [hbm:s0], s1  }
0x56: {  	s0 =	simm.s32 @!p0 $0x3  }
0x57: {  	_ =	swait.ge @!p0 [sflag:s0], s1  }
0x58: {  	s1 =	ssub.s32 @!p0 $0x0, s1;
	[sflag:s0] =	ssyncset.done @!p0 $0x0  }
0x59: {  	[sflag:s0] =	ssyncadd.s32 @!p0 s1  }
0x5a: {  	[bflag:$0x3] =	sbarrier.arrive $0xFFFF  }
0x5b: {  	_ =	shalt  }

// kernel: kernel.23.cloned.1.call-start
scs
__scs_entry_jumppad:
0x0: {  	(pc) =	sbr.rel $0x88, $3  }
0x1: {  	(tag) =	ssettag $0x0;
	lr =	simm.s32 $0x1  }
0x2: {  	[smem:$0x3F8A] =	sst lr;
	_ =	strace $0xD0000000  }
0x3: {  	_ = 	snop  }
0x4: {  	_ = 	snop  }
0x5: {  	_ = 	snop  }
0x6: {  	_ = 	snop  }
0x7: {  	_ = 	snop  }
__scs_overlays_trampoline_lowered:
0x8: {  	[smem:$0x3F99] =	sst s0  }
0x9: {  	[smem:$0x3F9A] =	sst s1  }
0xa: {  	[smem:$0x3F9B] =	sst s2  }
0xb: {  	[smem:$0x3F9C] =	sst s3  }
0xc: {  	[smem:$0x3F9D] =	sst s4  }
0xd: {  	[smem:$0x3F9E] =	sst s5  }
0xe: {  	[smem:$0x3F9F] =	sst s6  }
0xf: {  	[smem:$0x3FA0] =	sst s7  }
0x10: {  	[smem:$0x3FA1] =	sst s8  }
0x11: {  	[smem:$0x3FA2] =	sst s9;
	s0 =	simm.s32 @!p0 $0x0  }
0x12: {  	s1 =	sld [smem:$0x3F88];
	s0 =	simm.s32 @p0 $0x1  }
0x13: {  	[smem:$0x3FA3] =	sst s0;
	s0 =	simm.s32 @!p1 $0x0  }
0x14: {  	s2 =	sld [smem:$0x3F87];
	s0 =	simm.s32 @p1 $0x1  }
0x15: {  	[smem:$0x3FA4] =	sst s0;
	s0 =	simm.s32 @!p2 $0x0  }
0x16: {  	s3 =	sld [smem:$0x3FDB];
	s0 =	simm.s32 @p2 $0x1  }
0x17: {  	s4 =	simm.s32 $0x1BF5;
	[smem:$0x3FA6] =	sst s0  }
0x18: {  	s0 =	sld [smem:$0x3F89];
	_ =	swait.ge [sflag:s4], $0x0  }
0x19: {  	s7 =	sld [smem:$0x3F8A]  }
0x1a: {  	s8 =	sadd.s32 $0xFFFFE003, lr  }
0x1b: {  	s9 =	sadd.s32 $0xFFFFFEF7, lr;
	s5 =	simm.s32 $0xFFFFFFFF;
	p2 =	slt.u32 s8, $0xFFFFF086  }
0x1c: {  	p1 =	slt.u32 s9, $0xF7A;
	s5 =	simm.s32 @!p2 $0x0  }
0x1d: {  	s5 =	simm.s32 @p1 $0x1;
	p0 =	seq.s32 s7, s2  }
0x1e: {  	s7 =	smul.u32 @!p0 $0xF7A, s2;
	p2 =	seq.s32 @!p0 s5, $0x0  }
0x1f: {  	s9 =	smul.u32 $0xF7A, s1;
	s8 =	simm.s32 @!p0 $0x1BF5;
	p2 =	por !p2, p0  }
0x20: {  	[sflag:s8] =	ssyncset.s32 @!p0 $0xFFFFF086;
	s6 =	sadd.s32 @!p0 s3, s7;
	s7 =	simm.s32 @!p0 $0x108  }
0x21: {  	s3 =	sadd.s32 s3, s9;
	s6 =	sadd.s32 @!p0 $0x88, s6;
	s7 =	simm.s32 @p2 $0x1082  }
0x22: {  	[simem:s7], [sflag:s8] =	dma.local @!p0 [hbm:s6], $0xF7A  }
0x23: {  	s9 =	sor.u32 $0xD0000000, s2;
	s6 =	simm.s32 $0x108;
	_ =	swait.ge @!p0 [sflag:s8], $0x0  }
0x24: {  	s3 =	sadd.s32 $0x88, s3;
	s6 =	simm.s32 @!p1 $0x1082;
	[sflag:s4] =	ssyncset.s32 $0xFFFFF086  }
0x25: {  	[simem:s6], [sflag:s4] =	dma.local [hbm:s3], $0xF7A  }
0x26: {  	[smem:$0x3F8A] =	sst s1;
	(tag) =	ssettag s2;
	_ =	strace s9  }
0x27: {  	s1 =	sld [smem:$0x3F9A]  }
0x28: {  	s2 =	sld [smem:$0x3F9B]  }
0x29: {  	s4 =	sld [smem:$0x3F9D]  }
0x2a: {  	p0 =	seq.s32 s5, $0x0;
	s5 =	sld [smem:$0x3F9E]  }
0x2b: {  	s6 =	sld [smem:$0x3F9F]  }
0x2c: {  	s7 =	sld [smem:$0x3FA0]  }
0x2d: {  	s3 =	simm.s32 $0x108;
	s8 =	sld [smem:$0x3FA1]  }
0x2e: {  	s3 =	simm.s32 @!p0 $0x1082;
	s9 =	sld [smem:$0x3FA2]  }
0x2f: {  	lr =	sadd.s32 s0, s3;
	s0 =	sld [smem:$0x3F99]  }
0x30: {  	s3 =	sld [smem:$0x3F9C]  }
0x31: {  	[smem:$0x3FA5] =	sst s10  }
0x32: {  	s10 =	sld [smem:$0x3FA3];
	_ =	sdelay $0x3  }
0x33: {  	p0 =	seq.s32 s10, $0x1;
	s10 =	sld [smem:$0x3FA5];
	_ =	sdelay $0x3  }
0x34: {  	[smem:$0x3FA5] =	sst s10  }
0x35: {  	s10 =	sld [smem:$0x3FA4];
	_ =	sdelay $0x3  }
0x36: {  	p1 =	seq.s32 s10, $0x1;
	s10 =	sld [smem:$0x3FA5];
	_ =	sdelay $0x3  }
0x37: {  	[smem:$0x3FA5] =	sst s10  }
0x38: {  	s10 =	sld [smem:$0x3FA6]  }
0x39: {  	_ = 	snop;
	(pc) =	sbr.ind lr, $3  }
0x3a: {  	_ = 	snop  }
0x3b: {  	_ = 	snop  }
0x3c: {  	p2 =	seq.s32 s10, $0x1;
	s10 =	sld [smem:$0x3FA5]  }
0x3d: {  	_ =	shalt  }
0x3e: {  	_ =	shalt  }
0x3f: {  	_ =	shalt  }
0x40: {  	_ =	shalt  }
0x41: {  	_ =	shalt  }
0x42: {  	_ =	shalt  }
0x43: {  	_ =	shalt  }
0x44: {  	_ =	shalt  }
0x45: {  	_ =	shalt  }
0x46: {  	_ =	shalt  }
0x47: {  	_ =	shalt  }
0x48: {  	_ =	shalt  }
0x49: {  	_ =	shalt  }
0x4a: {  	_ =	shalt  }
0x4b: {  	_ =	shalt  }
0x4c: {  	_ =	shalt  }
0x4d: {  	_ =	shalt  }
0x4e: {  	_ =	shalt  }
0x4f: {  	_ =	shalt  }
0x50: {  	_ =	shalt  }
0x51: {  	_ =	shalt  }
0x52: {  	_ =	shalt  }
0x53: {  	_ =	shalt  }
0x54: {  	_ =	shalt  }
0x55: {  	_ =	shalt  }
0x56: {  	_ =	shalt  }
0x57: {  	_ =	shalt  }
0x58: {  	_ =	shalt  }
0x59: {  	_ =	shalt  }
0x5a: {  	_ =	shalt  }
0x5b: {  	_ =	shalt  }
0x5c: {  	_ =	shalt  }
0x5d: {  	_ =	shalt  }
0x5e: {  	_ =	shalt  }
0x5f: {  	_ =	shalt  }
0x60: {  	_ =	shalt  }
0x61: {  	_ =	shalt  }
0x62: {  	_ =	shalt  }
0x63: {  	_ =	shalt  }
0x64: {  	_ =	shalt  }
0x65: {  	_ =	shalt  }
0x66: {  	_ =	shalt  }
0x67: {  	_ =	shalt  }
0x68: {  	_ =	shalt  }
0x69: {  	_ =	shalt  }
0x6a: {  	_ =	shalt  }
0x6b: {  	_ =	shalt  }
0x6c: {  	_ =	shalt  }
0x6d: {  	_ =	shalt  }
0x6e: {  	_ =	shalt  }
0x6f: {  	_ =	shalt  }
0x70: {  	_ =	shalt  }
0x71: {  	_ =	shalt  }
0x72: {  	_ =	shalt  }
0x73: {  	_ =	shalt  }
0x74: {  	_ =	shalt  }
0x75: {  	_ =	shalt  }
0x76: {  	_ =	shalt  }
0x77: {  	_ =	shalt  }
0x78: {  	_ =	shalt  }
0x79: {  	_ =	shalt  }
0x7a: {  	_ =	shalt  }
0x7b: {  	_ =	shalt  }
0x7c: {  	_ =	shalt  }
0x7d: {  	_ =	shalt  }
0x7e: {  	_ =	shalt  }
0x7f: {  	_ =	shalt  }
0x80: {  	_ =	shalt  }
0x81: {  	_ =	shalt  }
0x82: {  	_ =	shalt  }
0x83: {  	_ =	shalt  }
0x84: {  	_ =	shalt  }
0x85: {  	_ =	shalt  }
0x86: {  	_ =	shalt  }
0x87: {  	_ =	shalt  }
.Lfunc_end0:
.L_simem_size_0:
called_computation.2_lowered:
.L_overlay_start_0:
0x88: {  	s2 =	sld [smem:$0x3FD9]  }
0x89: {  	s3 =	sld [smem:$0x3FFE];
	_ =	sdelay $0x1  }
0x8a: {  	s1 =	srdreg.scid  }
0x8b: {  	s0 =	sand.u32 $0x1, s1  }
0x8c: {  	s17 =	sshll.u32 s0, $0xA;
	s2 =	sadd.s32 s3, s2  }
0x8d: {  	s2 =	sadd.s32 s2, s17  }
0x8e: {  	[smem:$0x3FB1] =	sst s2  }
0x8f: {  	_ = 	snop  }
0x90: {  	(tm) =	ssettm $0x1  }
0x91: {  	s18 =	sld [smem:$0x3FFB];
	_ =	sdelay $0x3  }
0x92: {  	_ =	strace s18  }
0x93: {  	s2 =	sld [smem:$0x3FFC];
	_ =	sdelay $0x3  }
0x94: {  	_ =	strace s2  }
0x95: {  	s2 =	sld [smem:$0x3FFD];
	_ =	sdelay $0x3  }
0x96: {  	_ =	strace s2  }
0x97: {  	_ =	strace $0x8FFFFFFF  }
0x98: {  	s19 =	sld [smem:$0x3FDB];
	_ =	sdelay $0x1  }
0x99: {  	s20 =	simm.s32 $_scs_section_size  }
0x9a: {  	s4 =	simm.s32 $_size__tile_overlayer_lowered;
	s5 =	simm.s32 $_tile_overlayer_lowered  }
0x9b: {  	s6 =	simm.s32 $0x1BFF;
	s21 =	sshll.u32 s5, $0x1;
	s3 =	sadd.s32 s20, s19  }
0x9c: {  	s22 =	simm.s32 $0x0;
	s4 =	sshll.u32 s4, $0x1;
	s5 =	sadd.s32 s21, s3  }
0x9d: {  	[timem:s22], [sflag:s6] =	dma.local [hbm:s5], s4  }
0x9e: {  	_ =	swait.ge [sflag:s6], s4  }
0x9f: {  	s4 =	ssub.s32 $0x0, s4;
	[sflag:s6] =	ssyncset.done $0x0  }
0xa0: {  	[sflag:s6] =	ssyncadd.s32 s4;
	_ =	sdelay $0x1  }
0xa1: {  	s23 =	simm.s32 $0x1B8B  }
0xa2: {  	_ =	swait.ge [sflag:s23], $0x1  }
0xa3: {  	[sflag:s23] =	ssyncset.done $0x0  }
0xa4: {  	[sflag:s23] =	ssyncadd.s32 $0xFFFFFFFF  }
0xa5: {  	s4 =	sld [smem:$0x0]  }
0xa6: {  	s5 =	sand.u32 $0xFFFFFFFE, s1  }
0xa7: {  	p0 =	sne.s32 s1, s5  }
0xa8: {  	s5 =	sshll.u32 @p0 s5, $0xE  }
0xa9: {  	s5 =	sadd.s32 @p0 $0x11B8D, s5;
	s6 =	sshll.u32 @p0 s4, $0x11  }
0xaa: {  	s5 =	sor.u32 @p0 s6, s5  }
0xab: {  	[sflag:s5] =	ssyncadd.remote.s32 @p0 $0x1;
	_ =	sdelay $0x1  }
0xac: {  	s5 =	simm.s32 @p0 $0x1B8D  }
0xad: {  	_ =	swait.eq @p0 [sflag:s5], $0x1  }
0xae: {  	[sflag:s5] =	ssyncadd.s32 @p0 $0xFFFFFFFF  }
0xaf: {  	s6 =	sshll.u32 @!p0 s1, $0xE  }
0xb0: {  	s6 =	sor.u32 @!p0 $0x4000, s6;
	s5 =	simm.s32 @!p0 $0x1B8D  }
0xb1: {  	s4 =	sshll.u32 @!p0 s4, $0x11;
	s6 =	sadd.s32 @!p0 $0x11B8D, s6;
	_ =	swait.eq @!p0 [sflag:s5], $0x1  }
0xb2: {  	s4 =	sor.u32 @!p0 s4, s6;
	[sflag:s5] =	ssyncadd.s32 @!p0 $0xFFFFFFFF  }
0xb3: {  	s25 =	simm.s32 $0x1B8E;
	s24 =	sld [smem:$0x3FFE];
	[sflag:s4] =	ssyncadd.remote.s32 @!p0 $0x1  }
0xb4: {  	s26 =	simm.s32 $execute0_lowered;
	[smem:$0x3FD2] =	sst s25  }
0xb5: {  	s5 =	sshll.u32 s26, $0x1;
	_ =	strace $0x8000004F;
	[dreg:$0x1] =	wrdreg $0xFFFFFFFF  }
0xb6: {  	s28 =	simm.s32 $_size_execute0_lowered;
	s3 =	sadd.s32 s3, s5;
	[dreg:$0x0] =	wrdreg $0x0  }
0xb7: {  	s5 =	sshll.u32 s28, $0x1;
	[dreg:$0x2] =	wrdreg s3  }
0xb8: {  	[dreg:$0x3] =	wrdreg s5  }
0xb9: {  	[dreg:$0x4] =	wrdreg $0xC0  }
0xba: {  	_ =	task [dreg:s22], $0x5FFFF  }
0xbb: {  	[dreg:$0x1] =	wrdreg $0xFFFFFFFF  }
0xbc: {  	[dreg:$0x0] =	wrdreg $0x60  }
0xbd: {  	[dreg:$0x2] =	wrdreg s24  }
0xbe: {  	[dreg:$0x3] =	wrdreg $0x9  }
0xbf: {  	_ =	task.clear_ibuf [dreg:s22], $0x4FFFF;
	_ =	strace $0x9000004F  }
0xc0: {  	s29 =	simm.s32 $0x9;
	_ =	strace $0x80000051  }
0xc1: {  	_ =	swait.ge [sflag:s29], $0x1  }
0xc2: {  	[sflag:s29] =	ssyncadd.s32 $0xFFFFFFFF  }
0xc3: {  	_ =	strace $0x90000051  }
0xc4: {  	_ =	sfence  }
0xc5: {  	s30 =	sld [smem:$0x0];
	_ =	sdelay $0x2  }
0xc6: {  	s31 =	sshll.u32 s1, $0xD;
	s1 =	sshrl.u32 s1, $0x2  }
0xc7: {  	s4 =	sand.u32 $0x4000, s31;
	s1 =	sadd.s32 s1, s30  }
0xc8: {  	s0 =	sor.u32 s4, s0;
	s1 =	sshll.u32 s1, $0x11  }
0xc9: {  	s0 =	sor.u32 s1, s0  }
0xca: {  	s0 =	sadd.s32 $0x8F2B, s0  }
0xcb: {  	[sflag:s0] =	ssyncadd.remote.s32 $0x1  }
0xcc: {  	_ =	sfence.sel $0xFFFF  }
0xcd: {  	[dreg:$0x0] =	wrdreg $0xFFFFFFFF;
	(pc) =	sbr.abs _section_cstart, $3  }
0xce: {  	[dreg:$0x1] =	wrdreg $0xFFFFFFFF  }
0xcf: {  	_ =	task.clear_ibuf [dreg:s22], $0x2FFFF;
	_ =	strace $0x9FFFFFFF  }
0xd0: {  	(tm) =	ssettm $0x7FFFFFFF  }
0xd1: {  	_ =	shalt  }
tec
execute0_lowered:
.L_overlay_start_1:
0x0: {  	(tag) =	ssettag $0x1  }
0x1: {  	s4 =	rddreg [dreg:$0x0]  }
0x2: {  	s0 =	rddreg [dreg:$0x1];
	s2 =	simm.s32 $0x0;
	s3 =	srdreg.scid  }
0x3: {  	s1 =	stileid.u32;
	s10 =	simm.s32 $0x0;
	[smem:$0x7FF] =	sst s2  }
0x4: {  	s5 =	sand.u32 $0x1, s3;
	s6 =	sshll.u32 s1, $0xD;
	s3 =	sadd.s32 $0x58600, s4  }
0x5: {  	s8 =	sshll.u32 s1, $0x10;
	_ =	strace $0x80000050;
	s7 =	sshll.u32 s5, $0xC  }
0x6: {  	s31 =	ssub.s32 $0x2, s5;
	s8 =	sadd.s32 s8, s4;
	s5 =	sshll.u32 s5, $0xF  }
0x7: {  	s6 =	sor.u32 s7, s6;
	s9 =	sshrl.u32 s31, $0x1;
	s5 =	sadd.s32 s5, s8  }
0x8: {  	s8 =	simm.s32 $0x80;
	s6 =	sshrl.u32 s6, $0x3;
	s7 =	ssub.s32 s31, s9  }
0x9: {  	s5 =	sadd.s32 $0x1A0600, s5;
	s9 =	simm.s32 $0x1;
	s6 =	sadd.s32 s6, s4  }
0xa: {  	s4 =	smax.u32 s7, $0x1;
	s7 =	simm.s32 $0x2;
	s6 =	sadd.s32 $0x54600, s6  }
.LBB2_1:
0xb: {  	s11 =	sadd.s32 $0x0, s6  }
0xc: {  	[tilespmem:s2], [sflag:$0x2] =	stream.linear.gather [hbm4b:s11+s2], $0x80, $0x38;
	[tilespmem:$0x2080] =	vst v63  }
0xd: {  	_ =	swait.ge [sflag:s7], $0x80  }
0xe: {  	[sflag:s7] =	ssyncset.done $0x0  }
0xf: {  	[sflag:s7] =	ssyncadd.s32 $0xFFFFFF80  }
0x10: {  	[tilespmem:s8], [sflag:$0x1] =	stream.indirect.gather [hbm4b:s3+s8], $0x40, s2, s8, $0xb8;
	[tilespmem:$0x2080] =	vst v63  }
0x11: {  	_ =	swait.ge [sflag:s9], $0x2000  }
0x12: {  	[sflag:s9] =	ssyncset.done $0x0  }
0x13: {  	[sflag:s9] =	ssyncadd.s32 $0xFFFFE000  }
0x14: {  	[hbm4b:s5+s2] =	stream.linear.scatter [tilespmem:s8], [sflag:$0x2], $0x2000, $0x38;
	[tilespmem:$0x2080] =	vst v63  }
0x15: {  	s12 =	simm.s32 $0x10;
	_ =	swait.ge [sflag:s7], $0x2000  }
0x16: {  	s13 =	simm.s32 $0x20;
	s11 =	sadd.s32 $0x400, s5;
	[sflag:s7] =	ssyncset.done $0x0  }
.LBB2_2:
0x17: {  	s14 =	sadd.s32 s12, s6  }
0x18: {  	[sflag:s7] =	ssyncadd.s32 $0xFFFFE000;
	s12 =	smov.u32 s13;
	s15 =	sadd.s32 $0x10, s13  }
0x19: {  	[tilespmem:s2], [sflag:$0x2] =	stream.linear.gather [hbm4b:s14+s2], $0x80, $0x38;
	[tilespmem:$0x2080] =	vst v63  }
0x1a: {  	p0 =	sne.s32 s13, $0x1F0;
	_ =	swait.ge [sflag:s7], $0x80  }
0x1b: {  	[sflag:s7] =	ssyncset.done $0x0  }
0x1c: {  	[sflag:s7] =	ssyncadd.s32 $0xFFFFFF80  }
0x1d: {  	[tilespmem:s8], [sflag:$0x1] =	stream.indirect.gather [hbm4b:s3+s8], $0x40, s2, s8, $0xb8;
	[tilespmem:$0x2080] =	vst v63  }
0x1e: {  	_ =	swait.ge [sflag:s9], $0x2000  }
.Ltmp0:
0x1f: {  	[sflag:s9] =	ssyncset.done $0x0;
	(pc) =	sbr.rel @p0 .LBB2_2-.Ltmp0, $4  }
0x20: {  	[sflag:s9] =	ssyncadd.s32 $0xFFFFE000  }
0x21: {  	[hbm4b:s11+s2] =	stream.linear.scatter [tilespmem:s8], [sflag:$0x2], $0x2000, $0x38;
	[tilespmem:$0x2080] =	vst v63  }
0x22: {  	_ =	swait.ge [sflag:s7], $0x2000  }
0x23: {  	s13 =	smov.u32 s15;
	s11 =	sadd.s32 $0x400, s11;
	[sflag:s7] =	ssyncset.done $0x0  }
0x24: {  	s12 =	sadd.s32 s12, s6;
	[sflag:s7] =	ssyncadd.s32 $0xFFFFE000  }
0x25: {  	[tilespmem:s2], [sflag:$0x2] =	stream.linear.gather [hbm4b:s12+s2], $0x80, $0x38;
	[tilespmem:$0x2080] =	vst v63  }
0x26: {  	_ =	swait.ge [sflag:s7], $0x80  }
0x27: {  	[sflag:s7] =	ssyncset.done $0x0  }
0x28: {  	[sflag:s7] =	ssyncadd.s32 $0xFFFFFF80  }
0x29: {  	[tilespmem:s8], [sflag:$0x1] =	stream.indirect.gather [hbm4b:s3+s8], $0x40, s2, s8, $0xb8;
	[tilespmem:$0x2080] =	vst v63  }
0x2a: {  	s10 =	sadd.s32 $0x1, s10;
	_ =	swait.ge [sflag:s9], $0x2000  }
0x2b: {  	p0 =	sne.s32 s10, s4;
	[sflag:s9] =	ssyncset.done $0x0  }
.Ltmp1:
0x2c: {  	[sflag:s9] =	ssyncadd.s32 $0xFFFFE000;
	(pc) =	sbr.rel @p0 .LBB2_1-.Ltmp1, $4  }
0x2d: {  	[hbm4b:s11+s2] =	stream.linear.scatter [tilespmem:s8], [sflag:$0x2], $0x2000, $0x38;
	[tilespmem:$0x2080] =	vst v63  }
0x2e: {  	_ =	swait.ge [sflag:s7], $0x2000  }
0x2f: {  	[sflag:s7] =	ssyncset.done $0x0  }
0x30: {  	[sflag:s7] =	ssyncadd.s32 $0xFFFFE000  }
0x31: {  	_ =	sfence.sel $0x180000  }
0x32: {  	[bflag:$0x0] =	sbarrier.arrive $0xFFFF  }
0x33: {  	p0 =	sne.s32 s1, $0x0;
	_ =	strace $0x90000050  }
0x34: {  	s0 =	sadd.s32 @!p0 $0x100000, s0;
	[bflag:$0x2] =	sbarrier.arrive $0xFFFF  }
0x35: {  	[sflag:s0] =	ssyncadd.tile.s32 @!p0 $0x1;
	_ =	shalt  }
.Lfunc_end2:
_tile_overlayer_lowered:
.L_overlay_start_2:
0x36: {  	(tag) =	ssettag $0x2  }
0x37: {  	s0 =	rddreg [dreg:$0x0];
	s2 =	stileid.u32  }
0x38: {  	s1 =	rddreg [dreg:$0x1];
	p0 =	sne.s32 s2, $0x0  }
0x39: {  	s3 =	rddreg [dreg:$0x2];
	[bflag:$0x3] =	sbarrier.arrive $0xFFFF;
	s2 =	simm.s32 @!p0 $0x1C02  }
0x3a: {  	[timem:s3], [sflag:s2] =	dma.local @!p0 [hbm:s0], s1  }
0x3b: {  	s0 =	simm.s32 @!p0 $0x2  }
0x3c: {  	_ =	swait.ge @!p0 [sflag:s0], s1  }
0x3d: {  	s1 =	ssub.s32 @!p0 $0x0, s1;
	[sflag:s0] =	ssyncset.done @!p0 $0x0  }
0x3e: {  	[sflag:s0] =	ssyncadd.s32 @!p0 s1  }
0x3f: {  	[bflag:$0x3] =	sbarrier.arrive $0xFFFF  }
0x40: {  	_ =	shalt  }

// kernel: kernel.26.cloned.1.call-start
scs
__scs_entry_jumppad:
0x0: {  	(pc) =	sbr.rel $0x88, $3  }
0x1: {  	(tag) =	ssettag $0x0;
	lr =	simm.s32 $0x1  }
0x2: {  	[smem:$0x3F8A] =	sst lr;
	_ =	strace $0xD0000000  }
0x3: {  	_ = 	snop  }
0x4: {  	_ = 	snop  }
0x5: {  	_ = 	snop  }
0x6: {  	_ = 	snop  }
0x7: {  	_ = 	snop  }
__scs_overlays_trampoline_lowered:
0x8: {  	[smem:$0x3F99] =	sst s0  }
0x9: {  	[smem:$0x3F9A] =	sst s1  }
0xa: {  	[smem:$0x3F9B] =	sst s2  }
0xb: {  	[smem:$0x3F9C] =	sst s3  }
0xc: {  	[smem:$0x3F9D] =	sst s4  }
0xd: {  	[smem:$0x3F9E] =	sst s5  }
0xe: {  	[smem:$0x3F9F] =	sst s6  }
0xf: {  	[smem:$0x3FA0] =	sst s7  }
0x10: {  	[smem:$0x3FA1] =	sst s8  }
0x11: {  	[smem:$0x3FA2] =	sst s9;
	s0 =	simm.s32 @!p0 $0x0  }
0x12: {  	s1 =	sld [smem:$0x3F88];
	s0 =	simm.s32 @p0 $0x1  }
0x13: {  	[smem:$0x3FA3] =	sst s0;
	s0 =	simm.s32 @!p1 $0x0  }
0x14: {  	s2 =	sld [smem:$0x3F87];
	s0 =	simm.s32 @p1 $0x1  }
0x15: {  	[smem:$0x3FA4] =	sst s0;
	s0 =	simm.s32 @!p2 $0x0  }
0x16: {  	s3 =	sld [smem:$0x3FDB];
	s0 =	simm.s32 @p2 $0x1  }
0x17: {  	s4 =	simm.s32 $0x1BF5;
	[smem:$0x3FA6] =	sst s0  }
0x18: {  	s0 =	sld [smem:$0x3F89];
	_ =	swait.ge [sflag:s4], $0x0  }
0x19: {  	s7 =	sld [smem:$0x3F8A]  }
0x1a: {  	s8 =	sadd.s32 $0xFFFFE003, lr  }
0x1b: {  	s9 =	sadd.s32 $0xFFFFFEF7, lr;
	s5 =	simm.s32 $0xFFFFFFFF;
	p2 =	slt.u32 s8, $0xFFFFF086  }
0x1c: {  	p1 =	slt.u32 s9, $0xF7A;
	s5 =	simm.s32 @!p2 $0x0  }
0x1d: {  	s5 =	simm.s32 @p1 $0x1;
	p0 =	seq.s32 s7, s2  }
0x1e: {  	s7 =	smul.u32 @!p0 $0xF7A, s2;
	p2 =	seq.s32 @!p0 s5, $0x0  }
0x1f: {  	s9 =	smul.u32 $0xF7A, s1;
	s8 =	simm.s32 @!p0 $0x1BF5;
	p2 =	por !p2, p0  }
0x20: {  	[sflag:s8] =	ssyncset.s32 @!p0 $0xFFFFF086;
	s6 =	sadd.s32 @!p0 s3, s7;
	s7 =	simm.s32 @!p0 $0x108  }
0x21: {  	s3 =	sadd.s32 s3, s9;
	s6 =	sadd.s32 @!p0 $0x88, s6;
	s7 =	simm.s32 @p2 $0x1082  }
0x22: {  	[simem:s7], [sflag:s8] =	dma.local @!p0 [hbm:s6], $0xF7A  }
0x23: {  	s9 =	sor.u32 $0xD0000000, s2;
	s6 =	simm.s32 $0x108;
	_ =	swait.ge @!p0 [sflag:s8], $0x0  }
0x24: {  	s3 =	sadd.s32 $0x88, s3;
	s6 =	simm.s32 @!p1 $0x1082;
	[sflag:s4] =	ssyncset.s32 $0xFFFFF086  }
0x25: {  	[simem:s6], [sflag:s4] =	dma.local [hbm:s3], $0xF7A  }
0x26: {  	[smem:$0x3F8A] =	sst s1;
	(tag) =	ssettag s2;
	_ =	strace s9  }
0x27: {  	s1 =	sld [smem:$0x3F9A]  }
0x28: {  	s2 =	sld [smem:$0x3F9B]  }
0x29: {  	s4 =	sld [smem:$0x3F9D]  }
0x2a: {  	p0 =	seq.s32 s5, $0x0;
	s5 =	sld [smem:$0x3F9E]  }
0x2b: {  	s6 =	sld [smem:$0x3F9F]  }
0x2c: {  	s7 =	sld [smem:$0x3FA0]  }
0x2d: {  	s3 =	simm.s32 $0x108;
	s8 =	sld [smem:$0x3FA1]  }
0x2e: {  	s3 =	simm.s32 @!p0 $0x1082;
	s9 =	sld [smem:$0x3FA2]  }
0x2f: {  	lr =	sadd.s32 s0, s3;
	s0 =	sld [smem:$0x3F99]  }
0x30: {  	s3 =	sld [smem:$0x3F9C]  }
0x31: {  	[smem:$0x3FA5] =	sst s10  }
0x32: {  	s10 =	sld [smem:$0x3FA3];
	_ =	sdelay $0x3  }
0x33: {  	p0 =	seq.s32 s10, $0x1;
	s10 =	sld [smem:$0x3FA5];
	_ =	sdelay $0x3  }
0x34: {  	[smem:$0x3FA5] =	sst s10  }
0x35: {  	s10 =	sld [smem:$0x3FA4];
	_ =	sdelay $0x3  }
0x36: {  	p1 =	seq.s32 s10, $0x1;
	s10 =	sld [smem:$0x3FA5];
	_ =	sdelay $0x3  }
0x37: {  	[smem:$0x3FA5] =	sst s10  }
0x38: {  	s10 =	sld [smem:$0x3FA6]  }
0x39: {  	_ = 	snop;
	(pc) =	sbr.ind lr, $3  }
0x3a: {  	_ = 	snop  }
0x3b: {  	_ = 	snop  }
0x3c: {  	p2 =	seq.s32 s10, $0x1;
	s10 =	sld [smem:$0x3FA5]  }
0x3d: {  	_ =	shalt  }
0x3e: {  	_ =	shalt  }
0x3f: {  	_ =	shalt  }
0x40: {  	_ =	shalt  }
0x41: {  	_ =	shalt  }
0x42: {  	_ =	shalt  }
0x43: {  	_ =	shalt  }
0x44: {  	_ =	shalt  }
0x45: {  	_ =	shalt  }
0x46: {  	_ =	shalt  }
0x47: {  	_ =	shalt  }
0x48: {  	_ =	shalt  }
0x49: {  	_ =	shalt  }
0x4a: {  	_ =	shalt  }
0x4b: {  	_ =	shalt  }
0x4c: {  	_ =	shalt  }
0x4d: {  	_ =	shalt  }
0x4e: {  	_ =	shalt  }
0x4f: {  	_ =	shalt  }
0x50: {  	_ =	shalt  }
0x51: {  	_ =	shalt  }
0x52: {  	_ =	shalt  }
0x53: {  	_ =	shalt  }
0x54: {  	_ =	shalt  }
0x55: {  	_ =	shalt  }
0x56: {  	_ =	shalt  }
0x57: {  	_ =	shalt  }
0x58: {  	_ =	shalt  }
0x59: {  	_ =	shalt  }
0x5a: {  	_ =	shalt  }
0x5b: {  	_ =	shalt  }
0x5c: {  	_ =	shalt  }
0x5d: {  	_ =	shalt  }
0x5e: {  	_ =	shalt  }
0x5f: {  	_ =	shalt  }
0x60: {  	_ =	shalt  }
0x61: {  	_ =	shalt  }
0x62: {  	_ =	shalt  }
0x63: {  	_ =	shalt  }
0x64: {  	_ =	shalt  }
0x65: {  	_ =	shalt  }
0x66: {  	_ =	shalt  }
0x67: {  	_ =	shalt  }
0x68: {  	_ =	shalt  }
0x69: {  	_ =	shalt  }
0x6a: {  	_ =	shalt  }
0x6b: {  	_ =	shalt  }
0x6c: {  	_ =	shalt  }
0x6d: {  	_ =	shalt  }
0x6e: {  	_ =	shalt  }
0x6f: {  	_ =	shalt  }
0x70: {  	_ =	shalt  }
0x71: {  	_ =	shalt  }
0x72: {  	_ =	shalt  }
0x73: {  	_ =	shalt  }
0x74: {  	_ =	shalt  }
0x75: {  	_ =	shalt  }
0x76: {  	_ =	shalt  }
0x77: {  	_ =	shalt  }
0x78: {  	_ =	shalt  }
0x79: {  	_ =	shalt  }
0x7a: {  	_ =	shalt  }
0x7b: {  	_ =	shalt  }
0x7c: {  	_ =	shalt  }
0x7d: {  	_ =	shalt  }
0x7e: {  	_ =	shalt  }
0x7f: {  	_ =	shalt  }
0x80: {  	_ =	shalt  }
0x81: {  	_ =	shalt  }
0x82: {  	_ =	shalt  }
0x83: {  	_ =	shalt  }
0x84: {  	_ =	shalt  }
0x85: {  	_ =	shalt  }
0x86: {  	_ =	shalt  }
0x87: {  	_ =	shalt  }
.Lfunc_end0:
.L_simem_size_0:
called_computation.3_lowered:
.L_overlay_start_0:
0x88: {  	s2 =	sld [smem:$0x3FD9]  }
0x89: {  	s3 =	sld [smem:$0x3FFE];
	_ =	sdelay $0x1  }
0x8a: {  	s1 =	srdreg.scid  }
0x8b: {  	s0 =	sand.u32 $0x1, s1  }
0x8c: {  	s17 =	sshll.u32 s0, $0xA;
	s2 =	sadd.s32 s3, s2  }
0x8d: {  	s2 =	sadd.s32 s2, s17  }
0x8e: {  	[smem:$0x3FB1] =	sst s2  }
0x8f: {  	_ = 	snop  }
0x90: {  	(tm) =	ssettm $0x1  }
0x91: {  	s18 =	sld [smem:$0x3FFB];
	_ =	sdelay $0x3  }
0x92: {  	_ =	strace s18  }
0x93: {  	s2 =	sld [smem:$0x3FFC];
	_ =	sdelay $0x3  }
0x94: {  	_ =	strace s2  }
0x95: {  	s2 =	sld [smem:$0x3FFD];
	_ =	sdelay $0x3  }
0x96: {  	_ =	strace s2  }
0x97: {  	_ =	strace $0x8FFFFFFF  }
0x98: {  	s19 =	sld [smem:$0x3FDB];
	_ =	sdelay $0x1  }
0x99: {  	s20 =	simm.s32 $_scs_section_size  }
0x9a: {  	s4 =	simm.s32 $_size__tile_overlayer_lowered;
	s5 =	simm.s32 $_tile_overlayer_lowered  }
0x9b: {  	s6 =	simm.s32 $0x1BFF;
	s21 =	sshll.u32 s5, $0x1;
	s3 =	sadd.s32 s20, s19  }
0x9c: {  	s22 =	simm.s32 $0x0;
	s4 =	sshll.u32 s4, $0x1;
	s5 =	sadd.s32 s21, s3  }
0x9d: {  	[timem:s22], [sflag:s6] =	dma.local [hbm:s5], s4  }
0x9e: {  	_ =	swait.ge [sflag:s6], s4  }
0x9f: {  	s4 =	ssub.s32 $0x0, s4;
	[sflag:s6] =	ssyncset.done $0x0  }
0xa0: {  	[sflag:s6] =	ssyncadd.s32 s4;
	_ =	sdelay $0x1  }
0xa1: {  	s23 =	simm.s32 $0x1B8B  }
0xa2: {  	_ =	swait.ge [sflag:s23], $0x1  }
0xa3: {  	[sflag:s23] =	ssyncset.done $0x0  }
0xa4: {  	[sflag:s23] =	ssyncadd.s32 $0xFFFFFFFF  }
0xa5: {  	s4 =	sld [smem:$0x0]  }
0xa6: {  	s5 =	sand.u32 $0xFFFFFFFE, s1  }
0xa7: {  	p0 =	sne.s32 s1, s5  }
0xa8: {  	s5 =	sshll.u32 @p0 s5, $0xE  }
0xa9: {  	s5 =	sadd.s32 @p0 $0x11B8D, s5;
	s6 =	sshll.u32 @p0 s4, $0x11  }
0xaa: {  	s5 =	sor.u32 @p0 s6, s5  }
0xab: {  	[sflag:s5] =	ssyncadd.remote.s32 @p0 $0x1;
	_ =	sdelay $0x1  }
0xac: {  	s5 =	simm.s32 @p0 $0x1B8D  }
0xad: {  	_ =	swait.eq @p0 [sflag:s5], $0x1  }
0xae: {  	[sflag:s5] =	ssyncadd.s32 @p0 $0xFFFFFFFF  }
0xaf: {  	s6 =	sshll.u32 @!p0 s1, $0xE  }
0xb0: {  	s6 =	sor.u32 @!p0 $0x4000, s6;
	s5 =	simm.s32 @!p0 $0x1B8D  }
0xb1: {  	s4 =	sshll.u32 @!p0 s4, $0x11;
	s6 =	sadd.s32 @!p0 $0x11B8D, s6;
	_ =	swait.eq @!p0 [sflag:s5], $0x1  }
0xb2: {  	s4 =	sor.u32 @!p0 s4, s6;
	[sflag:s5] =	ssyncadd.s32 @!p0 $0xFFFFFFFF  }
0xb3: {  	s25 =	simm.s32 $0x1B8E;
	s24 =	sld [smem:$0x3FFE];
	[sflag:s4] =	ssyncadd.remote.s32 @!p0 $0x1  }
0xb4: {  	s26 =	simm.s32 $execute0_lowered;
	[smem:$0x3FD2] =	sst s25  }
0xb5: {  	s5 =	sshll.u32 s26, $0x1;
	_ =	strace $0x8000004C;
	[dreg:$0x1] =	wrdreg $0xFFFFFFFF  }
0xb6: {  	s28 =	simm.s32 $_size_execute0_lowered;
	s3 =	sadd.s32 s3, s5;
	[dreg:$0x0] =	wrdreg $0x0  }
0xb7: {  	s5 =	sshll.u32 s28, $0x1;
	[dreg:$0x2] =	wrdreg s3  }
0xb8: {  	[dreg:$0x3] =	wrdreg s5  }
0xb9: {  	[dreg:$0x4] =	wrdreg $0xC0  }
0xba: {  	_ =	task [dreg:s22], $0x5FFFF  }
0xbb: {  	[dreg:$0x1] =	wrdreg $0xFFFFFFFF  }
0xbc: {  	[dreg:$0x0] =	wrdreg $0x60  }
0xbd: {  	[dreg:$0x2] =	wrdreg s24  }
0xbe: {  	[dreg:$0x3] =	wrdreg $0xA  }
0xbf: {  	_ =	task.clear_ibuf [dreg:s22], $0x4FFFF;
	_ =	strace $0x9000004C  }
0xc0: {  	s29 =	simm.s32 $0xA;
	_ =	strace $0x8000004E  }
0xc1: {  	_ =	swait.ge [sflag:s29], $0x1  }
0xc2: {  	[sflag:s29] =	ssyncadd.s32 $0xFFFFFFFF  }
0xc3: {  	_ =	strace $0x9000004E  }
0xc4: {  	_ =	sfence  }
0xc5: {  	s30 =	sld [smem:$0x0];
	_ =	sdelay $0x2  }
0xc6: {  	s31 =	sshll.u32 s1, $0xD;
	s1 =	sshrl.u32 s1, $0x2  }
0xc7: {  	s4 =	sand.u32 $0x4000, s31;
	s1 =	sadd.s32 s1, s30  }
0xc8: {  	s0 =	sor.u32 s4, s0;
	s1 =	sshll.u32 s1, $0x11  }
0xc9: {  	s0 =	sor.u32 s1, s0  }
0xca: {  	s0 =	sadd.s32 $0x8F2B, s0  }
0xcb: {  	[sflag:s0] =	ssyncadd.remote.s32 $0x1  }
0xcc: {  	_ =	sfence.sel $0xFFFF  }
0xcd: {  	[dreg:$0x0] =	wrdreg $0xFFFFFFFF;
	(pc) =	sbr.abs _section_cstart, $3  }
0xce: {  	[dreg:$0x1] =	wrdreg $0xFFFFFFFF  }
0xcf: {  	_ =	task.clear_ibuf [dreg:s22], $0x2FFFF;
	_ =	strace $0x9FFFFFFF  }
0xd0: {  	(tm) =	ssettm $0x7FFFFFFF  }
0xd1: {  	_ =	shalt  }
tec
execute0_lowered:
.L_overlay_start_1:
0x0: {  	(tag) =	ssettag $0x1  }
0x1: {  	s4 =	rddreg [dreg:$0x0]  }
0x2: {  	s0 =	rddreg [dreg:$0x1];
	s2 =	simm.s32 $0x0;
	s3 =	srdreg.scid  }
0x3: {  	s1 =	stileid.u32;
	s10 =	simm.s32 $0x0;
	[smem:$0x7FF] =	sst s2  }
0x4: {  	s5 =	sand.u32 $0x1, s3;
	s6 =	sshll.u32 s1, $0xD;
	s3 =	sadd.s32 $0x2C200, s4  }
0x5: {  	s8 =	sshll.u32 s1, $0x10;
	_ =	strace $0x8000004D;
	s7 =	sshll.u32 s5, $0xC  }
0x6: {  	s31 =	ssub.s32 $0x2, s5;
	s8 =	sadd.s32 s8, s4;
	s5 =	sshll.u32 s5, $0xF  }
0x7: {  	s6 =	sor.u32 s7, s6;
	s9 =	sshrl.u32 s31, $0x1;
	s5 =	sadd.s32 s5, s8  }
0x8: {  	s8 =	simm.s32 $0x80;
	s6 =	sshrl.u32 s6, $0x3;
	s7 =	ssub.s32 s31, s9  }
0x9: {  	s5 =	sadd.s32 $0x80600, s5;
	s9 =	simm.s32 $0x1;
	s6 =	sadd.s32 s6, s4  }
0xa: {  	s4 =	smax.u32 s7, $0x1;
	s7 =	simm.s32 $0x2;
	s6 =	sadd.s32 $0x28200, s6  }
.LBB2_1:
0xb: {  	s11 =	sadd.s32 $0x0, s6  }
0xc: {  	[tilespmem:s2], [sflag:$0x2] =	stream.linear.gather [hbm4b:s11+s2], $0x80, $0x38;
	[tilespmem:$0x2080] =	vst v63  }
0xd: {  	_ =	swait.ge [sflag:s7], $0x80  }
0xe: {  	[sflag:s7] =	ssyncset.done $0x0  }
0xf: {  	[sflag:s7] =	ssyncadd.s32 $0xFFFFFF80  }
0x10: {  	[tilespmem:s8], [sflag:$0x1] =	stream.indirect.gather [hbm4b:s3+s8], $0x40, s2, s8, $0xb8;
	[tilespmem:$0x2080] =	vst v63  }
0x11: {  	_ =	swait.ge [sflag:s9], $0x2000  }
0x12: {  	[sflag:s9] =	ssyncset.done $0x0  }
0x13: {  	[sflag:s9] =	ssyncadd.s32 $0xFFFFE000  }
0x14: {  	[hbm4b:s5+s2] =	stream.linear.scatter [tilespmem:s8], [sflag:$0x2], $0x2000, $0x38;
	[tilespmem:$0x2080] =	vst v63  }
0x15: {  	s12 =	simm.s32 $0x10;
	_ =	swait.ge [sflag:s7], $0x2000  }
0x16: {  	s13 =	simm.s32 $0x20;
	s11 =	sadd.s32 $0x400, s5;
	[sflag:s7] =	ssyncset.done $0x0  }
.LBB2_2:
0x17: {  	s14 =	sadd.s32 s12, s6  }
0x18: {  	[sflag:s7] =	ssyncadd.s32 $0xFFFFE000;
	s12 =	smov.u32 s13;
	s15 =	sadd.s32 $0x10, s13  }
0x19: {  	[tilespmem:s2], [sflag:$0x2] =	stream.linear.gather [hbm4b:s14+s2], $0x80, $0x38;
	[tilespmem:$0x2080] =	vst v63  }
0x1a: {  	p0 =	sne.s32 s13, $0x1F0;
	_ =	swait.ge [sflag:s7], $0x80  }
0x1b: {  	[sflag:s7] =	ssyncset.done $0x0  }
0x1c: {  	[sflag:s7] =	ssyncadd.s32 $0xFFFFFF80  }
0x1d: {  	[tilespmem:s8], [sflag:$0x1] =	stream.indirect.gather [hbm4b:s3+s8], $0x40, s2, s8, $0xb8;
	[tilespmem:$0x2080] =	vst v63  }
0x1e: {  	_ =	swait.ge [sflag:s9], $0x2000  }
.Ltmp0:
0x1f: {  	[sflag:s9] =	ssyncset.done $0x0;
	(pc) =	sbr.rel @p0 .LBB2_2-.Ltmp0, $4  }
0x20: {  	[sflag:s9] =	ssyncadd.s32 $0xFFFFE000  }
0x21: {  	[hbm4b:s11+s2] =	stream.linear.scatter [tilespmem:s8], [sflag:$0x2], $0x2000, $0x38;
	[tilespmem:$0x2080] =	vst v63  }
0x22: {  	_ =	swait.ge [sflag:s7], $0x2000  }
0x23: {  	s13 =	smov.u32 s15;
	s11 =	sadd.s32 $0x400, s11;
	[sflag:s7] =	ssyncset.done $0x0  }
0x24: {  	s12 =	sadd.s32 s12, s6;
	[sflag:s7] =	ssyncadd.s32 $0xFFFFE000  }
0x25: {  	[tilespmem:s2], [sflag:$0x2] =	stream.linear.gather [hbm4b:s12+s2], $0x80, $0x38;
	[tilespmem:$0x2080] =	vst v63  }
0x26: {  	_ =	swait.ge [sflag:s7], $0x80  }
0x27: {  	[sflag:s7] =	ssyncset.done $0x0  }
0x28: {  	[sflag:s7] =	ssyncadd.s32 $0xFFFFFF80  }
0x29: {  	[tilespmem:s8], [sflag:$0x1] =	stream.indirect.gather [hbm4b:s3+s8], $0x40, s2, s8, $0xb8;
	[tilespmem:$0x2080] =	vst v63  }
0x2a: {  	s10 =	sadd.s32 $0x1, s10;
	_ =	swait.ge [sflag:s9], $0x2000  }
0x2b: {  	p0 =	sne.s32 s10, s4;
	[sflag:s9] =	ssyncset.done $0x0  }
.Ltmp1:
0x2c: {  	[sflag:s9] =	ssyncadd.s32 $0xFFFFE000;
	(pc) =	sbr.rel @p0 .LBB2_1-.Ltmp1, $4  }
0x2d: {  	[hbm4b:s11+s2] =	stream.linear.scatter [tilespmem:s8], [sflag:$0x2], $0x2000, $0x38;
	[tilespmem:$0x2080] =	vst v63  }
0x2e: {  	_ =	swait.ge [sflag:s7], $0x2000  }
0x2f: {  	[sflag:s7] =	ssyncset.done $0x0  }
0x30: {  	[sflag:s7] =	ssyncadd.s32 $0xFFFFE000  }
0x31: {  	_ =	sfence.sel $0x180000  }
0x32: {  	[bflag:$0x0] =	sbarrier.arrive $0xFFFF  }
0x33: {  	p0 =	sne.s32 s1, $0x0;
	_ =	strace $0x9000004D  }
0x34: {  	s0 =	sadd.s32 @!p0 $0x100000, s0;
	[bflag:$0x2] =	sbarrier.arrive $0xFFFF  }
0x35: {  	[sflag:s0] =	ssyncadd.tile.s32 @!p0 $0x1;
	_ =	shalt  }
.Lfunc_end2:
_tile_overlayer_lowered:
.L_overlay_start_2:
0x36: {  	(tag) =	ssettag $0x2  }
0x37: {  	s0 =	rddreg [dreg:$0x0];
	s2 =	stileid.u32  }
0x38: {  	s1 =	rddreg [dreg:$0x1];
	p0 =	sne.s32 s2, $0x0  }
0x39: {  	s3 =	rddreg [dreg:$0x2];
	[bflag:$0x3] =	sbarrier.arrive $0xFFFF;
	s2 =	simm.s32 @!p0 $0x1C02  }
0x3a: {  	[timem:s3], [sflag:s2] =	dma.local @!p0 [hbm:s0], s1  }
0x3b: {  	s0 =	simm.s32 @!p0 $0x2  }
0x3c: {  	_ =	swait.ge @!p0 [sflag:s0], s1  }
0x3d: {  	s1 =	ssub.s32 @!p0 $0x0, s1;
	[sflag:s0] =	ssyncset.done @!p0 $0x0  }
0x3e: {  	[sflag:s0] =	ssyncadd.s32 @!p0 s1  }
0x3f: {  	[bflag:$0x3] =	sbarrier.arrive $0xFFFF  }
0x40: {  	_ =	shalt  }

// kernel: kernel.29.cloned.1.call-start
scs
__scs_entry_jumppad:
0x0: {  	(pc) =	sbr.rel $0x88, $3  }
0x1: {  	(tag) =	ssettag $0x0;
	lr =	simm.s32 $0x1  }
0x2: {  	[smem:$0x3F8A] =	sst lr;
	_ =	strace $0xD0000000  }
0x3: {  	_ = 	snop  }
0x4: {  	_ = 	snop  }
0x5: {  	_ = 	snop  }
0x6: {  	_ = 	snop  }
0x7: {  	_ = 	snop  }
__scs_overlays_trampoline_lowered:
0x8: {  	[smem:$0x3F99] =	sst s0  }
0x9: {  	[smem:$0x3F9A] =	sst s1  }
0xa: {  	[smem:$0x3F9B] =	sst s2  }
0xb: {  	[smem:$0x3F9C] =	sst s3  }
0xc: {  	[smem:$0x3F9D] =	sst s4  }
0xd: {  	[smem:$0x3F9E] =	sst s5  }
0xe: {  	[smem:$0x3F9F] =	sst s6  }
0xf: {  	[smem:$0x3FA0] =	sst s7  }
0x10: {  	[smem:$0x3FA1] =	sst s8  }
0x11: {  	[smem:$0x3FA2] =	sst s9;
	s0 =	simm.s32 @!p0 $0x0  }
0x12: {  	s1 =	sld [smem:$0x3F88];
	s0 =	simm.s32 @p0 $0x1  }
0x13: {  	[smem:$0x3FA3] =	sst s0;
	s0 =	simm.s32 @!p1 $0x0  }
0x14: {  	s2 =	sld [smem:$0x3F87];
	s0 =	simm.s32 @p1 $0x1  }
0x15: {  	[smem:$0x3FA4] =	sst s0;
	s0 =	simm.s32 @!p2 $0x0  }
0x16: {  	s3 =	sld [smem:$0x3FDB];
	s0 =	simm.s32 @p2 $0x1  }
0x17: {  	s4 =	simm.s32 $0x1BF5;
	[smem:$0x3FA6] =	sst s0  }
0x18: {  	s0 =	sld [smem:$0x3F89];
	_ =	swait.ge [sflag:s4], $0x0  }
0x19: {  	s7 =	sld [smem:$0x3F8A]  }
0x1a: {  	s8 =	sadd.s32 $0xFFFFE003, lr  }
0x1b: {  	s9 =	sadd.s32 $0xFFFFFEF7, lr;
	s5 =	simm.s32 $0xFFFFFFFF;
	p2 =	slt.u32 s8, $0xFFFFF086  }
0x1c: {  	p1 =	slt.u32 s9, $0xF7A;
	s5 =	simm.s32 @!p2 $0x0  }
0x1d: {  	s5 =	simm.s32 @p1 $0x1;
	p0 =	seq.s32 s7, s2  }
0x1e: {  	s7 =	smul.u32 @!p0 $0xF7A, s2;
	p2 =	seq.s32 @!p0 s5, $0x0  }
0x1f: {  	s9 =	smul.u32 $0xF7A, s1;
	s8 =	simm.s32 @!p0 $0x1BF5;
	p2 =	por !p2, p0  }
0x20: {  	[sflag:s8] =	ssyncset.s32 @!p0 $0xFFFFF086;
	s6 =	sadd.s32 @!p0 s3, s7;
	s7 =	simm.s32 @!p0 $0x108  }
0x21: {  	s3 =	sadd.s32 s3, s9;
	s6 =	sadd.s32 @!p0 $0x88, s6;
	s7 =	simm.s32 @p2 $0x1082  }
0x22: {  	[simem:s7], [sflag:s8] =	dma.local @!p0 [hbm:s6], $0xF7A  }
0x23: {  	s9 =	sor.u32 $0xD0000000, s2;
	s6 =	simm.s32 $0x108;
	_ =	swait.ge @!p0 [sflag:s8], $0x0  }
0x24: {  	s3 =	sadd.s32 $0x88, s3;
	s6 =	simm.s32 @!p1 $0x1082;
	[sflag:s4] =	ssyncset.s32 $0xFFFFF086  }
0x25: {  	[simem:s6], [sflag:s4] =	dma.local [hbm:s3], $0xF7A  }
0x26: {  	[smem:$0x3F8A] =	sst s1;
	(tag) =	ssettag s2;
	_ =	strace s9  }
0x27: {  	s1 =	sld [smem:$0x3F9A]  }
0x28: {  	s2 =	sld [smem:$0x3F9B]  }
0x29: {  	s4 =	sld [smem:$0x3F9D]  }
0x2a: {  	p0 =	seq.s32 s5, $0x0;
	s5 =	sld [smem:$0x3F9E]  }
0x2b: {  	s6 =	sld [smem:$0x3F9F]  }
0x2c: {  	s7 =	sld [smem:$0x3FA0]  }
0x2d: {  	s3 =	simm.s32 $0x108;
	s8 =	sld [smem:$0x3FA1]  }
0x2e: {  	s3 =	simm.s32 @!p0 $0x1082;
	s9 =	sld [smem:$0x3FA2]  }
0x2f: {  	lr =	sadd.s32 s0, s3;
	s0 =	sld [smem:$0x3F99]  }
0x30: {  	s3 =	sld [smem:$0x3F9C]  }
0x31: {  	[smem:$0x3FA5] =	sst s10  }
0x32: {  	s10 =	sld [smem:$0x3FA3];
	_ =	sdelay $0x3  }
0x33: {  	p0 =	seq.s32 s10, $0x1;
	s10 =	sld [smem:$0x3FA5];
	_ =	sdelay $0x3  }
0x34: {  	[smem:$0x3FA5] =	sst s10  }
0x35: {  	s10 =	sld [smem:$0x3FA4];
	_ =	sdelay $0x3  }
0x36: {  	p1 =	seq.s32 s10, $0x1;
	s10 =	sld [smem:$0x3FA5];
	_ =	sdelay $0x3  }
0x37: {  	[smem:$0x3FA5] =	sst s10  }
0x38: {  	s10 =	sld [smem:$0x3FA6]  }
0x39: {  	_ = 	snop;
	(pc) =	sbr.ind lr, $3  }
0x3a: {  	_ = 	snop  }
0x3b: {  	_ = 	snop  }
0x3c: {  	p2 =	seq.s32 s10, $0x1;
	s10 =	sld [smem:$0x3FA5]  }
0x3d: {  	_ =	shalt  }
0x3e: {  	_ =	shalt  }
0x3f: {  	_ =	shalt  }
0x40: {  	_ =	shalt  }
0x41: {  	_ =	shalt  }
0x42: {  	_ =	shalt  }
0x43: {  	_ =	shalt  }
0x44: {  	_ =	shalt  }
0x45: {  	_ =	shalt  }
0x46: {  	_ =	shalt  }
0x47: {  	_ =	shalt  }
0x48: {  	_ =	shalt  }
0x49: {  	_ =	shalt  }
0x4a: {  	_ =	shalt  }
0x4b: {  	_ =	shalt  }
0x4c: {  	_ =	shalt  }
0x4d: {  	_ =	shalt  }
0x4e: {  	_ =	shalt  }
0x4f: {  	_ =	shalt  }
0x50: {  	_ =	shalt  }
0x51: {  	_ =	shalt  }
0x52: {  	_ =	shalt  }
0x53: {  	_ =	shalt  }
0x54: {  	_ =	shalt  }
0x55: {  	_ =	shalt  }
0x56: {  	_ =	shalt  }
0x57: {  	_ =	shalt  }
0x58: {  	_ =	shalt  }
0x59: {  	_ =	shalt  }
0x5a: {  	_ =	shalt  }
0x5b: {  	_ =	shalt  }
0x5c: {  	_ =	shalt  }
0x5d: {  	_ =	shalt  }
0x5e: {  	_ =	shalt  }
0x5f: {  	_ =	shalt  }
0x60: {  	_ =	shalt  }
0x61: {  	_ =	shalt  }
0x62: {  	_ =	shalt  }
0x63: {  	_ =	shalt  }
0x64: {  	_ =	shalt  }
0x65: {  	_ =	shalt  }
0x66: {  	_ =	shalt  }
0x67: {  	_ =	shalt  }
0x68: {  	_ =	shalt  }
0x69: {  	_ =	shalt  }
0x6a: {  	_ =	shalt  }
0x6b: {  	_ =	shalt  }
0x6c: {  	_ =	shalt  }
0x6d: {  	_ =	shalt  }
0x6e: {  	_ =	shalt  }
0x6f: {  	_ =	shalt  }
0x70: {  	_ =	shalt  }
0x71: {  	_ =	shalt  }
0x72: {  	_ =	shalt  }
0x73: {  	_ =	shalt  }
0x74: {  	_ =	shalt  }
0x75: {  	_ =	shalt  }
0x76: {  	_ =	shalt  }
0x77: {  	_ =	shalt  }
0x78: {  	_ =	shalt  }
0x79: {  	_ =	shalt  }
0x7a: {  	_ =	shalt  }
0x7b: {  	_ =	shalt  }
0x7c: {  	_ =	shalt  }
0x7d: {  	_ =	shalt  }
0x7e: {  	_ =	shalt  }
0x7f: {  	_ =	shalt  }
0x80: {  	_ =	shalt  }
0x81: {  	_ =	shalt  }
0x82: {  	_ =	shalt  }
0x83: {  	_ =	shalt  }
0x84: {  	_ =	shalt  }
0x85: {  	_ =	shalt  }
0x86: {  	_ =	shalt  }
0x87: {  	_ =	shalt  }
.Lfunc_end0:
.L_simem_size_0:
called_computation.4_lowered:
.L_overlay_start_0:
0x88: {  	s2 =	sld [smem:$0x3FD9]  }
0x89: {  	s3 =	sld [smem:$0x3FFE];
	_ =	sdelay $0x1  }
0x8a: {  	s1 =	srdreg.scid  }
0x8b: {  	s0 =	sand.u32 $0x1, s1  }
0x8c: {  	s17 =	sshll.u32 s0, $0xA;
	s2 =	sadd.s32 s3, s2  }
0x8d: {  	s2 =	sadd.s32 s2, s17  }
0x8e: {  	[smem:$0x3FB1] =	sst s2  }
0x8f: {  	_ = 	snop  }
0x90: {  	(tm) =	ssettm $0x1  }
0x91: {  	s18 =	sld [smem:$0x3FFB];
	_ =	sdelay $0x3  }
0x92: {  	_ =	strace s18  }
0x93: {  	s2 =	sld [smem:$0x3FFC];
	_ =	sdelay $0x3  }
0x94: {  	_ =	strace s2  }
0x95: {  	s2 =	sld [smem:$0x3FFD];
	_ =	sdelay $0x3  }
0x96: {  	_ =	strace s2  }
0x97: {  	_ =	strace $0x8FFFFFFF  }
0x98: {  	s19 =	sld [smem:$0x3FDB];
	_ =	sdelay $0x1  }
0x99: {  	s20 =	simm.s32 $_scs_section_size  }
0x9a: {  	s4 =	simm.s32 $_size__tile_overlayer_lowered;
	s5 =	simm.s32 $_tile_overlayer_lowered  }
0x9b: {  	s6 =	simm.s32 $0x1BFF;
	s21 =	sshll.u32 s5, $0x1;
	s3 =	sadd.s32 s20, s19  }
0x9c: {  	s22 =	simm.s32 $0x0;
	s4 =	sshll.u32 s4, $0x1;
	s5 =	sadd.s32 s21, s3  }
0x9d: {  	[timem:s22], [sflag:s6] =	dma.local [hbm:s5], s4  }
0x9e: {  	_ =	swait.ge [sflag:s6], s4  }
0x9f: {  	s4 =	ssub.s32 $0x0, s4;
	[sflag:s6] =	ssyncset.done $0x0  }
0xa0: {  	[sflag:s6] =	ssyncadd.s32 s4;
	_ =	sdelay $0x1  }
0xa1: {  	s23 =	simm.s32 $0x1B8B  }
0xa2: {  	_ =	swait.ge [sflag:s23], $0x1  }
0xa3: {  	[sflag:s23] =	ssyncset.done $0x0  }
0xa4: {  	[sflag:s23] =	ssyncadd.s32 $0xFFFFFFFF  }
0xa5: {  	s4 =	sld [smem:$0x0]  }
0xa6: {  	s5 =	sand.u32 $0xFFFFFFFE, s1  }
0xa7: {  	p0 =	sne.s32 s1, s5  }
0xa8: {  	s5 =	sshll.u32 @p0 s5, $0xE  }
0xa9: {  	s5 =	sadd.s32 @p0 $0x11B8D, s5;
	s6 =	sshll.u32 @p0 s4, $0x11  }
0xaa: {  	s5 =	sor.u32 @p0 s6, s5  }
0xab: {  	[sflag:s5] =	ssyncadd.remote.s32 @p0 $0x1;
	_ =	sdelay $0x1  }
0xac: {  	s5 =	simm.s32 @p0 $0x1B8D  }
0xad: {  	_ =	swait.eq @p0 [sflag:s5], $0x1  }
0xae: {  	[sflag:s5] =	ssyncadd.s32 @p0 $0xFFFFFFFF  }
0xaf: {  	s6 =	sshll.u32 @!p0 s1, $0xE  }
0xb0: {  	s6 =	sor.u32 @!p0 $0x4000, s6;
	s5 =	simm.s32 @!p0 $0x1B8D  }
0xb1: {  	s4 =	sshll.u32 @!p0 s4, $0x11;
	s6 =	sadd.s32 @!p0 $0x11B8D, s6;
	_ =	swait.eq @!p0 [sflag:s5], $0x1  }
0xb2: {  	s4 =	sor.u32 @!p0 s4, s6;
	[sflag:s5] =	ssyncadd.s32 @!p0 $0xFFFFFFFF  }
0xb3: {  	s25 =	simm.s32 $0x1B8E;
	s24 =	sld [smem:$0x3FFE];
	[sflag:s4] =	ssyncadd.remote.s32 @!p0 $0x1  }
0xb4: {  	s26 =	simm.s32 $execute0_lowered;
	[smem:$0x3FD2] =	sst s25  }
0xb5: {  	s5 =	sshll.u32 s26, $0x1;
	_ =	strace $0x80000055;
	[dreg:$0x1] =	wrdreg $0xFFFFFFFF  }
0xb6: {  	s28 =	simm.s32 $_size_execute0_lowered;
	s3 =	sadd.s32 s3, s5;
	[dreg:$0x0] =	wrdreg $0x0  }
0xb7: {  	s5 =	sshll.u32 s28, $0x1;
	[dreg:$0x2] =	wrdreg s3  }
0xb8: {  	[dreg:$0x3] =	wrdreg s5  }
0xb9: {  	[dreg:$0x4] =	wrdreg $0xC0  }
0xba: {  	_ =	task [dreg:s22], $0x5FFFF  }
0xbb: {  	[dreg:$0x1] =	wrdreg $0xFFFFFFFF  }
0xbc: {  	[dreg:$0x0] =	wrdreg $0x60  }
0xbd: {  	[dreg:$0x2] =	wrdreg s24  }
0xbe: {  	[dreg:$0x3] =	wrdreg $0x9  }
0xbf: {  	_ =	task.clear_ibuf [dreg:s22], $0x4FFFF;
	_ =	strace $0x90000055  }
0xc0: {  	s29 =	simm.s32 $0x9;
	_ =	strace $0x80000057  }
0xc1: {  	_ =	swait.ge [sflag:s29], $0x1  }
0xc2: {  	[sflag:s29] =	ssyncadd.s32 $0xFFFFFFFF  }
0xc3: {  	_ =	strace $0x90000057  }
0xc4: {  	_ =	sfence  }
0xc5: {  	s30 =	sld [smem:$0x0];
	_ =	sdelay $0x2  }
0xc6: {  	s31 =	sshll.u32 s1, $0xD;
	s1 =	sshrl.u32 s1, $0x2  }
0xc7: {  	s4 =	sand.u32 $0x4000, s31;
	s1 =	sadd.s32 s1, s30  }
0xc8: {  	s0 =	sor.u32 s4, s0;
	s1 =	sshll.u32 s1, $0x11  }
0xc9: {  	s0 =	sor.u32 s1, s0  }
0xca: {  	s0 =	sadd.s32 $0x8F2B, s0  }
0xcb: {  	[sflag:s0] =	ssyncadd.remote.s32 $0x1  }
0xcc: {  	_ =	sfence.sel $0xFFFF  }
0xcd: {  	[dreg:$0x0] =	wrdreg $0xFFFFFFFF;
	(pc) =	sbr.abs _section_cstart, $3  }
0xce: {  	[dreg:$0x1] =	wrdreg $0xFFFFFFFF  }
0xcf: {  	_ =	task.clear_ibuf [dreg:s22], $0x2FFFF;
	_ =	strace $0x9FFFFFFF  }
0xd0: {  	(tm) =	ssettm $0x7FFFFFFF  }
0xd1: {  	_ =	shalt  }
tec
execute0_lowered:
.L_overlay_start_1:
0x0: {  	(tag) =	ssettag $0x1  }
0x1: {  	s4 =	rddreg [dreg:$0x0]  }
0x2: {  	s0 =	rddreg [dreg:$0x1];
	s2 =	simm.s32 $0x0;
	s3 =	srdreg.scid  }
0x3: {  	s1 =	stileid.u32;
	s10 =	simm.s32 $0x0;
	[smem:$0x7FF] =	sst s2  }
0x4: {  	s5 =	sand.u32 $0x1, s3;
	s6 =	sshll.u32 s1, $0xD;
	s3 =	sadd.s32 $0x2C200, s4  }
0x5: {  	s8 =	sshll.u32 s1, $0x11;
	_ =	strace $0x80000056;
	s7 =	sshll.u32 s5, $0xC  }
0x6: {  	s31 =	ssub.s32 $0x2, s5;
	s8 =	sadd.s32 s8, s4;
	s5 =	sshll.u32 s5, $0x10  }
0x7: {  	s6 =	sor.u32 s7, s6;
	s9 =	sshrl.u32 s31, $0x1;
	s5 =	sadd.s32 s5, s8  }
0x8: {  	s8 =	simm.s32 $0x80;
	s6 =	sshrl.u32 s6, $0x3;
	s7 =	ssub.s32 s31, s9  }
0x9: {  	s5 =	sadd.s32 $0x90600, s5;
	s9 =	simm.s32 $0x1;
	s6 =	sadd.s32 s6, s4  }
0xa: {  	s4 =	smax.u32 s7, $0x1;
	s7 =	simm.s32 $0x2;
	s6 =	sadd.s32 $0x54600, s6  }
.LBB2_1:
0xb: {  	s11 =	sadd.s32 $0x0, s6  }
0xc: {  	[tilespmem:s2], [sflag:$0x2] =	stream.linear.gather [hbm4b:s11+s2], $0x80, $0x38;
	[tilespmem:$0x4080] =	vst v63  }
0xd: {  	_ =	swait.ge [sflag:s7], $0x80  }
0xe: {  	[sflag:s7] =	ssyncset.done $0x0  }
0xf: {  	[sflag:s7] =	ssyncadd.s32 $0xFFFFFF80  }
0x10: {  	[tilespmem:s8], [sflag:$0x1] =	stream.indirect.gather [hbm4b:s3+s8], $0x80, s2, s8, $0xb8;
	[tilespmem:$0x4080] =	vst v63  }
0x11: {  	_ =	swait.ge [sflag:s9], $0x4000  }
0x12: {  	[sflag:s9] =	ssyncset.done $0x0  }
0x13: {  	[sflag:s9] =	ssyncadd.s32 $0xFFFFC000  }
0x14: {  	[hbm4b:s5+s2] =	stream.linear.scatter [tilespmem:s8], [sflag:$0x2], $0x4000, $0x38;
	[tilespmem:$0x4080] =	vst v63  }
0x15: {  	s12 =	simm.s32 $0x10;
	_ =	swait.ge [sflag:s7], $0x4000  }
0x16: {  	s13 =	simm.s32 $0x20;
	s11 =	sadd.s32 $0x800, s5;
	[sflag:s7] =	ssyncset.done $0x0  }
.LBB2_2:
0x17: {  	s14 =	sadd.s32 s12, s6  }
0x18: {  	[sflag:s7] =	ssyncadd.s32 $0xFFFFC000;
	s12 =	smov.u32 s13;
	s15 =	sadd.s32 $0x10, s13  }
0x19: {  	[tilespmem:s2], [sflag:$0x2] =	stream.linear.gather [hbm4b:s14+s2], $0x80, $0x38;
	[tilespmem:$0x4080] =	vst v63  }
0x1a: {  	p0 =	sne.s32 s13, $0x1F0;
	_ =	swait.ge [sflag:s7], $0x80  }
0x1b: {  	[sflag:s7] =	ssyncset.done $0x0  }
0x1c: {  	[sflag:s7] =	ssyncadd.s32 $0xFFFFFF80  }
0x1d: {  	[tilespmem:s8], [sflag:$0x1] =	stream.indirect.gather [hbm4b:s3+s8], $0x80, s2, s8, $0xb8;
	[tilespmem:$0x4080] =	vst v63  }
0x1e: {  	_ =	swait.ge [sflag:s9], $0x4000  }
.Ltmp0:
0x1f: {  	[sflag:s9] =	ssyncset.done $0x0;
	(pc) =	sbr.rel @p0 .LBB2_2-.Ltmp0, $4  }
0x20: {  	[sflag:s9] =	ssyncadd.s32 $0xFFFFC000  }
0x21: {  	[hbm4b:s11+s2] =	stream.linear.scatter [tilespmem:s8], [sflag:$0x2], $0x4000, $0x38;
	[tilespmem:$0x4080] =	vst v63  }
0x22: {  	_ =	swait.ge [sflag:s7], $0x4000  }
0x23: {  	s13 =	smov.u32 s15;
	s11 =	sadd.s32 $0x800, s11;
	[sflag:s7] =	ssyncset.done $0x0  }
0x24: {  	s12 =	sadd.s32 s12, s6;
	[sflag:s7] =	ssyncadd.s32 $0xFFFFC000  }
0x25: {  	[tilespmem:s2], [sflag:$0x2] =	stream.linear.gather [hbm4b:s12+s2], $0x80, $0x38;
	[tilespmem:$0x4080] =	vst v63  }
0x26: {  	_ =	swait.ge [sflag:s7], $0x80  }
0x27: {  	[sflag:s7] =	ssyncset.done $0x0  }
0x28: {  	[sflag:s7] =	ssyncadd.s32 $0xFFFFFF80  }
0x29: {  	[tilespmem:s8], [sflag:$0x1] =	stream.indirect.gather [hbm4b:s3+s8], $0x80, s2, s8, $0xb8;
	[tilespmem:$0x4080] =	vst v63  }
0x2a: {  	s10 =	sadd.s32 $0x1, s10;
	_ =	swait.ge [sflag:s9], $0x4000  }
0x2b: {  	p0 =	sne.s32 s10, s4;
	[sflag:s9] =	ssyncset.done $0x0  }
.Ltmp1:
0x2c: {  	[sflag:s9] =	ssyncadd.s32 $0xFFFFC000;
	(pc) =	sbr.rel @p0 .LBB2_1-.Ltmp1, $4  }
0x2d: {  	[hbm4b:s11+s2] =	stream.linear.scatter [tilespmem:s8], [sflag:$0x2], $0x4000, $0x38;
	[tilespmem:$0x4080] =	vst v63  }
0x2e: {  	_ =	swait.ge [sflag:s7], $0x4000  }
0x2f: {  	[sflag:s7] =	ssyncset.done $0x0  }
0x30: {  	[sflag:s7] =	ssyncadd.s32 $0xFFFFC000  }
0x31: {  	_ =	sfence.sel $0x180000  }
0x32: {  	[bflag:$0x0] =	sbarrier.arrive $0xFFFF  }
0x33: {  	p0 =	sne.s32 s1, $0x0;
	_ =	strace $0x90000056  }
0x34: {  	s0 =	sadd.s32 @!p0 $0x100000, s0;
	[bflag:$0x2] =	sbarrier.arrive $0xFFFF  }
0x35: {  	[sflag:s0] =	ssyncadd.tile.s32 @!p0 $0x1;
	_ =	shalt  }
.Lfunc_end2:
_tile_overlayer_lowered:
.L_overlay_start_2:
0x36: {  	(tag) =	ssettag $0x2  }
0x37: {  	s0 =	rddreg [dreg:$0x0];
	s2 =	stileid.u32  }
0x38: {  	s1 =	rddreg [dreg:$0x1];
	p0 =	sne.s32 s2, $0x0  }
0x39: {  	s3 =	rddreg [dreg:$0x2];
	[bflag:$0x3] =	sbarrier.arrive $0xFFFF;
	s2 =	simm.s32 @!p0 $0x1C02  }
0x3a: {  	[timem:s3], [sflag:s2] =	dma.local @!p0 [hbm:s0], s1  }
0x3b: {  	s0 =	simm.s32 @!p0 $0x2  }
0x3c: {  	_ =	swait.ge @!p0 [sflag:s0], s1  }
0x3d: {  	s1 =	ssub.s32 @!p0 $0x0, s1;
	[sflag:s0] =	ssyncset.done @!p0 $0x0  }
0x3e: {  	[sflag:s0] =	ssyncadd.s32 @!p0 s1  }
0x3f: {  	[bflag:$0x3] =	sbarrier.arrive $0xFFFF  }
0x40: {  	_ =	shalt  }

// kernel: kernel.32.cloned.1.call-start
scs
__scs_entry_jumppad:
0x0: {  	(pc) =	sbr.rel $0x88, $3  }
0x1: {  	(tag) =	ssettag $0x0;
	lr =	simm.s32 $0x1  }
0x2: {  	[smem:$0x3F8A] =	sst lr;
	_ =	strace $0xD0000000  }
0x3: {  	_ = 	snop  }
0x4: {  	_ = 	snop  }
0x5: {  	_ = 	snop  }
0x6: {  	_ = 	snop  }
0x7: {  	_ = 	snop  }
__scs_overlays_trampoline_lowered:
0x8: {  	[smem:$0x3F99] =	sst s0  }
0x9: {  	[smem:$0x3F9A] =	sst s1  }
0xa: {  	[smem:$0x3F9B] =	sst s2  }
0xb: {  	[smem:$0x3F9C] =	sst s3  }
0xc: {  	[smem:$0x3F9D] =	sst s4  }
0xd: {  	[smem:$0x3F9E] =	sst s5  }
0xe: {  	[smem:$0x3F9F] =	sst s6  }
0xf: {  	[smem:$0x3FA0] =	sst s7  }
0x10: {  	[smem:$0x3FA1] =	sst s8  }
0x11: {  	[smem:$0x3FA2] =	sst s9;
	s0 =	simm.s32 @!p0 $0x0  }
0x12: {  	s1 =	sld [smem:$0x3F88];
	s0 =	simm.s32 @p0 $0x1  }
0x13: {  	[smem:$0x3FA3] =	sst s0;
	s0 =	simm.s32 @!p1 $0x0  }
0x14: {  	s2 =	sld [smem:$0x3F87];
	s0 =	simm.s32 @p1 $0x1  }
0x15: {  	[smem:$0x3FA4] =	sst s0;
	s0 =	simm.s32 @!p2 $0x0  }
0x16: {  	s3 =	sld [smem:$0x3FDB];
	s0 =	simm.s32 @p2 $0x1  }
0x17: {  	s4 =	simm.s32 $0x1BF5;
	[smem:$0x3FA6] =	sst s0  }
0x18: {  	s0 =	sld [smem:$0x3F89];
	_ =	swait.ge [sflag:s4], $0x0  }
0x19: {  	s7 =	sld [smem:$0x3F8A]  }
0x1a: {  	s8 =	sadd.s32 $0xFFFFE003, lr  }
0x1b: {  	s9 =	sadd.s32 $0xFFFFFEF7, lr;
	s5 =	simm.s32 $0xFFFFFFFF;
	p2 =	slt.u32 s8, $0xFFFFF086  }
0x1c: {  	p1 =	slt.u32 s9, $0xF7A;
	s5 =	simm.s32 @!p2 $0x0  }
0x1d: {  	s5 =	simm.s32 @p1 $0x1;
	p0 =	seq.s32 s7, s2  }
0x1e: {  	s7 =	smul.u32 @!p0 $0xF7A, s2;
	p2 =	seq.s32 @!p0 s5, $0x0  }
0x1f: {  	s9 =	smul.u32 $0xF7A, s1;
	s8 =	simm.s32 @!p0 $0x1BF5;
	p2 =	por !p2, p0  }
0x20: {  	[sflag:s8] =	ssyncset.s32 @!p0 $0xFFFFF086;
	s6 =	sadd.s32 @!p0 s3, s7;
	s7 =	simm.s32 @!p0 $0x108  }
0x21: {  	s3 =	sadd.s32 s3, s9;
	s6 =	sadd.s32 @!p0 $0x88, s6;
	s7 =	simm.s32 @p2 $0x1082  }
0x22: {  	[simem:s7], [sflag:s8] =	dma.local @!p0 [hbm:s6], $0xF7A  }
0x23: {  	s9 =	sor.u32 $0xD0000000, s2;
	s6 =	simm.s32 $0x108;
	_ =	swait.ge @!p0 [sflag:s8], $0x0  }
0x24: {  	s3 =	sadd.s32 $0x88, s3;
	s6 =	simm.s32 @!p1 $0x1082;
	[sflag:s4] =	ssyncset.s32 $0xFFFFF086  }
0x25: {  	[simem:s6], [sflag:s4] =	dma.local [hbm:s3], $0xF7A  }
0x26: {  	[smem:$0x3F8A] =	sst s1;
	(tag) =	ssettag s2;
	_ =	strace s9  }
0x27: {  	s1 =	sld [smem:$0x3F9A]  }
0x28: {  	s2 =	sld [smem:$0x3F9B]  }
0x29: {  	s4 =	sld [smem:$0x3F9D]  }
0x2a: {  	p0 =	seq.s32 s5, $0x0;
	s5 =	sld [smem:$0x3F9E]  }
0x2b: {  	s6 =	sld [smem:$0x3F9F]  }
0x2c: {  	s7 =	sld [smem:$0x3FA0]  }
0x2d: {  	s3 =	simm.s32 $0x108;
	s8 =	sld [smem:$0x3FA1]  }
0x2e: {  	s3 =	simm.s32 @!p0 $0x1082;
	s9 =	sld [smem:$0x3FA2]  }
0x2f: {  	lr =	sadd.s32 s0, s3;
	s0 =	sld [smem:$0x3F99]  }
0x30: {  	s3 =	sld [smem:$0x3F9C]  }
0x31: {  	[smem:$0x3FA5] =	sst s10  }
0x32: {  	s10 =	sld [smem:$0x3FA3];
	_ =	sdelay $0x3  }
0x33: {  	p0 =	seq.s32 s10, $0x1;
	s10 =	sld [smem:$0x3FA5];
	_ =	sdelay $0x3  }
0x34: {  	[smem:$0x3FA5] =	sst s10  }
0x35: {  	s10 =	sld [smem:$0x3FA4];
	_ =	sdelay $0x3  }
0x36: {  	p1 =	seq.s32 s10, $0x1;
	s10 =	sld [smem:$0x3FA5];
	_ =	sdelay $0x3  }
0x37: {  	[smem:$0x3FA5] =	sst s10  }
0x38: {  	s10 =	sld [smem:$0x3FA6]  }
0x39: {  	_ = 	snop;
	(pc) =	sbr.ind lr, $3  }
0x3a: {  	_ = 	snop  }
0x3b: {  	_ = 	snop  }
0x3c: {  	p2 =	seq.s32 s10, $0x1;
	s10 =	sld [smem:$0x3FA5]  }
0x3d: {  	_ =	shalt  }
0x3e: {  	_ =	shalt  }
0x3f: {  	_ =	shalt  }
0x40: {  	_ =	shalt  }
0x41: {  	_ =	shalt  }
0x42: {  	_ =	shalt  }
0x43: {  	_ =	shalt  }
0x44: {  	_ =	shalt  }
0x45: {  	_ =	shalt  }
0x46: {  	_ =	shalt  }
0x47: {  	_ =	shalt  }
0x48: {  	_ =	shalt  }
0x49: {  	_ =	shalt  }
0x4a: {  	_ =	shalt  }
0x4b: {  	_ =	shalt  }
0x4c: {  	_ =	shalt  }
0x4d: {  	_ =	shalt  }
0x4e: {  	_ =	shalt  }
0x4f: {  	_ =	shalt  }
0x50: {  	_ =	shalt  }
0x51: {  	_ =	shalt  }
0x52: {  	_ =	shalt  }
0x53: {  	_ =	shalt  }
0x54: {  	_ =	shalt  }
0x55: {  	_ =	shalt  }
0x56: {  	_ =	shalt  }
0x57: {  	_ =	shalt  }
0x58: {  	_ =	shalt  }
0x59: {  	_ =	shalt  }
0x5a: {  	_ =	shalt  }
0x5b: {  	_ =	shalt  }
0x5c: {  	_ =	shalt  }
0x5d: {  	_ =	shalt  }
0x5e: {  	_ =	shalt  }
0x5f: {  	_ =	shalt  }
0x60: {  	_ =	shalt  }
0x61: {  	_ =	shalt  }
0x62: {  	_ =	shalt  }
0x63: {  	_ =	shalt  }
0x64: {  	_ =	shalt  }
0x65: {  	_ =	shalt  }
0x66: {  	_ =	shalt  }
0x67: {  	_ =	shalt  }
0x68: {  	_ =	shalt  }
0x69: {  	_ =	shalt  }
0x6a: {  	_ =	shalt  }
0x6b: {  	_ =	shalt  }
0x6c: {  	_ =	shalt  }
0x6d: {  	_ =	shalt  }
0x6e: {  	_ =	shalt  }
0x6f: {  	_ =	shalt  }
0x70: {  	_ =	shalt  }
0x71: {  	_ =	shalt  }
0x72: {  	_ =	shalt  }
0x73: {  	_ =	shalt  }
0x74: {  	_ =	shalt  }
0x75: {  	_ =	shalt  }
0x76: {  	_ =	shalt  }
0x77: {  	_ =	shalt  }
0x78: {  	_ =	shalt  }
0x79: {  	_ =	shalt  }
0x7a: {  	_ =	shalt  }
0x7b: {  	_ =	shalt  }
0x7c: {  	_ =	shalt  }
0x7d: {  	_ =	shalt  }
0x7e: {  	_ =	shalt  }
0x7f: {  	_ =	shalt  }
0x80: {  	_ =	shalt  }
0x81: {  	_ =	shalt  }
0x82: {  	_ =	shalt  }
0x83: {  	_ =	shalt  }
0x84: {  	_ =	shalt  }
0x85: {  	_ =	shalt  }
0x86: {  	_ =	shalt  }
0x87: {  	_ =	shalt  }
.Lfunc_end0:
.L_simem_size_0:
called_computation.5_lowered:
.L_overlay_start_0:
0x88: {  	s2 =	sld [smem:$0x3FD9]  }
0x89: {  	s3 =	sld [smem:$0x3FFE];
	_ =	sdelay $0x1  }
0x8a: {  	s1 =	srdreg.scid  }
0x8b: {  	s0 =	sand.u32 $0x1, s1  }
0x8c: {  	s17 =	sshll.u32 s0, $0xA;
	s2 =	sadd.s32 s3, s2  }
0x8d: {  	s2 =	sadd.s32 s2, s17  }
0x8e: {  	[smem:$0x3FB1] =	sst s2  }
0x8f: {  	_ = 	snop  }
0x90: {  	(tm) =	ssettm $0x1  }
0x91: {  	s18 =	sld [smem:$0x3FFB];
	_ =	sdelay $0x3  }
0x92: {  	_ =	strace s18  }
0x93: {  	s2 =	sld [smem:$0x3FFC];
	_ =	sdelay $0x3  }
0x94: {  	_ =	strace s2  }
0x95: {  	s2 =	sld [smem:$0x3FFD];
	_ =	sdelay $0x3  }
0x96: {  	_ =	strace s2  }
0x97: {  	_ =	strace $0x8FFFFFFF  }
0x98: {  	s19 =	sld [smem:$0x3FDB];
	_ =	sdelay $0x1  }
0x99: {  	s20 =	simm.s32 $_scs_section_size  }
0x9a: {  	s4 =	simm.s32 $_size__tile_overlayer_lowered;
	s5 =	simm.s32 $_tile_overlayer_lowered  }
0x9b: {  	s6 =	simm.s32 $0x1BFF;
	s21 =	sshll.u32 s5, $0x1;
	s3 =	sadd.s32 s20, s19  }
0x9c: {  	s22 =	simm.s32 $0x0;
	s4 =	sshll.u32 s4, $0x1;
	s5 =	sadd.s32 s21, s3  }
0x9d: {  	[timem:s22], [sflag:s6] =	dma.local [hbm:s5], s4  }
0x9e: {  	_ =	swait.ge [sflag:s6], s4  }
0x9f: {  	s4 =	ssub.s32 $0x0, s4;
	[sflag:s6] =	ssyncset.done $0x0  }
0xa0: {  	[sflag:s6] =	ssyncadd.s32 s4;
	_ =	sdelay $0x1  }
0xa1: {  	s23 =	simm.s32 $0x1B8B  }
0xa2: {  	_ =	swait.ge [sflag:s23], $0x1  }
0xa3: {  	[sflag:s23] =	ssyncset.done $0x0  }
0xa4: {  	[sflag:s23] =	ssyncadd.s32 $0xFFFFFFFF  }
0xa5: {  	s4 =	sld [smem:$0x0]  }
0xa6: {  	s5 =	sand.u32 $0xFFFFFFFE, s1  }
0xa7: {  	p0 =	sne.s32 s1, s5  }
0xa8: {  	s5 =	sshll.u32 @p0 s5, $0xE  }
0xa9: {  	s5 =	sadd.s32 @p0 $0x11B8D, s5;
	s6 =	sshll.u32 @p0 s4, $0x11  }
0xaa: {  	s5 =	sor.u32 @p0 s6, s5  }
0xab: {  	[sflag:s5] =	ssyncadd.remote.s32 @p0 $0x1;
	_ =	sdelay $0x1  }
0xac: {  	s5 =	simm.s32 @p0 $0x1B8D  }
0xad: {  	_ =	swait.eq @p0 [sflag:s5], $0x1  }
0xae: {  	[sflag:s5] =	ssyncadd.s32 @p0 $0xFFFFFFFF  }
0xaf: {  	s6 =	sshll.u32 @!p0 s1, $0xE  }
0xb0: {  	s6 =	sor.u32 @!p0 $0x4000, s6;
	s5 =	simm.s32 @!p0 $0x1B8D  }
0xb1: {  	s4 =	sshll.u32 @!p0 s4, $0x11;
	s6 =	sadd.s32 @!p0 $0x11B8D, s6;
	_ =	swait.eq @!p0 [sflag:s5], $0x1  }
0xb2: {  	s4 =	sor.u32 @!p0 s4, s6;
	[sflag:s5] =	ssyncadd.s32 @!p0 $0xFFFFFFFF  }
0xb3: {  	s25 =	simm.s32 $0x1B8E;
	s24 =	sld [smem:$0x3FFE];
	[sflag:s4] =	ssyncadd.remote.s32 @!p0 $0x1  }
0xb4: {  	s26 =	simm.s32 $execute0_lowered;
	[smem:$0x3FD2] =	sst s25  }
0xb5: {  	s5 =	sshll.u32 s26, $0x1;
	_ =	strace $0x80000052;
	[dreg:$0x1] =	wrdreg $0xFFFFFFFF  }
0xb6: {  	s28 =	simm.s32 $_size_execute0_lowered;
	s3 =	sadd.s32 s3, s5;
	[dreg:$0x0] =	wrdreg $0x0  }
0xb7: {  	s5 =	sshll.u32 s28, $0x1;
	[dreg:$0x2] =	wrdreg s3  }
0xb8: {  	[dreg:$0x3] =	wrdreg s5  }
0xb9: {  	[dreg:$0x4] =	wrdreg $0xC0  }
0xba: {  	_ =	task [dreg:s22], $0x5FFFF  }
0xbb: {  	[dreg:$0x1] =	wrdreg $0xFFFFFFFF  }
0xbc: {  	[dreg:$0x0] =	wrdreg $0x60  }
0xbd: {  	[dreg:$0x2] =	wrdreg s24  }
0xbe: {  	[dreg:$0x3] =	wrdreg $0xA  }
0xbf: {  	_ =	task.clear_ibuf [dreg:s22], $0x4FFFF;
	_ =	strace $0x90000052  }
0xc0: {  	s29 =	simm.s32 $0xA;
	_ =	strace $0x80000054  }
0xc1: {  	_ =	swait.ge [sflag:s29], $0x1  }
0xc2: {  	[sflag:s29] =	ssyncadd.s32 $0xFFFFFFFF  }
0xc3: {  	_ =	strace $0x90000054  }
0xc4: {  	_ =	sfence  }
0xc5: {  	s30 =	sld [smem:$0x0];
	_ =	sdelay $0x2  }
0xc6: {  	s31 =	sshll.u32 s1, $0xD;
	s1 =	sshrl.u32 s1, $0x2  }
0xc7: {  	s4 =	sand.u32 $0x4000, s31;
	s1 =	sadd.s32 s1, s30  }
0xc8: {  	s0 =	sor.u32 s4, s0;
	s1 =	sshll.u32 s1, $0x11  }
0xc9: {  	s0 =	sor.u32 s1, s0  }
0xca: {  	s0 =	sadd.s32 $0x8F2B, s0  }
0xcb: {  	[sflag:s0] =	ssyncadd.remote.s32 $0x1  }
0xcc: {  	_ =	sfence.sel $0xFFFF  }
0xcd: {  	[dreg:$0x0] =	wrdreg $0xFFFFFFFF;
	(pc) =	sbr.abs _section_cstart, $3  }
0xce: {  	[dreg:$0x1] =	wrdreg $0xFFFFFFFF  }
0xcf: {  	_ =	task.clear_ibuf [dreg:s22], $0x2FFFF;
	_ =	strace $0x9FFFFFFF  }
0xd0: {  	(tm) =	ssettm $0x7FFFFFFF  }
0xd1: {  	_ =	shalt  }
tec
execute0_lowered:
.L_overlay_start_1:
0x0: {  	(tag) =	ssettag $0x1  }
0x1: {  	s4 =	rddreg [dreg:$0x0]  }
0x2: {  	s0 =	rddreg [dreg:$0x1];
	s2 =	simm.s32 $0x0;
	s3 =	srdreg.scid  }
0x3: {  	s1 =	stileid.u32;
	s10 =	simm.s32 $0x0;
	[smem:$0x7FF] =	sst s2  }
0x4: {  	s5 =	sand.u32 $0x1, s3;
	s6 =	sshll.u32 s1, $0xD;
	s3 =	sadd.s32 $0x80600, s4  }
0x5: {  	s8 =	sshll.u32 s1, $0x11;
	_ =	strace $0x80000053;
	s7 =	sshll.u32 s5, $0xC  }
0x6: {  	s31 =	ssub.s32 $0x2, s5;
	s8 =	sadd.s32 s8, s4;
	s5 =	sshll.u32 s5, $0x10  }
0x7: {  	s6 =	sor.u32 s7, s6;
	s9 =	sshrl.u32 s31, $0x1;
	s5 =	sadd.s32 s5, s8  }
0x8: {  	s8 =	simm.s32 $0x80;
	s6 =	sshrl.u32 s6, $0x3;
	s7 =	ssub.s32 s31, s9  }
0x9: {  	s5 =	sadd.s32 $0x2A0600, s5;
	s9 =	simm.s32 $0x1;
	s6 =	sadd.s32 s6, s4  }
0xa: {  	s4 =	smax.u32 s7, $0x1;
	s7 =	simm.s32 $0x2;
	s6 =	sadd.s32 $0x28200, s6  }
.LBB2_1:
0xb: {  	s11 =	sadd.s32 $0x0, s6  }
0xc: {  	[tilespmem:s2], [sflag:$0x2] =	stream.linear.gather [hbm4b:s11+s2], $0x80, $0x38;
	[tilespmem:$0x4080] =	vst v63  }
0xd: {  	_ =	swait.ge [sflag:s7], $0x80  }
0xe: {  	[sflag:s7] =	ssyncset.done $0x0  }
0xf: {  	[sflag:s7] =	ssyncadd.s32 $0xFFFFFF80  }
0x10: {  	[tilespmem:s8], [sflag:$0x1] =	stream.indirect.gather [hbm4b:s3+s8], $0x80, s2, s8, $0xb8;
	[tilespmem:$0x4080] =	vst v63  }
0x11: {  	_ =	swait.ge [sflag:s9], $0x4000  }
0x12: {  	[sflag:s9] =	ssyncset.done $0x0  }
0x13: {  	[sflag:s9] =	ssyncadd.s32 $0xFFFFC000  }
0x14: {  	[hbm4b:s5+s2] =	stream.linear.scatter [tilespmem:s8], [sflag:$0x2], $0x4000, $0x38;
	[tilespmem:$0x4080] =	vst v63  }
0x15: {  	s12 =	simm.s32 $0x10;
	_ =	swait.ge [sflag:s7], $0x4000  }
0x16: {  	s13 =	simm.s32 $0x20;
	s11 =	sadd.s32 $0x800, s5;
	[sflag:s7] =	ssyncset.done $0x0  }
.LBB2_2:
0x17: {  	s14 =	sadd.s32 s12, s6  }
0x18: {  	[sflag:s7] =	ssyncadd.s32 $0xFFFFC000;
	s12 =	smov.u32 s13;
	s15 =	sadd.s32 $0x10, s13  }
0x19: {  	[tilespmem:s2], [sflag:$0x2] =	stream.linear.gather [hbm4b:s14+s2], $0x80, $0x38;
	[tilespmem:$0x4080] =	vst v63  }
0x1a: {  	p0 =	sne.s32 s13, $0x1F0;
	_ =	swait.ge [sflag:s7], $0x80  }
0x1b: {  	[sflag:s7] =	ssyncset.done $0x0  }
0x1c: {  	[sflag:s7] =	ssyncadd.s32 $0xFFFFFF80  }
0x1d: {  	[tilespmem:s8], [sflag:$0x1] =	stream.indirect.gather [hbm4b:s3+s8], $0x80, s2, s8, $0xb8;
	[tilespmem:$0x4080] =	vst v63  }
0x1e: {  	_ =	swait.ge [sflag:s9], $0x4000  }
.Ltmp0:
0x1f: {  	[sflag:s9] =	ssyncset.done $0x0;
	(pc) =	sbr.rel @p0 .LBB2_2-.Ltmp0, $4  }
0x20: {  	[sflag:s9] =	ssyncadd.s32 $0xFFFFC000  }
0x21: {  	[hbm4b:s11+s2] =	stream.linear.scatter [tilespmem:s8], [sflag:$0x2], $0x4000, $0x38;
	[tilespmem:$0x4080] =	vst v63  }
0x22: {  	_ =	swait.ge [sflag:s7], $0x4000  }
0x23: {  	s13 =	smov.u32 s15;
	s11 =	sadd.s32 $0x800, s11;
	[sflag:s7] =	ssyncset.done $0x0  }
0x24: {  	s12 =	sadd.s32 s12, s6;
	[sflag:s7] =	ssyncadd.s32 $0xFFFFC000  }
0x25: {  	[tilespmem:s2], [sflag:$0x2] =	stream.linear.gather [hbm4b:s12+s2], $0x80, $0x38;
	[tilespmem:$0x4080] =	vst v63  }
0x26: {  	_ =	swait.ge [sflag:s7], $0x80  }
0x27: {  	[sflag:s7] =	ssyncset.done $0x0  }
0x28: {  	[sflag:s7] =	ssyncadd.s32 $0xFFFFFF80  }
0x29: {  	[tilespmem:s8], [sflag:$0x1] =	stream.indirect.gather [hbm4b:s3+s8], $0x80, s2, s8, $0xb8;
	[tilespmem:$0x4080] =	vst v63  }
0x2a: {  	s10 =	sadd.s32 $0x1, s10;
	_ =	swait.ge [sflag:s9], $0x4000  }
0x2b: {  	p0 =	sne.s32 s10, s4;
	[sflag:s9] =	ssyncset.done $0x0  }
.Ltmp1:
0x2c: {  	[sflag:s9] =	ssyncadd.s32 $0xFFFFC000;
	(pc) =	sbr.rel @p0 .LBB2_1-.Ltmp1, $4  }
0x2d: {  	[hbm4b:s11+s2] =	stream.linear.scatter [tilespmem:s8], [sflag:$0x2], $0x4000, $0x38;
	[tilespmem:$0x4080] =	vst v63  }
0x2e: {  	_ =	swait.ge [sflag:s7], $0x4000  }
0x2f: {  	[sflag:s7] =	ssyncset.done $0x0  }
0x30: {  	[sflag:s7] =	ssyncadd.s32 $0xFFFFC000  }
0x31: {  	_ =	sfence.sel $0x180000  }
0x32: {  	[bflag:$0x0] =	sbarrier.arrive $0xFFFF  }
0x33: {  	p0 =	sne.s32 s1, $0x0;
	_ =	strace $0x90000053  }
0x34: {  	s0 =	sadd.s32 @!p0 $0x100000, s0;
	[bflag:$0x2] =	sbarrier.arrive $0xFFFF  }
0x35: {  	[sflag:s0] =	ssyncadd.tile.s32 @!p0 $0x1;
	_ =	shalt  }
.Lfunc_end2:
_tile_overlayer_lowered:
.L_overlay_start_2:
0x36: {  	(tag) =	ssettag $0x2  }
0x37: {  	s0 =	rddreg [dreg:$0x0];
	s2 =	stileid.u32  }
0x38: {  	s1 =	rddreg [dreg:$0x1];
	p0 =	sne.s32 s2, $0x0  }
0x39: {  	s3 =	rddreg [dreg:$0x2];
	[bflag:$0x3] =	sbarrier.arrive $0xFFFF;
	s2 =	simm.s32 @!p0 $0x1C02  }
0x3a: {  	[timem:s3], [sflag:s2] =	dma.local @!p0 [hbm:s0], s1  }
0x3b: {  	s0 =	simm.s32 @!p0 $0x2  }
0x3c: {  	_ =	swait.ge @!p0 [sflag:s0], s1  }
0x3d: {  	s1 =	ssub.s32 @!p0 $0x0, s1;
	[sflag:s0] =	ssyncset.done @!p0 $0x0  }
0x3e: {  	[sflag:s0] =	ssyncadd.s32 @!p0 s1  }
0x3f: {  	[bflag:$0x3] =	sbarrier.arrive $0xFFFF  }
0x40: {  	_ =	shalt  }

</sc_bundles>
